<compile_context>
chip_gen: v7x
topology: tpu7x:2x2x1
jax: 0.10.2.dev20260603
libtpu: 0.0.44.dev20260713+nightly
codegen_flags: <defaults>
</compile_context>

<pallas_src>
import functools

import jax
import jax.numpy as jnp
from jax import lax
from jax.experimental import pallas as pl
from jax.experimental.pallas import tpu as pltpu
from jax.experimental.pallas import tpu_sc as plsc

N_NODES = 10000
N_EDGES = 320000
D = 128
NP_NODES = 10240
NW = 32
EPT = N_EDGES // NW
EBK = 200
EBG = 80
NPT = NP_NODES // NW

_mesh = plsc.VectorSubcoreMesh(core_axis_name="c", subcore_axis_name="s")
_sc_params = pltpu.CompilerParams(needs_layout_passes=False)


def _wid():
    return lax.axis_index("s") * 2 + lax.axis_index("c")


def _lanes16(v, dtype=jnp.int32):
    return jnp.full((16,), v, dtype)



def _mm_body(a_ref, w_ref, b_ref, o_ref, *, relu):
    h = jnp.dot(a_ref[:], w_ref[:], preferred_element_type=jnp.float32)
    h = h + b_ref[:]
    if relu:
        h = jnp.maximum(h, 0.0)
    o_ref[:] = h


def _pick_bm(m):
    for bm in (2048, 2000, 1024, 1000, 512, 500, 256, 200, 128, 64, 16, 8):
        if m % bm == 0:
            return bm
    return m


def _mm(a, w, b, relu=False):
    m, k = a.shape
    n = w.shape[1]
    bm = _pick_bm(m)
    return pl.pallas_call(
        functools.partial(_mm_body, relu=relu),
        grid=(m // bm,),
        in_specs=[
            pl.BlockSpec((bm, k), lambda i: (i, 0)),
            pl.BlockSpec((k, n), lambda i: (0, 0)),
            pl.BlockSpec((1, n), lambda i: (0, 0)),
        ],
        out_specs=pl.BlockSpec((bm, n), lambda i: (i, 0)),
        out_shape=jax.ShapeDtypeStruct((m, n), jnp.float32),
    )(a, w, b.reshape(1, n))



@functools.partial(
    pl.kernel, mesh=_mesh, compiler_params=_sc_params,
    out_type=[jax.ShapeDtypeStruct((N_EDGES, D), jnp.float32),
              jax.ShapeDtypeStruct((N_EDGES, D), jnp.float32)],
    scratch_types=[pltpu.VMEM((EBG,), jnp.int32),
                   pltpu.VMEM((EBG, D), jnp.float32),
                   pltpu.SemaphoreType.DMA],
)
def _sc_gather(x_hbm, row_hbm, col_hbm, gr_hbm, gc_hbm, idx_v, rows_v, sem):
    base0 = _wid() * EPT

    def phase(idx_hbm, out_hbm):
        def body(j, carry):
            base = base0 + j * EBG
            pltpu.sync_copy(idx_hbm.at[pl.ds(base, EBG)], idx_v)
            pltpu.async_copy(x_hbm.at[idx_v], rows_v, sem).wait()
            pltpu.sync_copy(rows_v, out_hbm.at[pl.ds(base, EBG)])
            return carry
        lax.fori_loop(0, EPT // EBG, body, 0)

    phase(row_hbm, gr_hbm)
    phase(col_hbm, gc_hbm)



@functools.partial(
    pl.kernel, mesh=_mesh, compiler_params=_sc_params,
    out_type=[jax.ShapeDtypeStruct((NW, NP_NODES * 4), jnp.float32),
              jax.ShapeDtypeStruct((NW, NP_NODES * 3), jnp.float32)],
    scratch_types=[pltpu.VMEM((EBK,), jnp.float32),
                   pltpu.VMEM((EBK, 16), jnp.float32),
                   pltpu.VMEM((NP_NODES * 4,), jnp.float32),
                   pltpu.VMEM((NP_NODES * 3,), jnp.float32)],
)
def _sc_scatter_edges(vals_hbm, col_hbm, sum_hbm, max_hbm,
                      colf_v, vals_v, sum_f, max_f):
    w = _wid()
    base0 = w * EPT
    lane = lax.iota(jnp.int32, 16)
    zero16 = jnp.zeros((16,), jnp.float32)
    ninf16 = jnp.full((16,), -jnp.inf, jnp.float32)
    mask4 = lane < 4
    mask3 = lane < 3

    def init(i, carry):
        sum_f[pl.ds(i * 16, 16)] = zero16
        return carry
    lax.fori_loop(0, NP_NODES * 4 // 16, init, 0)

    def initm(i, carry):
        max_f[pl.ds(i * 16, 16)] = ninf16
        return carry
    lax.fori_loop(0, NP_NODES * 3 // 16, initm, 0)

    def chunk(j, carry):
        base = base0 + j * EBK
        pltpu.sync_copy(col_hbm.at[pl.ds(base, EBK)], colf_v)
        pltpu.sync_copy(vals_hbm.at[pl.ds(base, EBK)], vals_v)

        def edge(e, c2):
            colsp = plsc.load_gather(colf_v, [_lanes16(e)]).astype(jnp.int32)
            val = vals_v[e]
            idx4 = colsp * 4 + lane
            s = plsc.load_gather(sum_f, [idx4], mask=mask4)
            plsc.store_scatter(sum_f, [idx4], s + val, mask=mask4)
            idx3 = colsp * 3 + lane
            m = plsc.load_gather(max_f, [idx3], mask=mask3)
            plsc.store_scatter(max_f, [idx3], jnp.maximum(m, val), mask=mask3)
            return c2
        lax.fori_loop(0, EBK, edge, 0)
        return carry
    lax.fori_loop(0, EPT // EBK, chunk, 0)

    pltpu.sync_copy(sum_f, sum_hbm.at[w])
    pltpu.sync_copy(max_f, max_hbm.at[w])



@functools.partial(
    pl.kernel, mesh=_mesh, compiler_params=_sc_params,
    out_type=[jax.ShapeDtypeStruct((NW, 65 * D), jnp.float32),
              jax.ShapeDtypeStruct((NW, 65 * D), jnp.float32),
              jax.ShapeDtypeStruct((NW, 65 * 16), jnp.float32)],
    scratch_types=[pltpu.VMEM((NPT,), jnp.float32),
                   pltpu.VMEM((32, D), jnp.float32),
                   pltpu.VMEM((65 * D,), jnp.float32),
                   pltpu.VMEM((65 * D,), jnp.float32),
                   pltpu.VMEM((65 * 16,), jnp.float32)],
)
def _sc_pool(x_hbm, batch_hbm, sum_hbm, max_hbm, cnt_hbm,
             b_v, x_v, sum_f, max_f, cnt_f):
    w = _wid()
    base = w * NPT
    lane = lax.iota(jnp.int32, 16)
    zero16 = jnp.zeros((16,), jnp.float32)
    one16 = jnp.ones((16,), jnp.float32)
    ninf16 = jnp.full((16,), -jnp.inf, jnp.float32)

    def init(i, carry):
        sum_f[pl.ds(i * 16, 16)] = zero16
        max_f[pl.ds(i * 16, 16)] = ninf16
        return carry
    lax.fori_loop(0, 65 * D // 16, init, 0)

    def initc(i, carry):
        cnt_f[pl.ds(i * 16, 16)] = zero16
        return carry
    lax.fori_loop(0, 65, initc, 0)

    pltpu.sync_copy(batch_hbm.at[pl.ds(base, NPT)], b_v)

    def chunkp(j, carry):
        pltpu.sync_copy(x_hbm.at[pl.ds(base + j * 32, 32)], x_v)

        def node(i, c3):
            n = j * 32 + i
            bsp = plsc.load_gather(b_v, [_lanes16(n)]).astype(jnp.int32)
            idxc = bsp * 16 + lane
            c = plsc.load_gather(cnt_f, [idxc])
            plsc.store_scatter(cnt_f, [idxc], c + one16)
            for v in range(D // 16):
                val = x_v[i, pl.ds(v * 16, 16)]
                idx = bsp * D + v * 16 + lane
                s = plsc.load_gather(sum_f, [idx])
                plsc.store_scatter(sum_f, [idx], s + val)
                m = plsc.load_gather(max_f, [idx])
                plsc.store_scatter(max_f, [idx], jnp.maximum(m, val))
            return c3
        lax.fori_loop(0, 32, node, 0)
        return carry
    lax.fori_loop(0, NPT // 32, chunkp, 0)

    pltpu.sync_copy(sum_f, sum_hbm.at[w])
    pltpu.sync_copy(max_f, max_hbm.at[w])
    pltpu.sync_copy(cnt_f, cnt_hbm.at[w])



def kernel(x, edge_index, edge_attr, u, batch, params):
    row, col = edge_index[0], edge_index[1]
    n = x.shape[0]
    bsz = u.shape[0]

    for lp in params["layers"]:
        (w1, b1), (w2, b2) = lp["edge"]
        gr, gc = _sc_gather(x, row, col)
        e_in = jnp.concatenate([gr, gc, edge_attr], axis=1)
        h = _mm(e_in, w1, b1, relu=True)
        w2p = jnp.zeros((w2.shape[0], 16), jnp.float32).at[:, :3].set(w2)
        b2p = jnp.zeros((16,), jnp.float32).at[:3].set(b2).at[3].set(1.0)
        e3p = _mm(h, w2p, b2p)
        edge_attr = e3p[:, :3]
        sum_parts, max_parts = _sc_scatter_edges(e3p, col.astype(jnp.float32))
        sums = jnp.sum(sum_parts, axis=0).reshape(NP_NODES, 4)[:n]
        maxs = jnp.max(max_parts, axis=0).reshape(NP_NODES, 3)[:n]
        out1 = sums[:, :3]
        cnt = sums[:, 3:4]
        out2 = jnp.where(cnt > 0, maxs, 0.0)
        out3 = out1 / jnp.maximum(cnt, 1.0)
        (nw1, nb1), (nw2, nb2) = lp["node"]
        n_in = jnp.concatenate([x, out1, out2, out3, u[batch]], axis=1)
        x = _mm(_mm(n_in, nw1, nb1, relu=True), nw2, nb2)

    xpad = jnp.zeros((NP_NODES, D), jnp.float32).at[:n].set(x)
    bpad = jnp.full((NP_NODES,), bsz, jnp.float32).at[:n].set(batch.astype(jnp.float32))
    psum, pmax, pcnt = _sc_pool(xpad, bpad)
    addpool = jnp.sum(psum, axis=0).reshape(65, D)[:bsz]
    maxpool = jnp.max(pmax, axis=0).reshape(65, D)[:bsz]
    cntb = jnp.sum(pcnt, axis=0).reshape(65, 16)[:bsz, :1]
    meanpool = addpool / jnp.maximum(cntb, 1.0)
    maxpool = jnp.where(cntb > 0, maxpool, 0.0)
    out = jnp.concatenate([addpool, meanpool, maxpool, u], axis=1)
    for i, (w, b) in enumerate(params["out"]):
        out = _mm(out, w, b, relu=(i < 3))
    return out

# --- scband reference (transcript-rebuilt; emitter-appended) ---
"""Pipeline reference for scband-gnn-17669495456025 (READ-ONLY COPY).

The authoritative reference and input builder live on the scoring server;
editing this copy changes nothing except your own understanding.
"""

import jax, jax.numpy as jnp
import numpy as np

N_NODES = 10000
N_EDGES = 320000
D = 128
EDGE_D = 3
U_DIM = 16
HID = 128
DIM_OUT = 1
N_GRAPHS = 64
N_LAYERS = 3


def _lin(k, fin, fout):
    kw, kb = jax.random.split(k)
    w = jax.random.normal(kw, (fin, fout), jnp.float32) * (1.0 / np.sqrt(fin))
    b = jnp.zeros((fout,), jnp.float32)
    return (w, b)


def setup_inputs(seed: int = 0) -> dict:
    key = jax.random.key(seed)
    keys = jax.random.split(key, 6)
    x = jax.random.normal(keys[0], (N_NODES, D), jnp.float32)
    edge_index = jax.random.randint(keys[1], (2, N_EDGES), 0, N_NODES, dtype=jnp.int32)
    edge_attr = jax.random.normal(keys[2], (N_EDGES, EDGE_D), jnp.float32)
    u = jax.random.normal(keys[3], (N_GRAPHS, U_DIM), jnp.float32)
    batch = jnp.sort(jax.random.randint(keys[4], (N_NODES,), 0, N_GRAPHS, dtype=jnp.int32))
    pk = iter(jax.random.split(keys[5], 32))
    layers = []
    for _ in range(N_LAYERS - 1):
        edge_p = (_lin(next(pk), 2 * D + EDGE_D, HID), _lin(next(pk), HID, EDGE_D))
        node_p = (_lin(next(pk), D + 3 * EDGE_D + U_DIM, HID), _lin(next(pk), HID, D))
        layers.append({"edge": edge_p, "node": node_p})
    out_p = [_lin(next(pk), 3 * D + U_DIM, HID), _lin(next(pk), HID, HID),
             _lin(next(pk), HID, HID), _lin(next(pk), HID, DIM_OUT)]
    params = {"layers": layers, "out": out_p}
    return {"x": x, "edge_index": edge_index, "edge_attr": edge_attr,
            "u": u, "batch": batch, "params": params}


def _mlp2(h, p):
    (w1, b1), (w2, b2) = p
    return jnp.maximum(h @ w1 + b1, 0.0) @ w2 + b2


def _meta(x, edge_index, edge_attr, u, batch, lp):
    row, col = edge_index[0], edge_index[1]
    # EdgeModel: cat([src, dest, edge_attr]) -> MLP
    e_in = jnp.concatenate([x[row], x[col], edge_attr], axis=1)
    edge_attr = _mlp2(e_in, lp["edge"])
    # NodeModel: scatter_add / scatter_max / scatter_mean of edge_attr by col
    N = x.shape[0]
    ones = jnp.ones((edge_attr.shape[0], 1), jnp.float32)
    out1 = jax.ops.segment_sum(edge_attr, col, num_segments=N)
    cnt = jax.ops.segment_sum(ones, col, num_segments=N)
    out2 = jax.ops.segment_max(edge_attr, col, num_segments=N)
    out2 = jnp.where(cnt > 0, out2, 0.0)
    out3 = out1 / jnp.maximum(cnt, 1.0)
    n_in = jnp.concatenate([x, out1, out2, out3, u[batch]], axis=1)
    x = _mlp2(n_in, lp["node"])
    return x, edge_attr


def _forward(x, edge_attr, u, params, edge_index, batch):
    for lp in params["layers"]:
        x, edge_attr = _meta(x, edge_index, edge_attr, u, batch, lp)
    B = u.shape[0]
    ones = jnp.ones((x.shape[0], 1), jnp.float32)
    addpool = jax.ops.segment_sum(x, batch, num_segments=B)
    cntb = jax.ops.segment_sum(ones, batch, num_segments=B)
    meanpool = addpool / jnp.maximum(cntb, 1.0)
    maxpool = jax.ops.segment_max(x, batch, num_segments=B)
    maxpool = jnp.where(cntb > 0, maxpool, 0.0)
    out = jnp.concatenate([addpool, meanpool, maxpool, u], axis=1)
    for i, (w, b) in enumerate(params["out"]):
        out = out @ w + b
        if i < 3:
            out = jnp.maximum(out, 0.0)
    return out


def reference(x, edge_index, edge_attr, u, batch, params):
    return _forward(x, edge_attr, u, params, edge_index, batch)

if __name__ == "__main__":
    import jax
    _d = setup_inputs()
    print(jax.jit(kernel)(*tuple(_d.values())))

</pallas_src>

<mosaic_0001>
#map = affine_map<(d0, d1) -> (0, 0)>
#map1 = affine_map<(d0, d1) -> (0)>
module attributes {stable_mosaic.version = 14 : i64} {
  func.func @_sc_scatter_edges(%arg0: i32, %arg1: i32, %arg2: memref<320000x16xf32, #tpu.memory_space<hbm>>, %arg3: memref<320000xf32, #tpu.memory_space<hbm>>, %arg4: memref<32x40960xf32, #tpu.memory_space<hbm>>, %arg5: memref<32x30720xf32, #tpu.memory_space<hbm>>, %arg6: memref<200xf32, #tpu.memory_space<vmem>>, %arg7: memref<200x16xf32, #tpu.memory_space<vmem>>, %arg8: memref<40960xf32, #tpu.memory_space<vmem>>, %arg9: memref<30720xf32, #tpu.memory_space<vmem>>) attributes {dimension_semantics = [#tpu.dimension_semantics<core_parallel>, #tpu.dimension_semantics<subcore_parallel>], iteration_bounds = array<i64: 2, 16>, scalar_prefetch = 0 : i64, scratch_operands = 4 : i64, tpu.core_type = #tpu.core_type<sc_vector_subcore>, window_params = [{transform_indices = #map}, {transform_indices = #map1}, {transform_indices = #map}, {transform_indices = #map}]} {
    %mul3A = arith.constant 2 : i32
    %mul3A_0 = arith.muli %arg1, %mul3A : i32
    %add3A = arith.addi %mul3A_0, %arg0 : i32
    %mul3A_1 = arith.constant 10000 : i32
    %mul3A_2 = arith.muli %add3A, %mul3A_1 : i32
    %iota3A = tpu.iota {dimensions = array<i32: 0>} : vector<16xi32>
    %broadcast_in_dim3A = arith.constant 0.000000e+00 : f32
    %broadcast_in_dim3A_3 = vector.broadcast %broadcast_in_dim3A : f32 to vector<16xf32>
    %broadcast_in_dim3A_4 = arith.constant 0xFF800000 : f32
    %broadcast_in_dim3A_5 = vector.broadcast %broadcast_in_dim3A_4 : f32 to vector<16xf32>
    %lt3A = arith.constant 4 : i32
    %lt3A_6 = vector.broadcast %lt3A : i32 to vector<16xi32>
    %lt3A_7 = arith.cmpi slt, %iota3A, %lt3A_6 : vector<16xi32>
    %lt3A_8 = arith.constant 3 : i32
    %lt3A_9 = vector.broadcast %lt3A_8 : i32 to vector<16xi32>
    %lt3A_10 = arith.cmpi slt, %iota3A, %lt3A_9 : vector<16xi32>
    %scan3A = arith.constant 0 : i32
    %scan3A_11 = arith.constant 0 : i32
    %scan3A_12 = arith.constant 2560 : i32
    %scan3A_13 = arith.addi %scan3A_11, %scan3A_12 : i32
    %scan3A_14 = arith.constant 1 : i32
    scf.for %scan3A_28 = %scan3A_11 to %scan3A_13 step %scan3A_14  : i32 {
      %mul3A_29 = arith.constant 16 : i32
      %mul3A_30 = arith.muli %scan3A_28, %mul3A_29 : i32
      %swap3A = arith.index_cast %mul3A_30 : i32 to index
      %swap3A_31 = tpu.vector_load %arg8[%swap3A] {strides = array<i32>} : memref<40960xf32, #tpu.memory_space<vmem>>, vector<16xf32>,
      tpu.vector_store %arg8[%swap3A], %broadcast_in_dim3A_3 {strides = array<i32>} : memref<40960xf32, #tpu.memory_space<vmem>>, vector<16xf32>,
    }
    %scan3A_15 = arith.constant 2560 : i32
    %scan3A_16 = arith.constant 0 : i32
    %scan3A_17 = arith.constant 0 : i32
    %scan3A_18 = arith.constant 1920 : i32
    %scan3A_19 = arith.addi %scan3A_17, %scan3A_18 : i32
    %scan3A_20 = arith.constant 1 : i32
    scf.for %scan3A_28 = %scan3A_17 to %scan3A_19 step %scan3A_20  : i32 {
      %mul3A_29 = arith.constant 16 : i32
      %mul3A_30 = arith.muli %scan3A_28, %mul3A_29 : i32
      %swap3A = arith.index_cast %mul3A_30 : i32 to index
      %swap3A_31 = tpu.vector_load %arg9[%swap3A] {strides = array<i32>} : memref<30720xf32, #tpu.memory_space<vmem>>, vector<16xf32>,
      tpu.vector_store %arg9[%swap3A], %broadcast_in_dim3A_5 {strides = array<i32>} : memref<30720xf32, #tpu.memory_space<vmem>>, vector<16xf32>,
    }
    %scan3A_21 = arith.constant 1920 : i32
    %scan3A_22 = arith.constant 0 : i32
    %scan3A_23 = arith.constant 0 : i32
    %scan3A_24 = arith.constant 50 : i32
    %scan3A_25 = arith.addi %scan3A_23, %scan3A_24 : i32
    %scan3A_26 = arith.constant 1 : i32
    scf.for %scan3A_28 = %scan3A_23 to %scan3A_25 step %scan3A_26  : i32 {
      %mul3A_29 = arith.constant 200 : i32
      %mul3A_30 = arith.muli %scan3A_28, %mul3A_29 : i32
      %add3A_31 = arith.addi %mul3A_2, %mul3A_30 : i32
      "tpu.region"() ({
        %run_scoped3A = tpu.sem_alloc : memref<!tpu.dma_semaphore, #tpu.memory_space<semaphore_mem>>
        %dma_start3A = tpu.memref_slice %arg3[%add3A_31] : memref<320000xf32, #tpu.memory_space<hbm>> -> memref<200xf32, #tpu.memory_space<hbm>>
        %dma_start3A_38 = tpu.memref_slice %arg3[%add3A_31] : memref<320000xf32, #tpu.memory_space<hbm>> -> memref<200xf32, #tpu.memory_space<hbm>>
        tpu.enqueue_dma source(%dma_start3A_38 : memref<200xf32, #tpu.memory_space<hbm>>) target(%arg6 : memref<200xf32, #tpu.memory_space<vmem>>) target_semaphore(%run_scoped3A : memref<!tpu.dma_semaphore, #tpu.memory_space<semaphore_mem>>)
        %dma_wait3A = tpu.memref_slice %arg3[%add3A_31] : memref<320000xf32, #tpu.memory_space<hbm>> -> memref<200xf32, #tpu.memory_space<hbm>>
        %dma_wait3A_39 = tpu.memref_slice %arg3[%add3A_31] : memref<320000xf32, #tpu.memory_space<hbm>> -> memref<200xf32, #tpu.memory_space<hbm>>
        tpu.wait_dma2 semaphore(%run_scoped3A : memref<!tpu.dma_semaphore, #tpu.memory_space<semaphore_mem>>) src(%dma_wait3A_39 : memref<200xf32, #tpu.memory_space<hbm>>) dst(%arg6 : memref<200xf32, #tpu.memory_space<vmem>>)
        tpu.yield
      }) : () -> ()
      "tpu.region"() ({
        %run_scoped3A = tpu.sem_alloc : memref<!tpu.dma_semaphore, #tpu.memory_space<semaphore_mem>>
        %dma_start3A = arith.constant 0 : i32
        %dma_start3A_38 = tpu.memref_slice %arg2[%add3A_31, %dma_start3A] : memref<320000x16xf32, #tpu.memory_space<hbm>> -> memref<200x16xf32, #tpu.memory_space<hbm>>
        %dma_start3A_39 = arith.constant 0 : i32
        %dma_start3A_40 = tpu.memref_slice %arg2[%add3A_31, %dma_start3A_39] : memref<320000x16xf32, #tpu.memory_space<hbm>> -> memref<200x16xf32, #tpu.memory_space<hbm>>
        tpu.enqueue_dma source(%dma_start3A_40 : memref<200x16xf32, #tpu.memory_space<hbm>>) target(%arg7 : memref<200x16xf32, #tpu.memory_space<vmem>>) target_semaphore(%run_scoped3A : memref<!tpu.dma_semaphore, #tpu.memory_space<semaphore_mem>>)
        %dma_wait3A = arith.constant 0 : i32
        %dma_wait3A_41 = tpu.memref_slice %arg2[%add3A_31, %dma_wait3A] : memref<320000x16xf32, #tpu.memory_space<hbm>> -> memref<200x16xf32, #tpu.memory_space<hbm>>
        %dma_wait3A_42 = arith.constant 0 : i32
        %dma_wait3A_43 = tpu.memref_slice %arg2[%add3A_31, %dma_wait3A_42] : memref<320000x16xf32, #tpu.memory_space<hbm>> -> memref<200x16xf32, #tpu.memory_space<hbm>>
        tpu.wait_dma2 semaphore(%run_scoped3A : memref<!tpu.dma_semaphore, #tpu.memory_space<semaphore_mem>>) src(%dma_wait3A_43 : memref<200x16xf32, #tpu.memory_space<hbm>>) dst(%arg7 : memref<200x16xf32, #tpu.memory_space<vmem>>)
        tpu.yield
      }) : () -> ()
      %scan3A_32 = arith.constant 0 : i32
      %scan3A_33 = arith.constant 0 : i32
      %scan3A_34 = arith.constant 200 : i32
      %scan3A_35 = arith.addi %scan3A_33, %scan3A_34 : i32
      %scan3A_36 = arith.constant 1 : i32
      scf.for %scan3A_38 = %scan3A_33 to %scan3A_35 step %scan3A_36  : i32 {
        %broadcast_in_dim3A_39 = vector.broadcast %scan3A_38 : i32 to vector<16xi32>
        %gather3A = tpu.vector_load_idx %arg6[%broadcast_in_dim3A_39] : memref<200xf32, #tpu.memory_space<vmem>>[vector<16xi32>], vector<16xf32>,
        %convert_element_type3A = arith.fptosi %gather3A : vector<16xf32> to vector<16xi32>
        %get3A = arith.index_cast %scan3A_38 : i32 to index
        %get3A_40 = arith.constant 0 : index
        %get3A_41 = tpu.vector_load %arg7[%get3A, %get3A_40] {strides = array<i32>} : memref<200x16xf32, #tpu.memory_space<vmem>>, vector<16xf32>,
        %mul3A_42 = arith.constant 4 : i32
        %mul3A_43 = vector.broadcast %mul3A_42 : i32 to vector<16xi32>
        %mul3A_44 = arith.muli %convert_element_type3A, %mul3A_43 : vector<16xi32>
        %add3A_45 = arith.addi %mul3A_44, %iota3A : vector<16xi32>
        %gather3A_46 = tpu.vector_load_idx %arg8[%add3A_45] masked %lt3A_7 : memref<40960xf32, #tpu.memory_space<vmem>>[vector<16xi32>], vector<16xf32>, vector<16xi1>
        %add3A_47 = arith.addf %gather3A_46, %get3A_41 : vector<16xf32>
        tpu.vector_store_idx %arg8[%add3A_45], %add3A_47 masked %lt3A_7 : memref<40960xf32, #tpu.memory_space<vmem>>[vector<16xi32>], vector<16xf32>, vector<16xi1>
        %mul3A_48 = arith.constant 3 : i32
        %mul3A_49 = vector.broadcast %mul3A_48 : i32 to vector<16xi32>
        %mul3A_50 = arith.muli %convert_element_type3A, %mul3A_49 : vector<16xi32>
        %add3A_51 = arith.addi %mul3A_50, %iota3A : vector<16xi32>
        %gather3A_52 = tpu.vector_load_idx %arg9[%add3A_51] masked %lt3A_10 : memref<30720xf32, #tpu.memory_space<vmem>>[vector<16xi32>], vector<16xf32>, vector<16xi1>
        %max3A = arith.maximumf %gather3A_52, %get3A_41 : vector<16xf32>
        tpu.vector_store_idx %arg9[%add3A_51], %max3A masked %lt3A_10 : memref<30720xf32, #tpu.memory_space<vmem>>[vector<16xi32>], vector<16xf32>, vector<16xi1>
      }
      %scan3A_37 = arith.constant 200 : i32
    }
    %scan3A_27 = arith.constant 50 : i32
    "tpu.region"() ({
      %run_scoped3A = tpu.sem_alloc : memref<!tpu.dma_semaphore, #tpu.memory_space<semaphore_mem>>
      %dma_start3A = arith.constant 0 : i32
      %dma_start3A_28 = tpu.memref_slice %arg4[%add3A, %dma_start3A] : memref<32x40960xf32, #tpu.memory_space<hbm>> -> memref<1x40960xf32, #tpu.memory_space<hbm>>
      %dma_start3A_29 = tpu.memref_squeeze %dma_start3A_28 : memref<1x40960xf32, #tpu.memory_space<hbm>> -> memref<40960xf32, #tpu.memory_space<hbm>>
      %dma_start3A_30 = arith.constant 0 : i32
      %dma_start3A_31 = tpu.memref_slice %arg4[%add3A, %dma_start3A_30] : memref<32x40960xf32, #tpu.memory_space<hbm>> -> memref<1x40960xf32, #tpu.memory_space<hbm>>
      %dma_start3A_32 = tpu.memref_squeeze %dma_start3A_31 : memref<1x40960xf32, #tpu.memory_space<hbm>> -> memref<40960xf32, #tpu.memory_space<hbm>>
      tpu.enqueue_dma source(%arg8 : memref<40960xf32, #tpu.memory_space<vmem>>) target(%dma_start3A_32 : memref<40960xf32, #tpu.memory_space<hbm>>) target_semaphore(%run_scoped3A : memref<!tpu.dma_semaphore, #tpu.memory_space<semaphore_mem>>)
      %dma_wait3A = arith.constant 0 : i32
      %dma_wait3A_33 = tpu.memref_slice %arg4[%add3A, %dma_wait3A] : memref<32x40960xf32, #tpu.memory_space<hbm>> -> memref<1x40960xf32, #tpu.memory_space<hbm>>
      %dma_wait3A_34 = tpu.memref_squeeze %dma_wait3A_33 : memref<1x40960xf32, #tpu.memory_space<hbm>> -> memref<40960xf32, #tpu.memory_space<hbm>>
      %dma_wait3A_35 = arith.constant 0 : i32
      %dma_wait3A_36 = tpu.memref_slice %arg4[%add3A, %dma_wait3A_35] : memref<32x40960xf32, #tpu.memory_space<hbm>> -> memref<1x40960xf32, #tpu.memory_space<hbm>>
      %dma_wait3A_37 = tpu.memref_squeeze %dma_wait3A_36 : memref<1x40960xf32, #tpu.memory_space<hbm>> -> memref<40960xf32, #tpu.memory_space<hbm>>
      tpu.wait_dma2 semaphore(%run_scoped3A : memref<!tpu.dma_semaphore, #tpu.memory_space<semaphore_mem>>) src(%arg8 : memref<40960xf32, #tpu.memory_space<vmem>>) dst(%dma_wait3A_37 : memref<40960xf32, #tpu.memory_space<hbm>>)
      tpu.yield
    }) : () -> ()
    "tpu.region"() ({
      %run_scoped3A = tpu.sem_alloc : memref<!tpu.dma_semaphore, #tpu.memory_space<semaphore_mem>>
      %dma_start3A = arith.constant 0 : i32
      %dma_start3A_28 = tpu.memref_slice %arg5[%add3A, %dma_start3A] : memref<32x30720xf32, #tpu.memory_space<hbm>> -> memref<1x30720xf32, #tpu.memory_space<hbm>>
      %dma_start3A_29 = tpu.memref_squeeze %dma_start3A_28 : memref<1x30720xf32, #tpu.memory_space<hbm>> -> memref<30720xf32, #tpu.memory_space<hbm>>
      %dma_start3A_30 = arith.constant 0 : i32
      %dma_start3A_31 = tpu.memref_slice %arg5[%add3A, %dma_start3A_30] : memref<32x30720xf32, #tpu.memory_space<hbm>> -> memref<1x30720xf32, #tpu.memory_space<hbm>>
      %dma_start3A_32 = tpu.memref_squeeze %dma_start3A_31 : memref<1x30720xf32, #tpu.memory_space<hbm>> -> memref<30720xf32, #tpu.memory_space<hbm>>
      tpu.enqueue_dma source(%arg9 : memref<30720xf32, #tpu.memory_space<vmem>>) target(%dma_start3A_32 : memref<30720xf32, #tpu.memory_space<hbm>>) target_semaphore(%run_scoped3A : memref<!tpu.dma_semaphore, #tpu.memory_space<semaphore_mem>>)
      %dma_wait3A = arith.constant 0 : i32
      %dma_wait3A_33 = tpu.memref_slice %arg5[%add3A, %dma_wait3A] : memref<32x30720xf32, #tpu.memory_space<hbm>> -> memref<1x30720xf32, #tpu.memory_space<hbm>>
      %dma_wait3A_34 = tpu.memref_squeeze %dma_wait3A_33 : memref<1x30720xf32, #tpu.memory_space<hbm>> -> memref<30720xf32, #tpu.memory_space<hbm>>
      %dma_wait3A_35 = arith.constant 0 : i32
      %dma_wait3A_36 = tpu.memref_slice %arg5[%add3A, %dma_wait3A_35] : memref<32x30720xf32, #tpu.memory_space<hbm>> -> memref<1x30720xf32, #tpu.memory_space<hbm>>
      %dma_wait3A_37 = tpu.memref_squeeze %dma_wait3A_36 : memref<1x30720xf32, #tpu.memory_space<hbm>> -> memref<30720xf32, #tpu.memory_space<hbm>>
      tpu.wait_dma2 semaphore(%run_scoped3A : memref<!tpu.dma_semaphore, #tpu.memory_space<semaphore_mem>>) src(%arg9 : memref<30720xf32, #tpu.memory_space<vmem>>) dst(%dma_wait3A_37 : memref<30720xf32, #tpu.memory_space<hbm>>)
      tpu.yield
    }) : () -> ()
    return
  }
}

#map = affine_map<(d0, d1) -> (0, 0)>
#map1 = affine_map<(d0, d1) -> (0)>
module attributes {stable_mosaic.version = 14 : i64} {
  func.func @_sc_gather(%arg0: i32, %arg1: i32, %arg2: memref<10000x128xf32, #tpu.memory_space<hbm>>, %arg3: memref<320000xi32, #tpu.memory_space<hbm>>, %arg4: memref<320000xi32, #tpu.memory_space<hbm>>, %arg5: memref<320000x128xf32, #tpu.memory_space<hbm>>, %arg6: memref<320000x128xf32, #tpu.memory_space<hbm>>, %arg7: memref<80xi32, #tpu.memory_space<vmem>>, %arg8: memref<80x128xf32, #tpu.memory_space<vmem>>, %arg9: memref<!tpu.dma_semaphore, #tpu.memory_space<semaphore_mem>>) attributes {dimension_semantics = [#tpu.dimension_semantics<core_parallel>, #tpu.dimension_semantics<subcore_parallel>], iteration_bounds = array<i64: 2, 16>, scalar_prefetch = 0 : i64, scratch_operands = 3 : i64, tpu.core_type = #tpu.core_type<sc_vector_subcore>, window_params = [{transform_indices = #map}, {transform_indices = #map1}, {transform_indices = #map1}, {transform_indices = #map}, {transform_indices = #map}]} {
    %mul3A = arith.constant 2 : i32
    %mul3A_0 = arith.muli %arg1, %mul3A : i32
    %add3A = arith.addi %mul3A_0, %arg0 : i32
    %mul3A_1 = arith.constant 10000 : i32
    %mul3A_2 = arith.muli %add3A, %mul3A_1 : i32
    %scan3A = arith.constant 0 : i32
    %scan3A_3 = arith.constant 0 : i32
    %scan3A_4 = arith.constant 125 : i32
    %scan3A_5 = arith.addi %scan3A_3, %scan3A_4 : i32
    %scan3A_6 = arith.constant 1 : i32
    scf.for %scan3A_14 = %scan3A_3 to %scan3A_5 step %scan3A_6  : i32 {
      %mul3A_15 = arith.constant 80 : i32
      %mul3A_16 = arith.muli %scan3A_14, %mul3A_15 : i32
      %add3A_17 = arith.addi %mul3A_2, %mul3A_16 : i32
      "tpu.region"() ({
        %run_scoped3A = tpu.sem_alloc : memref<!tpu.dma_semaphore, #tpu.memory_space<semaphore_mem>>
        %dma_start3A_22 = tpu.memref_slice %arg3[%add3A_17] : memref<320000xi32, #tpu.memory_space<hbm>> -> memref<80xi32, #tpu.memory_space<hbm>>
        %dma_start3A_23 = tpu.memref_slice %arg3[%add3A_17] : memref<320000xi32, #tpu.memory_space<hbm>> -> memref<80xi32, #tpu.memory_space<hbm>>
        tpu.enqueue_dma source(%dma_start3A_23 : memref<80xi32, #tpu.memory_space<hbm>>) target(%arg7 : memref<80xi32, #tpu.memory_space<vmem>>) target_semaphore(%run_scoped3A : memref<!tpu.dma_semaphore, #tpu.memory_space<semaphore_mem>>)
        %dma_wait3A_24 = tpu.memref_slice %arg3[%add3A_17] : memref<320000xi32, #tpu.memory_space<hbm>> -> memref<80xi32, #tpu.memory_space<hbm>>
        %dma_wait3A_25 = tpu.memref_slice %arg3[%add3A_17] : memref<320000xi32, #tpu.memory_space<hbm>> -> memref<80xi32, #tpu.memory_space<hbm>>
        tpu.wait_dma2 semaphore(%run_scoped3A : memref<!tpu.dma_semaphore, #tpu.memory_space<semaphore_mem>>) src(%dma_wait3A_25 : memref<80xi32, #tpu.memory_space<hbm>>) dst(%arg7 : memref<80xi32, #tpu.memory_space<vmem>>)
        tpu.yield
      }) : () -> ()
      %dma_start3A = arith.constant 0 : i32
      %dma_start3A_18 = arith.constant 0 : i32
      %dma_start3A_19 = tpu.memref_slice %arg2[%dma_start3A, %dma_start3A_18] : memref<10000x128xf32, #tpu.memory_space<hbm>> -> memref<10000x128xf32, #tpu.memory_space<hbm>>
      tpu.enqueue_indirect_dma source(%dma_start3A_19 : memref<10000x128xf32, #tpu.memory_space<hbm>>) target(%arg8 : memref<80x128xf32, #tpu.memory_space<vmem>>) offsets(%arg7 : memref<80xi32, #tpu.memory_space<vmem>>) semaphore(%arg9 : memref<!tpu.dma_semaphore, #tpu.memory_space<semaphore_mem>>)
      %dma_wait3A = arith.constant 0 : i32
      %dma_wait3A_20 = arith.constant 0 : i32
      %dma_wait3A_21 = tpu.memref_slice %arg2[%dma_wait3A, %dma_wait3A_20] : memref<10000x128xf32, #tpu.memory_space<hbm>> -> memref<10000x128xf32, #tpu.memory_space<hbm>>
      tpu.wait_indirect_dma semaphore(%arg9 : memref<!tpu.dma_semaphore, #tpu.memory_space<semaphore_mem>>) src(%dma_wait3A_21 : memref<10000x128xf32, #tpu.memory_space<hbm>>) dst(%arg8 : memref<80x128xf32, #tpu.memory_space<vmem>>)
      "tpu.region"() ({
        %run_scoped3A = tpu.sem_alloc : memref<!tpu.dma_semaphore, #tpu.memory_space<semaphore_mem>>
        %dma_start3A_22 = arith.constant 0 : i32
        %dma_start3A_23 = tpu.memref_slice %arg5[%add3A_17, %dma_start3A_22] : memref<320000x128xf32, #tpu.memory_space<hbm>> -> memref<80x128xf32, #tpu.memory_space<hbm>>
        %dma_start3A_24 = arith.constant 0 : i32
        %dma_start3A_25 = tpu.memref_slice %arg5[%add3A_17, %dma_start3A_24] : memref<320000x128xf32, #tpu.memory_space<hbm>> -> memref<80x128xf32, #tpu.memory_space<hbm>>
        tpu.enqueue_dma source(%arg8 : memref<80x128xf32, #tpu.memory_space<vmem>>) target(%dma_start3A_25 : memref<80x128xf32, #tpu.memory_space<hbm>>) target_semaphore(%run_scoped3A : memref<!tpu.dma_semaphore, #tpu.memory_space<semaphore_mem>>)
        %dma_wait3A_26 = arith.constant 0 : i32
        %dma_wait3A_27 = tpu.memref_slice %arg5[%add3A_17, %dma_wait3A_26] : memref<320000x128xf32, #tpu.memory_space<hbm>> -> memref<80x128xf32, #tpu.memory_space<hbm>>
        %dma_wait3A_28 = arith.constant 0 : i32
        %dma_wait3A_29 = tpu.memref_slice %arg5[%add3A_17, %dma_wait3A_28] : memref<320000x128xf32, #tpu.memory_space<hbm>> -> memref<80x128xf32, #tpu.memory_space<hbm>>
        tpu.wait_dma2 semaphore(%run_scoped3A : memref<!tpu.dma_semaphore, #tpu.memory_space<semaphore_mem>>) src(%arg8 : memref<80x128xf32, #tpu.memory_space<vmem>>) dst(%dma_wait3A_29 : memref<80x128xf32, #tpu.memory_space<hbm>>)
        tpu.yield
      }) : () -> ()
    }
    %scan3A_7 = arith.constant 125 : i32
    %scan3A_8 = arith.constant 0 : i32
    %scan3A_9 = arith.constant 0 : i32
    %scan3A_10 = arith.constant 125 : i32
    %scan3A_11 = arith.addi %scan3A_9, %scan3A_10 : i32
    %scan3A_12 = arith.constant 1 : i32
    scf.for %scan3A_14 = %scan3A_9 to %scan3A_11 step %scan3A_12  : i32 {
      %mul3A_15 = arith.constant 80 : i32
      %mul3A_16 = arith.muli %scan3A_14, %mul3A_15 : i32
      %add3A_17 = arith.addi %mul3A_2, %mul3A_16 : i32
      "tpu.region"() ({
        %run_scoped3A = tpu.sem_alloc : memref<!tpu.dma_semaphore, #tpu.memory_space<semaphore_mem>>
        %dma_start3A_22 = tpu.memref_slice %arg4[%add3A_17] : memref<320000xi32, #tpu.memory_space<hbm>> -> memref<80xi32, #tpu.memory_space<hbm>>
        %dma_start3A_23 = tpu.memref_slice %arg4[%add3A_17] : memref<320000xi32, #tpu.memory_space<hbm>> -> memref<80xi32, #tpu.memory_space<hbm>>
        tpu.enqueue_dma source(%dma_start3A_23 : memref<80xi32, #tpu.memory_space<hbm>>) target(%arg7 : memref<80xi32, #tpu.memory_space<vmem>>) target_semaphore(%run_scoped3A : memref<!tpu.dma_semaphore, #tpu.memory_space<semaphore_mem>>)
        %dma_wait3A_24 = tpu.memref_slice %arg4[%add3A_17] : memref<320000xi32, #tpu.memory_space<hbm>> -> memref<80xi32, #tpu.memory_space<hbm>>
        %dma_wait3A_25 = tpu.memref_slice %arg4[%add3A_17] : memref<320000xi32, #tpu.memory_space<hbm>> -> memref<80xi32, #tpu.memory_space<hbm>>
        tpu.wait_dma2 semaphore(%run_scoped3A : memref<!tpu.dma_semaphore, #tpu.memory_space<semaphore_mem>>) src(%dma_wait3A_25 : memref<80xi32, #tpu.memory_space<hbm>>) dst(%arg7 : memref<80xi32, #tpu.memory_space<vmem>>)
        tpu.yield
      }) : () -> ()
      %dma_start3A = arith.constant 0 : i32
      %dma_start3A_18 = arith.constant 0 : i32
      %dma_start3A_19 = tpu.memref_slice %arg2[%dma_start3A, %dma_start3A_18] : memref<10000x128xf32, #tpu.memory_space<hbm>> -> memref<10000x128xf32, #tpu.memory_space<hbm>>
      tpu.enqueue_indirect_dma source(%dma_start3A_19 : memref<10000x128xf32, #tpu.memory_space<hbm>>) target(%arg8 : memref<80x128xf32, #tpu.memory_space<vmem>>) offsets(%arg7 : memref<80xi32, #tpu.memory_space<vmem>>) semaphore(%arg9 : memref<!tpu.dma_semaphore, #tpu.memory_space<semaphore_mem>>)
      %dma_wait3A = arith.constant 0 : i32
      %dma_wait3A_20 = arith.constant 0 : i32
      %dma_wait3A_21 = tpu.memref_slice %arg2[%dma_wait3A, %dma_wait3A_20] : memref<10000x128xf32, #tpu.memory_space<hbm>> -> memref<10000x128xf32, #tpu.memory_space<hbm>>
      tpu.wait_indirect_dma semaphore(%arg9 : memref<!tpu.dma_semaphore, #tpu.memory_space<semaphore_mem>>) src(%dma_wait3A_21 : memref<10000x128xf32, #tpu.memory_space<hbm>>) dst(%arg8 : memref<80x128xf32, #tpu.memory_space<vmem>>)
      "tpu.region"() ({
        %run_scoped3A = tpu.sem_alloc : memref<!tpu.dma_semaphore, #tpu.memory_space<semaphore_mem>>
        %dma_start3A_22 = arith.constant 0 : i32
        %dma_start3A_23 = tpu.memref_slice %arg6[%add3A_17, %dma_start3A_22] : memref<320000x128xf32, #tpu.memory_space<hbm>> -> memref<80x128xf32, #tpu.memory_space<hbm>>
        %dma_start3A_24 = arith.constant 0 : i32
        %dma_start3A_25 = tpu.memref_slice %arg6[%add3A_17, %dma_start3A_24] : memref<320000x128xf32, #tpu.memory_space<hbm>> -> memref<80x128xf32, #tpu.memory_space<hbm>>
        tpu.enqueue_dma source(%arg8 : memref<80x128xf32, #tpu.memory_space<vmem>>) target(%dma_start3A_25 : memref<80x128xf32, #tpu.memory_space<hbm>>) target_semaphore(%run_scoped3A : memref<!tpu.dma_semaphore, #tpu.memory_space<semaphore_mem>>)
        %dma_wait3A_26 = arith.constant 0 : i32
        %dma_wait3A_27 = tpu.memref_slice %arg6[%add3A_17, %dma_wait3A_26] : memref<320000x128xf32, #tpu.memory_space<hbm>> -> memref<80x128xf32, #tpu.memory_space<hbm>>
        %dma_wait3A_28 = arith.constant 0 : i32
        %dma_wait3A_29 = tpu.memref_slice %arg6[%add3A_17, %dma_wait3A_28] : memref<320000x128xf32, #tpu.memory_space<hbm>> -> memref<80x128xf32, #tpu.memory_space<hbm>>
        tpu.wait_dma2 semaphore(%run_scoped3A : memref<!tpu.dma_semaphore, #tpu.memory_space<semaphore_mem>>) src(%arg8 : memref<80x128xf32, #tpu.memory_space<vmem>>) dst(%dma_wait3A_29 : memref<80x128xf32, #tpu.memory_space<hbm>>)
        tpu.yield
      }) : () -> ()
    }
    %scan3A_13 = arith.constant 125 : i32
    return
  }
}

#map = affine_map<(d0, d1) -> (0, 0)>
#map1 = affine_map<(d0, d1) -> (0)>
module attributes {stable_mosaic.version = 14 : i64} {
  func.func @_sc_gather(%arg0: i32, %arg1: i32, %arg2: memref<10000x128xf32, #tpu.memory_space<hbm>>, %arg3: memref<320000xi32, #tpu.memory_space<hbm>>, %arg4: memref<320000xi32, #tpu.memory_space<hbm>>, %arg5: memref<320000x128xf32, #tpu.memory_space<hbm>>, %arg6: memref<320000x128xf32, #tpu.memory_space<hbm>>, %arg7: memref<80xi32, #tpu.memory_space<vmem>>, %arg8: memref<80x128xf32, #tpu.memory_space<vmem>>, %arg9: memref<!tpu.dma_semaphore, #tpu.memory_space<semaphore_mem>>) attributes {dimension_semantics = [#tpu.dimension_semantics<core_parallel>, #tpu.dimension_semantics<subcore_parallel>], iteration_bounds = array<i64: 2, 16>, scalar_prefetch = 0 : i64, scratch_operands = 3 : i64, tpu.core_type = #tpu.core_type<sc_vector_subcore>, window_params = [{transform_indices = #map}, {transform_indices = #map1}, {transform_indices = #map1}, {transform_indices = #map}, {transform_indices = #map}]} {
    %mul3A = arith.constant 2 : i32
    %mul3A_0 = arith.muli %arg1, %mul3A : i32
    %add3A = arith.addi %mul3A_0, %arg0 : i32
    %mul3A_1 = arith.constant 10000 : i32
    %mul3A_2 = arith.muli %add3A, %mul3A_1 : i32
    %scan3A = arith.constant 0 : i32
    %scan3A_3 = arith.constant 0 : i32
    %scan3A_4 = arith.constant 125 : i32
    %scan3A_5 = arith.addi %scan3A_3, %scan3A_4 : i32
    %scan3A_6 = arith.constant 1 : i32
    scf.for %scan3A_14 = %scan3A_3 to %scan3A_5 step %scan3A_6  : i32 {
      %mul3A_15 = arith.constant 80 : i32
      %mul3A_16 = arith.muli %scan3A_14, %mul3A_15 : i32
      %add3A_17 = arith.addi %mul3A_2, %mul3A_16 : i32
      "tpu.region"() ({
        %run_scoped3A = tpu.sem_alloc : memref<!tpu.dma_semaphore, #tpu.memory_space<semaphore_mem>>
        %dma_start3A_22 = tpu.memref_slice %arg3[%add3A_17] : memref<320000xi32, #tpu.memory_space<hbm>> -> memref<80xi32, #tpu.memory_space<hbm>>
        %dma_start3A_23 = tpu.memref_slice %arg3[%add3A_17] : memref<320000xi32, #tpu.memory_space<hbm>> -> memref<80xi32, #tpu.memory_space<hbm>>
        tpu.enqueue_dma source(%dma_start3A_23 : memref<80xi32, #tpu.memory_space<hbm>>) target(%arg7 : memref<80xi32, #tpu.memory_space<vmem>>) target_semaphore(%run_scoped3A : memref<!tpu.dma_semaphore, #tpu.memory_space<semaphore_mem>>)
        %dma_wait3A_24 = tpu.memref_slice %arg3[%add3A_17] : memref<320000xi32, #tpu.memory_space<hbm>> -> memref<80xi32, #tpu.memory_space<hbm>>
        %dma_wait3A_25 = tpu.memref_slice %arg3[%add3A_17] : memref<320000xi32, #tpu.memory_space<hbm>> -> memref<80xi32, #tpu.memory_space<hbm>>
        tpu.wait_dma2 semaphore(%run_scoped3A : memref<!tpu.dma_semaphore, #tpu.memory_space<semaphore_mem>>) src(%dma_wait3A_25 : memref<80xi32, #tpu.memory_space<hbm>>) dst(%arg7 : memref<80xi32, #tpu.memory_space<vmem>>)
        tpu.yield
      }) : () -> ()
      %dma_start3A = arith.constant 0 : i32
      %dma_start3A_18 = arith.constant 0 : i32
      %dma_start3A_19 = tpu.memref_slice %arg2[%dma_start3A, %dma_start3A_18] : memref<10000x128xf32, #tpu.memory_space<hbm>> -> memref<10000x128xf32, #tpu.memory_space<hbm>>
      tpu.enqueue_indirect_dma source(%dma_start3A_19 : memref<10000x128xf32, #tpu.memory_space<hbm>>) target(%arg8 : memref<80x128xf32, #tpu.memory_space<vmem>>) offsets(%arg7 : memref<80xi32, #tpu.memory_space<vmem>>) semaphore(%arg9 : memref<!tpu.dma_semaphore, #tpu.memory_space<semaphore_mem>>)
      %dma_wait3A = arith.constant 0 : i32
      %dma_wait3A_20 = arith.constant 0 : i32
      %dma_wait3A_21 = tpu.memref_slice %arg2[%dma_wait3A, %dma_wait3A_20] : memref<10000x128xf32, #tpu.memory_space<hbm>> -> memref<10000x128xf32, #tpu.memory_space<hbm>>
      tpu.wait_indirect_dma semaphore(%arg9 : memref<!tpu.dma_semaphore, #tpu.memory_space<semaphore_mem>>) src(%dma_wait3A_21 : memref<10000x128xf32, #tpu.memory_space<hbm>>) dst(%arg8 : memref<80x128xf32, #tpu.memory_space<vmem>>)
      "tpu.region"() ({
        %run_scoped3A = tpu.sem_alloc : memref<!tpu.dma_semaphore, #tpu.memory_space<semaphore_mem>>
        %dma_start3A_22 = arith.constant 0 : i32
        %dma_start3A_23 = tpu.memref_slice %arg5[%add3A_17, %dma_start3A_22] : memref<320000x128xf32, #tpu.memory_space<hbm>> -> memref<80x128xf32, #tpu.memory_space<hbm>>
        %dma_start3A_24 = arith.constant 0 : i32
        %dma_start3A_25 = tpu.memref_slice %arg5[%add3A_17, %dma_start3A_24] : memref<320000x128xf32, #tpu.memory_space<hbm>> -> memref<80x128xf32, #tpu.memory_space<hbm>>
        tpu.enqueue_dma source(%arg8 : memref<80x128xf32, #tpu.memory_space<vmem>>) target(%dma_start3A_25 : memref<80x128xf32, #tpu.memory_space<hbm>>) target_semaphore(%run_scoped3A : memref<!tpu.dma_semaphore, #tpu.memory_space<semaphore_mem>>)
        %dma_wait3A_26 = arith.constant 0 : i32
        %dma_wait3A_27 = tpu.memref_slice %arg5[%add3A_17, %dma_wait3A_26] : memref<320000x128xf32, #tpu.memory_space<hbm>> -> memref<80x128xf32, #tpu.memory_space<hbm>>
        %dma_wait3A_28 = arith.constant 0 : i32
        %dma_wait3A_29 = tpu.memref_slice %arg5[%add3A_17, %dma_wait3A_28] : memref<320000x128xf32, #tpu.memory_space<hbm>> -> memref<80x128xf32, #tpu.memory_space<hbm>>
        tpu.wait_dma2 semaphore(%run_scoped3A : memref<!tpu.dma_semaphore, #tpu.memory_space<semaphore_mem>>) src(%arg8 : memref<80x128xf32, #tpu.memory_space<vmem>>) dst(%dma_wait3A_29 : memref<80x128xf32, #tpu.memory_space<hbm>>)
        tpu.yield
      }) : () -> ()
    }
    %scan3A_7 = arith.constant 125 : i32
    %scan3A_8 = arith.constant 0 : i32
    %scan3A_9 = arith.constant 0 : i32
    %scan3A_10 = arith.constant 125 : i32
    %scan3A_11 = arith.addi %scan3A_9, %scan3A_10 : i32
    %scan3A_12 = arith.constant 1 : i32
    scf.for %scan3A_14 = %scan3A_9 to %scan3A_11 step %scan3A_12  : i32 {
      %mul3A_15 = arith.constant 80 : i32
      %mul3A_16 = arith.muli %scan3A_14, %mul3A_15 : i32
      %add3A_17 = arith.addi %mul3A_2, %mul3A_16 : i32
      "tpu.region"() ({
        %run_scoped3A = tpu.sem_alloc : memref<!tpu.dma_semaphore, #tpu.memory_space<semaphore_mem>>
        %dma_start3A_22 = tpu.memref_slice %arg4[%add3A_17] : memref<320000xi32, #tpu.memory_space<hbm>> -> memref<80xi32, #tpu.memory_space<hbm>>
        %dma_start3A_23 = tpu.memref_slice %arg4[%add3A_17] : memref<320000xi32, #tpu.memory_space<hbm>> -> memref<80xi32, #tpu.memory_space<hbm>>
        tpu.enqueue_dma source(%dma_start3A_23 : memref<80xi32, #tpu.memory_space<hbm>>) target(%arg7 : memref<80xi32, #tpu.memory_space<vmem>>) target_semaphore(%run_scoped3A : memref<!tpu.dma_semaphore, #tpu.memory_space<semaphore_mem>>)
        %dma_wait3A_24 = tpu.memref_slice %arg4[%add3A_17] : memref<320000xi32, #tpu.memory_space<hbm>> -> memref<80xi32, #tpu.memory_space<hbm>>
        %dma_wait3A_25 = tpu.memref_slice %arg4[%add3A_17] : memref<320000xi32, #tpu.memory_space<hbm>> -> memref<80xi32, #tpu.memory_space<hbm>>
        tpu.wait_dma2 semaphore(%run_scoped3A : memref<!tpu.dma_semaphore, #tpu.memory_space<semaphore_mem>>) src(%dma_wait3A_25 : memref<80xi32, #tpu.memory_space<hbm>>) dst(%arg7 : memref<80xi32, #tpu.memory_space<vmem>>)
        tpu.yield
      }) : () -> ()
      %dma_start3A = arith.constant 0 : i32
      %dma_start3A_18 = arith.constant 0 : i32
      %dma_start3A_19 = tpu.memref_slice %arg2[%dma_start3A, %dma_start3A_18] : memref<10000x128xf32, #tpu.memory_space<hbm>> -> memref<10000x128xf32, #tpu.memory_space<hbm>>
      tpu.enqueue_indirect_dma source(%dma_start3A_19 : memref<10000x128xf32, #tpu.memory_space<hbm>>) target(%arg8 : memref<80x128xf32, #tpu.memory_space<vmem>>) offsets(%arg7 : memref<80xi32, #tpu.memory_space<vmem>>) semaphore(%arg9 : memref<!tpu.dma_semaphore, #tpu.memory_space<semaphore_mem>>)
      %dma_wait3A = arith.constant 0 : i32
      %dma_wait3A_20 = arith.constant 0 : i32
      %dma_wait3A_21 = tpu.memref_slice %arg2[%dma_wait3A, %dma_wait3A_20] : memref<10000x128xf32, #tpu.memory_space<hbm>> -> memref<10000x128xf32, #tpu.memory_space<hbm>>
      tpu.wait_indirect_dma semaphore(%arg9 : memref<!tpu.dma_semaphore, #tpu.memory_space<semaphore_mem>>) src(%dma_wait3A_21 : memref<10000x128xf32, #tpu.memory_space<hbm>>) dst(%arg8 : memref<80x128xf32, #tpu.memory_space<vmem>>)
      "tpu.region"() ({
        %run_scoped3A = tpu.sem_alloc : memref<!tpu.dma_semaphore, #tpu.memory_space<semaphore_mem>>
        %dma_start3A_22 = arith.constant 0 : i32
        %dma_start3A_23 = tpu.memref_slice %arg6[%add3A_17, %dma_start3A_22] : memref<320000x128xf32, #tpu.memory_space<hbm>> -> memref<80x128xf32, #tpu.memory_space<hbm>>
        %dma_start3A_24 = arith.constant 0 : i32
        %dma_start3A_25 = tpu.memref_slice %arg6[%add3A_17, %dma_start3A_24] : memref<320000x128xf32, #tpu.memory_space<hbm>> -> memref<80x128xf32, #tpu.memory_space<hbm>>
        tpu.enqueue_dma source(%arg8 : memref<80x128xf32, #tpu.memory_space<vmem>>) target(%dma_start3A_25 : memref<80x128xf32, #tpu.memory_space<hbm>>) target_semaphore(%run_scoped3A : memref<!tpu.dma_semaphore, #tpu.memory_space<semaphore_mem>>)
        %dma_wait3A_26 = arith.constant 0 : i32
        %dma_wait3A_27 = tpu.memref_slice %arg6[%add3A_17, %dma_wait3A_26] : memref<320000x128xf32, #tpu.memory_space<hbm>> -> memref<80x128xf32, #tpu.memory_space<hbm>>
        %dma_wait3A_28 = arith.constant 0 : i32
        %dma_wait3A_29 = tpu.memref_slice %arg6[%add3A_17, %dma_wait3A_28] : memref<320000x128xf32, #tpu.memory_space<hbm>> -> memref<80x128xf32, #tpu.memory_space<hbm>>
        tpu.wait_dma2 semaphore(%run_scoped3A : memref<!tpu.dma_semaphore, #tpu.memory_space<semaphore_mem>>) src(%arg8 : memref<80x128xf32, #tpu.memory_space<vmem>>) dst(%dma_wait3A_29 : memref<80x128xf32, #tpu.memory_space<hbm>>)
        tpu.yield
      }) : () -> ()
    }
    %scan3A_13 = arith.constant 125 : i32
    return
  }
}

#map = affine_map<(d0, d1) -> (0, 0)>
#map1 = affine_map<(d0, d1) -> (0)>
module attributes {stable_mosaic.version = 14 : i64} {
  func.func @_sc_scatter_edges(%arg0: i32, %arg1: i32, %arg2: memref<320000x16xf32, #tpu.memory_space<hbm>>, %arg3: memref<320000xf32, #tpu.memory_space<hbm>>, %arg4: memref<32x40960xf32, #tpu.memory_space<hbm>>, %arg5: memref<32x30720xf32, #tpu.memory_space<hbm>>, %arg6: memref<200xf32, #tpu.memory_space<vmem>>, %arg7: memref<200x16xf32, #tpu.memory_space<vmem>>, %arg8: memref<40960xf32, #tpu.memory_space<vmem>>, %arg9: memref<30720xf32, #tpu.memory_space<vmem>>) attributes {dimension_semantics = [#tpu.dimension_semantics<core_parallel>, #tpu.dimension_semantics<subcore_parallel>], iteration_bounds = array<i64: 2, 16>, scalar_prefetch = 0 : i64, scratch_operands = 4 : i64, tpu.core_type = #tpu.core_type<sc_vector_subcore>, window_params = [{transform_indices = #map}, {transform_indices = #map1}, {transform_indices = #map}, {transform_indices = #map}]} {
    %mul3A = arith.constant 2 : i32
    %mul3A_0 = arith.muli %arg1, %mul3A : i32
    %add3A = arith.addi %mul3A_0, %arg0 : i32
    %mul3A_1 = arith.constant 10000 : i32
    %mul3A_2 = arith.muli %add3A, %mul3A_1 : i32
    %iota3A = tpu.iota {dimensions = array<i32: 0>} : vector<16xi32>
    %broadcast_in_dim3A = arith.constant 0.000000e+00 : f32
    %broadcast_in_dim3A_3 = vector.broadcast %broadcast_in_dim3A : f32 to vector<16xf32>
    %broadcast_in_dim3A_4 = arith.constant 0xFF800000 : f32
    %broadcast_in_dim3A_5 = vector.broadcast %broadcast_in_dim3A_4 : f32 to vector<16xf32>
    %lt3A = arith.constant 4 : i32
    %lt3A_6 = vector.broadcast %lt3A : i32 to vector<16xi32>
    %lt3A_7 = arith.cmpi slt, %iota3A, %lt3A_6 : vector<16xi32>
    %lt3A_8 = arith.constant 3 : i32
    %lt3A_9 = vector.broadcast %lt3A_8 : i32 to vector<16xi32>
    %lt3A_10 = arith.cmpi slt, %iota3A, %lt3A_9 : vector<16xi32>
    %scan3A = arith.constant 0 : i32
    %scan3A_11 = arith.constant 0 : i32
    %scan3A_12 = arith.constant 2560 : i32
    %scan3A_13 = arith.addi %scan3A_11, %scan3A_12 : i32
    %scan3A_14 = arith.constant 1 : i32
    scf.for %scan3A_28 = %scan3A_11 to %scan3A_13 step %scan3A_14  : i32 {
      %mul3A_29 = arith.constant 16 : i32
      %mul3A_30 = arith.muli %scan3A_28, %mul3A_29 : i32
      %swap3A = arith.index_cast %mul3A_30 : i32 to index
      %swap3A_31 = tpu.vector_load %arg8[%swap3A] {strides = array<i32>} : memref<40960xf32, #tpu.memory_space<vmem>>, vector<16xf32>,
      tpu.vector_store %arg8[%swap3A], %broadcast_in_dim3A_3 {strides = array<i32>} : memref<40960xf32, #tpu.memory_space<vmem>>, vector<16xf32>,
    }
    %scan3A_15 = arith.constant 2560 : i32
    %scan3A_16 = arith.constant 0 : i32
    %scan3A_17 = arith.constant 0 : i32
    %scan3A_18 = arith.constant 1920 : i32
    %scan3A_19 = arith.addi %scan3A_17, %scan3A_18 : i32
    %scan3A_20 = arith.constant 1 : i32
    scf.for %scan3A_28 = %scan3A_17 to %scan3A_19 step %scan3A_20  : i32 {
      %mul3A_29 = arith.constant 16 : i32
      %mul3A_30 = arith.muli %scan3A_28, %mul3A_29 : i32
      %swap3A = arith.index_cast %mul3A_30 : i32 to index
      %swap3A_31 = tpu.vector_load %arg9[%swap3A] {strides = array<i32>} : memref<30720xf32, #tpu.memory_space<vmem>>, vector<16xf32>,
      tpu.vector_store %arg9[%swap3A], %broadcast_in_dim3A_5 {strides = array<i32>} : memref<30720xf32, #tpu.memory_space<vmem>>, vector<16xf32>,
    }
    %scan3A_21 = arith.constant 1920 : i32
    %scan3A_22 = arith.constant 0 : i32
    %scan3A_23 = arith.constant 0 : i32
    %scan3A_24 = arith.constant 50 : i32
    %scan3A_25 = arith.addi %scan3A_23, %scan3A_24 : i32
    %scan3A_26 = arith.constant 1 : i32
    scf.for %scan3A_28 = %scan3A_23 to %scan3A_25 step %scan3A_26  : i32 {
      %mul3A_29 = arith.constant 200 : i32
      %mul3A_30 = arith.muli %scan3A_28, %mul3A_29 : i32
      %add3A_31 = arith.addi %mul3A_2, %mul3A_30 : i32
      "tpu.region"() ({
        %run_scoped3A = tpu.sem_alloc : memref<!tpu.dma_semaphore, #tpu.memory_space<semaphore_mem>>
        %dma_start3A = tpu.memref_slice %arg3[%add3A_31] : memref<320000xf32, #tpu.memory_space<hbm>> -> memref<200xf32, #tpu.memory_space<hbm>>
        %dma_start3A_38 = tpu.memref_slice %arg3[%add3A_31] : memref<320000xf32, #tpu.memory_space<hbm>> -> memref<200xf32, #tpu.memory_space<hbm>>
        tpu.enqueue_dma source(%dma_start3A_38 : memref<200xf32, #tpu.memory_space<hbm>>) target(%arg6 : memref<200xf32, #tpu.memory_space<vmem>>) target_semaphore(%run_scoped3A : memref<!tpu.dma_semaphore, #tpu.memory_space<semaphore_mem>>)
        %dma_wait3A = tpu.memref_slice %arg3[%add3A_31] : memref<320000xf32, #tpu.memory_space<hbm>> -> memref<200xf32, #tpu.memory_space<hbm>>
        %dma_wait3A_39 = tpu.memref_slice %arg3[%add3A_31] : memref<320000xf32, #tpu.memory_space<hbm>> -> memref<200xf32, #tpu.memory_space<hbm>>
        tpu.wait_dma2 semaphore(%run_scoped3A : memref<!tpu.dma_semaphore, #tpu.memory_space<semaphore_mem>>) src(%dma_wait3A_39 : memref<200xf32, #tpu.memory_space<hbm>>) dst(%arg6 : memref<200xf32, #tpu.memory_space<vmem>>)
        tpu.yield
      }) : () -> ()
      "tpu.region"() ({
        %run_scoped3A = tpu.sem_alloc : memref<!tpu.dma_semaphore, #tpu.memory_space<semaphore_mem>>
        %dma_start3A = arith.constant 0 : i32
        %dma_start3A_38 = tpu.memref_slice %arg2[%add3A_31, %dma_start3A] : memref<320000x16xf32, #tpu.memory_space<hbm>> -> memref<200x16xf32, #tpu.memory_space<hbm>>
        %dma_start3A_39 = arith.constant 0 : i32
        %dma_start3A_40 = tpu.memref_slice %arg2[%add3A_31, %dma_start3A_39] : memref<320000x16xf32, #tpu.memory_space<hbm>> -> memref<200x16xf32, #tpu.memory_space<hbm>>
        tpu.enqueue_dma source(%dma_start3A_40 : memref<200x16xf32, #tpu.memory_space<hbm>>) target(%arg7 : memref<200x16xf32, #tpu.memory_space<vmem>>) target_semaphore(%run_scoped3A : memref<!tpu.dma_semaphore, #tpu.memory_space<semaphore_mem>>)
        %dma_wait3A = arith.constant 0 : i32
        %dma_wait3A_41 = tpu.memref_slice %arg2[%add3A_31, %dma_wait3A] : memref<320000x16xf32, #tpu.memory_space<hbm>> -> memref<200x16xf32, #tpu.memory_space<hbm>>
        %dma_wait3A_42 = arith.constant 0 : i32
        %dma_wait3A_43 = tpu.memref_slice %arg2[%add3A_31, %dma_wait3A_42] : memref<320000x16xf32, #tpu.memory_space<hbm>> -> memref<200x16xf32, #tpu.memory_space<hbm>>
        tpu.wait_dma2 semaphore(%run_scoped3A : memref<!tpu.dma_semaphore, #tpu.memory_space<semaphore_mem>>) src(%dma_wait3A_43 : memref<200x16xf32, #tpu.memory_space<hbm>>) dst(%arg7 : memref<200x16xf32, #tpu.memory_space<vmem>>)
        tpu.yield
      }) : () -> ()
      %scan3A_32 = arith.constant 0 : i32
      %scan3A_33 = arith.constant 0 : i32
      %scan3A_34 = arith.constant 200 : i32
      %scan3A_35 = arith.addi %scan3A_33, %scan3A_34 : i32
      %scan3A_36 = arith.constant 1 : i32
      scf.for %scan3A_38 = %scan3A_33 to %scan3A_35 step %scan3A_36  : i32 {
        %broadcast_in_dim3A_39 = vector.broadcast %scan3A_38 : i32 to vector<16xi32>
        %gather3A = tpu.vector_load_idx %arg6[%broadcast_in_dim3A_39] : memref<200xf32, #tpu.memory_space<vmem>>[vector<16xi32>], vector<16xf32>,
        %convert_element_type3A = arith.fptosi %gather3A : vector<16xf32> to vector<16xi32>
        %get3A = arith.index_cast %scan3A_38 : i32 to index
        %get3A_40 = arith.constant 0 : index
        %get3A_41 = tpu.vector_load %arg7[%get3A, %get3A_40] {strides = array<i32>} : memref<200x16xf32, #tpu.memory_space<vmem>>, vector<16xf32>,
        %mul3A_42 = arith.constant 4 : i32
        %mul3A_43 = vector.broadcast %mul3A_42 : i32 to vector<16xi32>
        %mul3A_44 = arith.muli %convert_element_type3A, %mul3A_43 : vector<16xi32>
        %add3A_45 = arith.addi %mul3A_44, %iota3A : vector<16xi32>
        %gather3A_46 = tpu.vector_load_idx %arg8[%add3A_45] masked %lt3A_7 : memref<40960xf32, #tpu.memory_space<vmem>>[vector<16xi32>], vector<16xf32>, vector<16xi1>
        %add3A_47 = arith.addf %gather3A_46, %get3A_41 : vector<16xf32>
        tpu.vector_store_idx %arg8[%add3A_45], %add3A_47 masked %lt3A_7 : memref<40960xf32, #tpu.memory_space<vmem>>[vector<16xi32>], vector<16xf32>, vector<16xi1>
        %mul3A_48 = arith.constant 3 : i32
        %mul3A_49 = vector.broadcast %mul3A_48 : i32 to vector<16xi32>
        %mul3A_50 = arith.muli %convert_element_type3A, %mul3A_49 : vector<16xi32>
        %add3A_51 = arith.addi %mul3A_50, %iota3A : vector<16xi32>
        %gather3A_52 = tpu.vector_load_idx %arg9[%add3A_51] masked %lt3A_10 : memref<30720xf32, #tpu.memory_space<vmem>>[vector<16xi32>], vector<16xf32>, vector<16xi1>
        %max3A = arith.maximumf %gather3A_52, %get3A_41 : vector<16xf32>
        tpu.vector_store_idx %arg9[%add3A_51], %max3A masked %lt3A_10 : memref<30720xf32, #tpu.memory_space<vmem>>[vector<16xi32>], vector<16xf32>, vector<16xi1>
      }
      %scan3A_37 = arith.constant 200 : i32
    }
    %scan3A_27 = arith.constant 50 : i32
    "tpu.region"() ({
      %run_scoped3A = tpu.sem_alloc : memref<!tpu.dma_semaphore, #tpu.memory_space<semaphore_mem>>
      %dma_start3A = arith.constant 0 : i32
      %dma_start3A_28 = tpu.memref_slice %arg4[%add3A, %dma_start3A] : memref<32x40960xf32, #tpu.memory_space<hbm>> -> memref<1x40960xf32, #tpu.memory_space<hbm>>
      %dma_start3A_29 = tpu.memref_squeeze %dma_start3A_28 : memref<1x40960xf32, #tpu.memory_space<hbm>> -> memref<40960xf32, #tpu.memory_space<hbm>>
      %dma_start3A_30 = arith.constant 0 : i32
      %dma_start3A_31 = tpu.memref_slice %arg4[%add3A, %dma_start3A_30] : memref<32x40960xf32, #tpu.memory_space<hbm>> -> memref<1x40960xf32, #tpu.memory_space<hbm>>
      %dma_start3A_32 = tpu.memref_squeeze %dma_start3A_31 : memref<1x40960xf32, #tpu.memory_space<hbm>> -> memref<40960xf32, #tpu.memory_space<hbm>>
      tpu.enqueue_dma source(%arg8 : memref<40960xf32, #tpu.memory_space<vmem>>) target(%dma_start3A_32 : memref<40960xf32, #tpu.memory_space<hbm>>) target_semaphore(%run_scoped3A : memref<!tpu.dma_semaphore, #tpu.memory_space<semaphore_mem>>)
      %dma_wait3A = arith.constant 0 : i32
      %dma_wait3A_33 = tpu.memref_slice %arg4[%add3A, %dma_wait3A] : memref<32x40960xf32, #tpu.memory_space<hbm>> -> memref<1x40960xf32, #tpu.memory_space<hbm>>
      %dma_wait3A_34 = tpu.memref_squeeze %dma_wait3A_33 : memref<1x40960xf32, #tpu.memory_space<hbm>> -> memref<40960xf32, #tpu.memory_space<hbm>>
      %dma_wait3A_35 = arith.constant 0 : i32
      %dma_wait3A_36 = tpu.memref_slice %arg4[%add3A, %dma_wait3A_35] : memref<32x40960xf32, #tpu.memory_space<hbm>> -> memref<1x40960xf32, #tpu.memory_space<hbm>>
      %dma_wait3A_37 = tpu.memref_squeeze %dma_wait3A_36 : memref<1x40960xf32, #tpu.memory_space<hbm>> -> memref<40960xf32, #tpu.memory_space<hbm>>
      tpu.wait_dma2 semaphore(%run_scoped3A : memref<!tpu.dma_semaphore, #tpu.memory_space<semaphore_mem>>) src(%arg8 : memref<40960xf32, #tpu.memory_space<vmem>>) dst(%dma_wait3A_37 : memref<40960xf32, #tpu.memory_space<hbm>>)
      tpu.yield
    }) : () -> ()
    "tpu.region"() ({
      %run_scoped3A = tpu.sem_alloc : memref<!tpu.dma_semaphore, #tpu.memory_space<semaphore_mem>>
      %dma_start3A = arith.constant 0 : i32
      %dma_start3A_28 = tpu.memref_slice %arg5[%add3A, %dma_start3A] : memref<32x30720xf32, #tpu.memory_space<hbm>> -> memref<1x30720xf32, #tpu.memory_space<hbm>>
      %dma_start3A_29 = tpu.memref_squeeze %dma_start3A_28 : memref<1x30720xf32, #tpu.memory_space<hbm>> -> memref<30720xf32, #tpu.memory_space<hbm>>
      %dma_start3A_30 = arith.constant 0 : i32
      %dma_start3A_31 = tpu.memref_slice %arg5[%add3A, %dma_start3A_30] : memref<32x30720xf32, #tpu.memory_space<hbm>> -> memref<1x30720xf32, #tpu.memory_space<hbm>>
      %dma_start3A_32 = tpu.memref_squeeze %dma_start3A_31 : memref<1x30720xf32, #tpu.memory_space<hbm>> -> memref<30720xf32, #tpu.memory_space<hbm>>
      tpu.enqueue_dma source(%arg9 : memref<30720xf32, #tpu.memory_space<vmem>>) target(%dma_start3A_32 : memref<30720xf32, #tpu.memory_space<hbm>>) target_semaphore(%run_scoped3A : memref<!tpu.dma_semaphore, #tpu.memory_space<semaphore_mem>>)
      %dma_wait3A = arith.constant 0 : i32
      %dma_wait3A_33 = tpu.memref_slice %arg5[%add3A, %dma_wait3A] : memref<32x30720xf32, #tpu.memory_space<hbm>> -> memref<1x30720xf32, #tpu.memory_space<hbm>>
      %dma_wait3A_34 = tpu.memref_squeeze %dma_wait3A_33 : memref<1x30720xf32, #tpu.memory_space<hbm>> -> memref<30720xf32, #tpu.memory_space<hbm>>
      %dma_wait3A_35 = arith.constant 0 : i32
      %dma_wait3A_36 = tpu.memref_slice %arg5[%add3A, %dma_wait3A_35] : memref<32x30720xf32, #tpu.memory_space<hbm>> -> memref<1x30720xf32, #tpu.memory_space<hbm>>
      %dma_wait3A_37 = tpu.memref_squeeze %dma_wait3A_36 : memref<1x30720xf32, #tpu.memory_space<hbm>> -> memref<30720xf32, #tpu.memory_space<hbm>>
      tpu.wait_dma2 semaphore(%run_scoped3A : memref<!tpu.dma_semaphore, #tpu.memory_space<semaphore_mem>>) src(%arg9 : memref<30720xf32, #tpu.memory_space<vmem>>) dst(%dma_wait3A_37 : memref<30720xf32, #tpu.memory_space<hbm>>)
      tpu.yield
    }) : () -> ()
    return
  }
}

#map = affine_map<(d0, d1) -> (0, 0)>
#map1 = affine_map<(d0, d1) -> (0)>
module attributes {stable_mosaic.version = 14 : i64} {
  func.func @_sc_pool(%arg0: i32, %arg1: i32, %arg2: memref<10240x128xf32, #tpu.memory_space<hbm>>, %arg3: memref<10240xf32, #tpu.memory_space<hbm>>, %arg4: memref<32x8320xf32, #tpu.memory_space<hbm>>, %arg5: memref<32x8320xf32, #tpu.memory_space<hbm>>, %arg6: memref<32x1040xf32, #tpu.memory_space<hbm>>, %arg7: memref<320xf32, #tpu.memory_space<vmem>>, %arg8: memref<32x128xf32, #tpu.memory_space<vmem>>, %arg9: memref<8320xf32, #tpu.memory_space<vmem>>, %arg10: memref<8320xf32, #tpu.memory_space<vmem>>, %arg11: memref<1040xf32, #tpu.memory_space<vmem>>) attributes {dimension_semantics = [#tpu.dimension_semantics<core_parallel>, #tpu.dimension_semantics<subcore_parallel>], iteration_bounds = array<i64: 2, 16>, scalar_prefetch = 0 : i64, scratch_operands = 5 : i64, tpu.core_type = #tpu.core_type<sc_vector_subcore>, window_params = [{transform_indices = #map}, {transform_indices = #map1}, {transform_indices = #map}, {transform_indices = #map}, {transform_indices = #map}]} {
    %mul3A = arith.constant 2 : i32
    %mul3A_0 = arith.muli %arg1, %mul3A : i32
    %add3A = arith.addi %mul3A_0, %arg0 : i32
    %mul3A_1 = arith.constant 320 : i32
    %mul3A_2 = arith.muli %add3A, %mul3A_1 : i32
    %iota3A = tpu.iota {dimensions = array<i32: 0>} : vector<16xi32>
    %broadcast_in_dim3A = arith.constant 0.000000e+00 : f32
    %broadcast_in_dim3A_3 = vector.broadcast %broadcast_in_dim3A : f32 to vector<16xf32>
    %broadcast_in_dim3A_4 = arith.constant 1.000000e+00 : f32
    %broadcast_in_dim3A_5 = vector.broadcast %broadcast_in_dim3A_4 : f32 to vector<16xf32>
    %broadcast_in_dim3A_6 = arith.constant 0xFF800000 : f32
    %broadcast_in_dim3A_7 = vector.broadcast %broadcast_in_dim3A_6 : f32 to vector<16xf32>
    %scan3A = arith.constant 0 : i32
    %scan3A_8 = arith.constant 0 : i32
    %scan3A_9 = arith.constant 520 : i32
    %scan3A_10 = arith.addi %scan3A_8, %scan3A_9 : i32
    %scan3A_11 = arith.constant 1 : i32
    scf.for %scan3A_25 = %scan3A_8 to %scan3A_10 step %scan3A_11  : i32 {
      %mul3A_26 = arith.constant 16 : i32
      %mul3A_27 = arith.muli %scan3A_25, %mul3A_26 : i32
      %swap3A = arith.index_cast %mul3A_27 : i32 to index
      %swap3A_28 = tpu.vector_load %arg9[%swap3A] {strides = array<i32>} : memref<8320xf32, #tpu.memory_space<vmem>>, vector<16xf32>,
      tpu.vector_store %arg9[%swap3A], %broadcast_in_dim3A_3 {strides = array<i32>} : memref<8320xf32, #tpu.memory_space<vmem>>, vector<16xf32>,
      %mul3A_29 = arith.constant 16 : i32
      %mul3A_30 = arith.muli %scan3A_25, %mul3A_29 : i32
      %swap3A_31 = arith.index_cast %mul3A_30 : i32 to index
      %swap3A_32 = tpu.vector_load %arg10[%swap3A_31] {strides = array<i32>} : memref<8320xf32, #tpu.memory_space<vmem>>, vector<16xf32>,
      tpu.vector_store %arg10[%swap3A_31], %broadcast_in_dim3A_7 {strides = array<i32>} : memref<8320xf32, #tpu.memory_space<vmem>>, vector<16xf32>,
    }
    %scan3A_12 = arith.constant 520 : i32
    %scan3A_13 = arith.constant 0 : i32
    %scan3A_14 = arith.constant 0 : i32
    %scan3A_15 = arith.constant 65 : i32
    %scan3A_16 = arith.addi %scan3A_14, %scan3A_15 : i32
    %scan3A_17 = arith.constant 1 : i32
    scf.for %scan3A_25 = %scan3A_14 to %scan3A_16 step %scan3A_17  : i32 {
      %mul3A_26 = arith.constant 16 : i32
      %mul3A_27 = arith.muli %scan3A_25, %mul3A_26 : i32
      %swap3A = arith.index_cast %mul3A_27 : i32 to index
      %swap3A_28 = tpu.vector_load %arg11[%swap3A] {strides = array<i32>} : memref<1040xf32, #tpu.memory_space<vmem>>, vector<16xf32>,
      tpu.vector_store %arg11[%swap3A], %broadcast_in_dim3A_3 {strides = array<i32>} : memref<1040xf32, #tpu.memory_space<vmem>>, vector<16xf32>,
    }
    %scan3A_18 = arith.constant 65 : i32
    "tpu.region"() ({
      %run_scoped3A = tpu.sem_alloc : memref<!tpu.dma_semaphore, #tpu.memory_space<semaphore_mem>>
      %dma_start3A = tpu.memref_slice %arg3[%mul3A_2] : memref<10240xf32, #tpu.memory_space<hbm>> -> memref<320xf32, #tpu.memory_space<hbm>>
      %dma_start3A_25 = tpu.memref_slice %arg3[%mul3A_2] : memref<10240xf32, #tpu.memory_space<hbm>> -> memref<320xf32, #tpu.memory_space<hbm>>
      tpu.enqueue_dma source(%dma_start3A_25 : memref<320xf32, #tpu.memory_space<hbm>>) target(%arg7 : memref<320xf32, #tpu.memory_space<vmem>>) target_semaphore(%run_scoped3A : memref<!tpu.dma_semaphore, #tpu.memory_space<semaphore_mem>>)
      %dma_wait3A = tpu.memref_slice %arg3[%mul3A_2] : memref<10240xf32, #tpu.memory_space<hbm>> -> memref<320xf32, #tpu.memory_space<hbm>>
      %dma_wait3A_26 = tpu.memref_slice %arg3[%mul3A_2] : memref<10240xf32, #tpu.memory_space<hbm>> -> memref<320xf32, #tpu.memory_space<hbm>>
      tpu.wait_dma2 semaphore(%run_scoped3A : memref<!tpu.dma_semaphore, #tpu.memory_space<semaphore_mem>>) src(%dma_wait3A_26 : memref<320xf32, #tpu.memory_space<hbm>>) dst(%arg7 : memref<320xf32, #tpu.memory_space<vmem>>)
      tpu.yield
    }) : () -> ()
    %scan3A_19 = arith.constant 0 : i32
    %scan3A_20 = arith.constant 0 : i32
    %scan3A_21 = arith.constant 10 : i32
    %scan3A_22 = arith.addi %scan3A_20, %scan3A_21 : i32
    %scan3A_23 = arith.constant 1 : i32
    scf.for %scan3A_25 = %scan3A_20 to %scan3A_22 step %scan3A_23  : i32 {
      %mul3A_26 = arith.constant 32 : i32
      %mul3A_27 = arith.muli %scan3A_25, %mul3A_26 : i32
      %add3A_28 = arith.addi %mul3A_2, %mul3A_27 : i32
      "tpu.region"() ({
        %run_scoped3A = tpu.sem_alloc : memref<!tpu.dma_semaphore, #tpu.memory_space<semaphore_mem>>
        %dma_start3A = arith.constant 0 : i32
        %dma_start3A_35 = tpu.memref_slice %arg2[%add3A_28, %dma_start3A] : memref<10240x128xf32, #tpu.memory_space<hbm>> -> memref<32x128xf32, #tpu.memory_space<hbm>>
        %dma_start3A_36 = arith.constant 0 : i32
        %dma_start3A_37 = tpu.memref_slice %arg2[%add3A_28, %dma_start3A_36] : memref<10240x128xf32, #tpu.memory_space<hbm>> -> memref<32x128xf32, #tpu.memory_space<hbm>>
        tpu.enqueue_dma source(%dma_start3A_37 : memref<32x128xf32, #tpu.memory_space<hbm>>) target(%arg8 : memref<32x128xf32, #tpu.memory_space<vmem>>) target_semaphore(%run_scoped3A : memref<!tpu.dma_semaphore, #tpu.memory_space<semaphore_mem>>)
        %dma_wait3A = arith.constant 0 : i32
        %dma_wait3A_38 = tpu.memref_slice %arg2[%add3A_28, %dma_wait3A] : memref<10240x128xf32, #tpu.memory_space<hbm>> -> memref<32x128xf32, #tpu.memory_space<hbm>>
        %dma_wait3A_39 = arith.constant 0 : i32
        %dma_wait3A_40 = tpu.memref_slice %arg2[%add3A_28, %dma_wait3A_39] : memref<10240x128xf32, #tpu.memory_space<hbm>> -> memref<32x128xf32, #tpu.memory_space<hbm>>
        tpu.wait_dma2 semaphore(%run_scoped3A : memref<!tpu.dma_semaphore, #tpu.memory_space<semaphore_mem>>) src(%dma_wait3A_40 : memref<32x128xf32, #tpu.memory_space<hbm>>) dst(%arg8 : memref<32x128xf32, #tpu.memory_space<vmem>>)
        tpu.yield
      }) : () -> ()
      %scan3A_29 = arith.constant 0 : i32
      %scan3A_30 = arith.constant 0 : i32
      %scan3A_31 = arith.constant 32 : i32
      %scan3A_32 = arith.addi %scan3A_30, %scan3A_31 : i32
      %scan3A_33 = arith.constant 1 : i32
      scf.for %scan3A_35 = %scan3A_30 to %scan3A_32 step %scan3A_33  : i32 {
        %mul3A_36 = arith.constant 32 : i32
        %mul3A_37 = arith.muli %scan3A_25, %mul3A_36 : i32
        %add3A_38 = arith.addi %mul3A_37, %scan3A_35 : i32
        %broadcast_in_dim3A_39 = vector.broadcast %add3A_38 : i32 to vector<16xi32>
        %gather3A = tpu.vector_load_idx %arg7[%broadcast_in_dim3A_39] : memref<320xf32, #tpu.memory_space<vmem>>[vector<16xi32>], vector<16xf32>,
        %convert_element_type3A = arith.fptosi %gather3A : vector<16xf32> to vector<16xi32>
        %mul3A_40 = arith.constant 16 : i32
        %mul3A_41 = vector.broadcast %mul3A_40 : i32 to vector<16xi32>
        %mul3A_42 = arith.muli %convert_element_type3A, %mul3A_41 : vector<16xi32>
        %add3A_43 = arith.addi %mul3A_42, %iota3A : vector<16xi32>
        %gather3A_44 = tpu.vector_load_idx %arg11[%add3A_43] : memref<1040xf32, #tpu.memory_space<vmem>>[vector<16xi32>], vector<16xf32>,
        %add3A_45 = arith.addf %gather3A_44, %broadcast_in_dim3A_5 : vector<16xf32>
        tpu.vector_store_idx %arg11[%add3A_43], %add3A_45 : memref<1040xf32, #tpu.memory_space<vmem>>[vector<16xi32>], vector<16xf32>,
        %get3A = arith.index_cast %scan3A_35 : i32 to index
        %get3A_46 = arith.constant 0 : index
        %get3A_47 = tpu.vector_load %arg8[%get3A, %get3A_46] {strides = array<i32>} : memref<32x128xf32, #tpu.memory_space<vmem>>, vector<16xf32>,
        %mul3A_48 = arith.constant 128 : i32
        %mul3A_49 = vector.broadcast %mul3A_48 : i32 to vector<16xi32>
        %mul3A_50 = arith.muli %convert_element_type3A, %mul3A_49 : vector<16xi32>
        %add3A_51 = arith.constant 0 : i32
        %add3A_52 = vector.broadcast %add3A_51 : i32 to vector<16xi32>
        %add3A_53 = arith.addi %mul3A_50, %add3A_52 : vector<16xi32>
        %add3A_54 = arith.addi %add3A_53, %iota3A : vector<16xi32>
        %gather3A_55 = tpu.vector_load_idx %arg9[%add3A_54] : memref<8320xf32, #tpu.memory_space<vmem>>[vector<16xi32>], vector<16xf32>,
        %add3A_56 = arith.addf %gather3A_55, %get3A_47 : vector<16xf32>
        tpu.vector_store_idx %arg9[%add3A_54], %add3A_56 : memref<8320xf32, #tpu.memory_space<vmem>>[vector<16xi32>], vector<16xf32>,
        %gather3A_57 = tpu.vector_load_idx %arg10[%add3A_54] : memref<8320xf32, #tpu.memory_space<vmem>>[vector<16xi32>], vector<16xf32>,
        %max3A = arith.maximumf %gather3A_57, %get3A_47 : vector<16xf32>
        tpu.vector_store_idx %arg10[%add3A_54], %max3A : memref<8320xf32, #tpu.memory_space<vmem>>[vector<16xi32>], vector<16xf32>,
        %get3A_58 = arith.index_cast %scan3A_35 : i32 to index
        %get3A_59 = arith.constant 16 : index
        %get3A_60 = tpu.vector_load %arg8[%get3A_58, %get3A_59] {strides = array<i32>} : memref<32x128xf32, #tpu.memory_space<vmem>>, vector<16xf32>,
        %mul3A_61 = arith.constant 128 : i32
        %mul3A_62 = vector.broadcast %mul3A_61 : i32 to vector<16xi32>
        %mul3A_63 = arith.muli %convert_element_type3A, %mul3A_62 : vector<16xi32>
        %add3A_64 = arith.constant 16 : i32
        %add3A_65 = vector.broadcast %add3A_64 : i32 to vector<16xi32>
        %add3A_66 = arith.addi %mul3A_63, %add3A_65 : vector<16xi32>
        %add3A_67 = arith.addi %add3A_66, %iota3A : vector<16xi32>
        %gather3A_68 = tpu.vector_load_idx %arg9[%add3A_67] : memref<8320xf32, #tpu.memory_space<vmem>>[vector<16xi32>], vector<16xf32>,
        %add3A_69 = arith.addf %gather3A_68, %get3A_60 : vector<16xf32>
        tpu.vector_store_idx %arg9[%add3A_67], %add3A_69 : memref<8320xf32, #tpu.memory_space<vmem>>[vector<16xi32>], vector<16xf32>,
        %gather3A_70 = tpu.vector_load_idx %arg10[%add3A_67] : memref<8320xf32, #tpu.memory_space<vmem>>[vector<16xi32>], vector<16xf32>,
        %max3A_71 = arith.maximumf %gather3A_70, %get3A_60 : vector<16xf32>
        tpu.vector_store_idx %arg10[%add3A_67], %max3A_71 : memref<8320xf32, #tpu.memory_space<vmem>>[vector<16xi32>], vector<16xf32>,
        %get3A_72 = arith.index_cast %scan3A_35 : i32 to index
        %get3A_73 = arith.constant 32 : index
        %get3A_74 = tpu.vector_load %arg8[%get3A_72, %get3A_73] {strides = array<i32>} : memref<32x128xf32, #tpu.memory_space<vmem>>, vector<16xf32>,
        %mul3A_75 = arith.constant 128 : i32
        %mul3A_76 = vector.broadcast %mul3A_75 : i32 to vector<16xi32>
        %mul3A_77 = arith.muli %convert_element_type3A, %mul3A_76 : vector<16xi32>
        %add3A_78 = arith.constant 32 : i32
        %add3A_79 = vector.broadcast %add3A_78 : i32 to vector<16xi32>
        %add3A_80 = arith.addi %mul3A_77, %add3A_79 : vector<16xi32>
        %add3A_81 = arith.addi %add3A_80, %iota3A : vector<16xi32>
        %gather3A_82 = tpu.vector_load_idx %arg9[%add3A_81] : memref<8320xf32, #tpu.memory_space<vmem>>[vector<16xi32>], vector<16xf32>,
        %add3A_83 = arith.addf %gather3A_82, %get3A_74 : vector<16xf32>
        tpu.vector_store_idx %arg9[%add3A_81], %add3A_83 : memref<8320xf32, #tpu.memory_space<vmem>>[vector<16xi32>], vector<16xf32>,
        %gather3A_84 = tpu.vector_load_idx %arg10[%add3A_81] : memref<8320xf32, #tpu.memory_space<vmem>>[vector<16xi32>], vector<16xf32>,
        %max3A_85 = arith.maximumf %gather3A_84, %get3A_74 : vector<16xf32>
        tpu.vector_store_idx %arg10[%add3A_81], %max3A_85 : memref<8320xf32, #tpu.memory_space<vmem>>[vector<16xi32>], vector<16xf32>,
        %get3A_86 = arith.index_cast %scan3A_35 : i32 to index
        %get3A_87 = arith.constant 48 : index
        %get3A_88 = tpu.vector_load %arg8[%get3A_86, %get3A_87] {strides = array<i32>} : memref<32x128xf32, #tpu.memory_space<vmem>>, vector<16xf32>,
        %mul3A_89 = arith.constant 128 : i32
        %mul3A_90 = vector.broadcast %mul3A_89 : i32 to vector<16xi32>
        %mul3A_91 = arith.muli %convert_element_type3A, %mul3A_90 : vector<16xi32>
        %add3A_92 = arith.constant 48 : i32
        %add3A_93 = vector.broadcast %add3A_92 : i32 to vector<16xi32>
        %add3A_94 = arith.addi %mul3A_91, %add3A_93 : vector<16xi32>
        %add3A_95 = arith.addi %add3A_94, %iota3A : vector<16xi32>
        %gather3A_96 = tpu.vector_load_idx %arg9[%add3A_95] : memref<8320xf32, #tpu.memory_space<vmem>>[vector<16xi32>], vector<16xf32>,
        %add3A_97 = arith.addf %gather3A_96, %get3A_88 : vector<16xf32>
        tpu.vector_store_idx %arg9[%add3A_95], %add3A_97 : memref<8320xf32, #tpu.memory_space<vmem>>[vector<16xi32>], vector<16xf32>,
        %gather3A_98 = tpu.vector_load_idx %arg10[%add3A_95] : memref<8320xf32, #tpu.memory_space<vmem>>[vector<16xi32>], vector<16xf32>,
        %max3A_99 = arith.maximumf %gather3A_98, %get3A_88 : vector<16xf32>
        tpu.vector_store_idx %arg10[%add3A_95], %max3A_99 : memref<8320xf32, #tpu.memory_space<vmem>>[vector<16xi32>], vector<16xf32>,
        %get3A_100 = arith.index_cast %scan3A_35 : i32 to index
        %get3A_101 = arith.constant 64 : index
        %get3A_102 = tpu.vector_load %arg8[%get3A_100, %get3A_101] {strides = array<i32>} : memref<32x128xf32, #tpu.memory_space<vmem>>, vector<16xf32>,
        %mul3A_103 = arith.constant 128 : i32
        %mul3A_104 = vector.broadcast %mul3A_103 : i32 to vector<16xi32>
        %mul3A_105 = arith.muli %convert_element_type3A, %mul3A_104 : vector<16xi32>
        %add3A_106 = arith.constant 64 : i32
        %add3A_107 = vector.broadcast %add3A_106 : i32 to vector<16xi32>
        %add3A_108 = arith.addi %mul3A_105, %add3A_107 : vector<16xi32>
        %add3A_109 = arith.addi %add3A_108, %iota3A : vector<16xi32>
        %gather3A_110 = tpu.vector_load_idx %arg9[%add3A_109] : memref<8320xf32, #tpu.memory_space<vmem>>[vector<16xi32>], vector<16xf32>,
        %add3A_111 = arith.addf %gather3A_110, %get3A_102 : vector<16xf32>
        tpu.vector_store_idx %arg9[%add3A_109], %add3A_111 : memref<8320xf32, #tpu.memory_space<vmem>>[vector<16xi32>], vector<16xf32>,
        %gather3A_112 = tpu.vector_load_idx %arg10[%add3A_109] : memref<8320xf32, #tpu.memory_space<vmem>>[vector<16xi32>], vector<16xf32>,
        %max3A_113 = arith.maximumf %gather3A_112, %get3A_102 : vector<16xf32>
        tpu.vector_store_idx %arg10[%add3A_109], %max3A_113 : memref<8320xf32, #tpu.memory_space<vmem>>[vector<16xi32>], vector<16xf32>,
        %get3A_114 = arith.index_cast %scan3A_35 : i32 to index
        %get3A_115 = arith.constant 80 : index
        %get3A_116 = tpu.vector_load %arg8[%get3A_114, %get3A_115] {strides = array<i32>} : memref<32x128xf32, #tpu.memory_space<vmem>>, vector<16xf32>,
        %mul3A_117 = arith.constant 128 : i32
        %mul3A_118 = vector.broadcast %mul3A_117 : i32 to vector<16xi32>
        %mul3A_119 = arith.muli %convert_element_type3A, %mul3A_118 : vector<16xi32>
        %add3A_120 = arith.constant 80 : i32
        %add3A_121 = vector.broadcast %add3A_120 : i32 to vector<16xi32>
        %add3A_122 = arith.addi %mul3A_119, %add3A_121 : vector<16xi32>
        %add3A_123 = arith.addi %add3A_122, %iota3A : vector<16xi32>
        %gather3A_124 = tpu.vector_load_idx %arg9[%add3A_123] : memref<8320xf32, #tpu.memory_space<vmem>>[vector<16xi32>], vector<16xf32>,
        %add3A_125 = arith.addf %gather3A_124, %get3A_116 : vector<16xf32>
        tpu.vector_store_idx %arg9[%add3A_123], %add3A_125 : memref<8320xf32, #tpu.memory_space<vmem>>[vector<16xi32>], vector<16xf32>,
        %gather3A_126 = tpu.vector_load_idx %arg10[%add3A_123] : memref<8320xf32, #tpu.memory_space<vmem>>[vector<16xi32>], vector<16xf32>,
        %max3A_127 = arith.maximumf %gather3A_126, %get3A_116 : vector<16xf32>
        tpu.vector_store_idx %arg10[%add3A_123], %max3A_127 : memref<8320xf32, #tpu.memory_space<vmem>>[vector<16xi32>], vector<16xf32>,
        %get3A_128 = arith.index_cast %scan3A_35 : i32 to index
        %get3A_129 = arith.constant 96 : index
        %get3A_130 = tpu.vector_load %arg8[%get3A_128, %get3A_129] {strides = array<i32>} : memref<32x128xf32, #tpu.memory_space<vmem>>, vector<16xf32>,
        %mul3A_131 = arith.constant 128 : i32
        %mul3A_132 = vector.broadcast %mul3A_131 : i32 to vector<16xi32>
        %mul3A_133 = arith.muli %convert_element_type3A, %mul3A_132 : vector<16xi32>
        %add3A_134 = arith.constant 96 : i32
        %add3A_135 = vector.broadcast %add3A_134 : i32 to vector<16xi32>
        %add3A_136 = arith.addi %mul3A_133, %add3A_135 : vector<16xi32>
        %add3A_137 = arith.addi %add3A_136, %iota3A : vector<16xi32>
        %gather3A_138 = tpu.vector_load_idx %arg9[%add3A_137] : memref<8320xf32, #tpu.memory_space<vmem>>[vector<16xi32>], vector<16xf32>,
        %add3A_139 = arith.addf %gather3A_138, %get3A_130 : vector<16xf32>
        tpu.vector_store_idx %arg9[%add3A_137], %add3A_139 : memref<8320xf32, #tpu.memory_space<vmem>>[vector<16xi32>], vector<16xf32>,
        %gather3A_140 = tpu.vector_load_idx %arg10[%add3A_137] : memref<8320xf32, #tpu.memory_space<vmem>>[vector<16xi32>], vector<16xf32>,
        %max3A_141 = arith.maximumf %gather3A_140, %get3A_130 : vector<16xf32>
        tpu.vector_store_idx %arg10[%add3A_137], %max3A_141 : memref<8320xf32, #tpu.memory_space<vmem>>[vector<16xi32>], vector<16xf32>,
        %get3A_142 = arith.index_cast %scan3A_35 : i32 to index
        %get3A_143 = arith.constant 112 : index
        %get3A_144 = tpu.vector_load %arg8[%get3A_142, %get3A_143] {strides = array<i32>} : memref<32x128xf32, #tpu.memory_space<vmem>>, vector<16xf32>,
        %mul3A_145 = arith.constant 128 : i32
        %mul3A_146 = vector.broadcast %mul3A_145 : i32 to vector<16xi32>
        %mul3A_147 = arith.muli %convert_element_type3A, %mul3A_146 : vector<16xi32>
        %add3A_148 = arith.constant 112 : i32
        %add3A_149 = vector.broadcast %add3A_148 : i32 to vector<16xi32>
        %add3A_150 = arith.addi %mul3A_147, %add3A_149 : vector<16xi32>
        %add3A_151 = arith.addi %add3A_150, %iota3A : vector<16xi32>
        %gather3A_152 = tpu.vector_load_idx %arg9[%add3A_151] : memref<8320xf32, #tpu.memory_space<vmem>>[vector<16xi32>], vector<16xf32>,
        %add3A_153 = arith.addf %gather3A_152, %get3A_144 : vector<16xf32>
        tpu.vector_store_idx %arg9[%add3A_151], %add3A_153 : memref<8320xf32, #tpu.memory_space<vmem>>[vector<16xi32>], vector<16xf32>,
        %gather3A_154 = tpu.vector_load_idx %arg10[%add3A_151] : memref<8320xf32, #tpu.memory_space<vmem>>[vector<16xi32>], vector<16xf32>,
        %max3A_155 = arith.maximumf %gather3A_154, %get3A_144 : vector<16xf32>
        tpu.vector_store_idx %arg10[%add3A_151], %max3A_155 : memref<8320xf32, #tpu.memory_space<vmem>>[vector<16xi32>], vector<16xf32>,
      }
      %scan3A_34 = arith.constant 32 : i32
    }
    %scan3A_24 = arith.constant 10 : i32
    "tpu.region"() ({
      %run_scoped3A = tpu.sem_alloc : memref<!tpu.dma_semaphore, #tpu.memory_space<semaphore_mem>>
      %dma_start3A = arith.constant 0 : i32
      %dma_start3A_25 = tpu.memref_slice %arg4[%add3A, %dma_start3A] : memref<32x8320xf32, #tpu.memory_space<hbm>> -> memref<1x8320xf32, #tpu.memory_space<hbm>>
      %dma_start3A_26 = tpu.memref_squeeze %dma_start3A_25 : memref<1x8320xf32, #tpu.memory_space<hbm>> -> memref<8320xf32, #tpu.memory_space<hbm>>
      %dma_start3A_27 = arith.constant 0 : i32
      %dma_start3A_28 = tpu.memref_slice %arg4[%add3A, %dma_start3A_27] : memref<32x8320xf32, #tpu.memory_space<hbm>> -> memref<1x8320xf32, #tpu.memory_space<hbm>>
      %dma_start3A_29 = tpu.memref_squeeze %dma_start3A_28 : memref<1x8320xf32, #tpu.memory_space<hbm>> -> memref<8320xf32, #tpu.memory_space<hbm>>
      tpu.enqueue_dma source(%arg9 : memref<8320xf32, #tpu.memory_space<vmem>>) target(%dma_start3A_29 : memref<8320xf32, #tpu.memory_space<hbm>>) target_semaphore(%run_scoped3A : memref<!tpu.dma_semaphore, #tpu.memory_space<semaphore_mem>>)
      %dma_wait3A = arith.constant 0 : i32
      %dma_wait3A_30 = tpu.memref_slice %arg4[%add3A, %dma_wait3A] : memref<32x8320xf32, #tpu.memory_space<hbm>> -> memref<1x8320xf32, #tpu.memory_space<hbm>>
      %dma_wait3A_31 = tpu.memref_squeeze %dma_wait3A_30 : memref<1x8320xf32, #tpu.memory_space<hbm>> -> memref<8320xf32, #tpu.memory_space<hbm>>
      %dma_wait3A_32 = arith.constant 0 : i32
      %dma_wait3A_33 = tpu.memref_slice %arg4[%add3A, %dma_wait3A_32] : memref<32x8320xf32, #tpu.memory_space<hbm>> -> memref<1x8320xf32, #tpu.memory_space<hbm>>
      %dma_wait3A_34 = tpu.memref_squeeze %dma_wait3A_33 : memref<1x8320xf32, #tpu.memory_space<hbm>> -> memref<8320xf32, #tpu.memory_space<hbm>>
      tpu.wait_dma2 semaphore(%run_scoped3A : memref<!tpu.dma_semaphore, #tpu.memory_space<semaphore_mem>>) src(%arg9 : memref<8320xf32, #tpu.memory_space<vmem>>) dst(%dma_wait3A_34 : memref<8320xf32, #tpu.memory_space<hbm>>)
      tpu.yield
    }) : () -> ()
    "tpu.region"() ({
      %run_scoped3A = tpu.sem_alloc : memref<!tpu.dma_semaphore, #tpu.memory_space<semaphore_mem>>
      %dma_start3A = arith.constant 0 : i32
      %dma_start3A_25 = tpu.memref_slice %arg5[%add3A, %dma_start3A] : memref<32x8320xf32, #tpu.memory_space<hbm>> -> memref<1x8320xf32, #tpu.memory_space<hbm>>
      %dma_start3A_26 = tpu.memref_squeeze %dma_start3A_25 : memref<1x8320xf32, #tpu.memory_space<hbm>> -> memref<8320xf32, #tpu.memory_space<hbm>>
      %dma_start3A_27 = arith.constant 0 : i32
      %dma_start3A_28 = tpu.memref_slice %arg5[%add3A, %dma_start3A_27] : memref<32x8320xf32, #tpu.memory_space<hbm>> -> memref<1x8320xf32, #tpu.memory_space<hbm>>
      %dma_start3A_29 = tpu.memref_squeeze %dma_start3A_28 : memref<1x8320xf32, #tpu.memory_space<hbm>> -> memref<8320xf32, #tpu.memory_space<hbm>>
      tpu.enqueue_dma source(%arg10 : memref<8320xf32, #tpu.memory_space<vmem>>) target(%dma_start3A_29 : memref<8320xf32, #tpu.memory_space<hbm>>) target_semaphore(%run_scoped3A : memref<!tpu.dma_semaphore, #tpu.memory_space<semaphore_mem>>)
      %dma_wait3A = arith.constant 0 : i32
      %dma_wait3A_30 = tpu.memref_slice %arg5[%add3A, %dma_wait3A] : memref<32x8320xf32, #tpu.memory_space<hbm>> -> memref<1x8320xf32, #tpu.memory_space<hbm>>
      %dma_wait3A_31 = tpu.memref_squeeze %dma_wait3A_30 : memref<1x8320xf32, #tpu.memory_space<hbm>> -> memref<8320xf32, #tpu.memory_space<hbm>>
      %dma_wait3A_32 = arith.constant 0 : i32
      %dma_wait3A_33 = tpu.memref_slice %arg5[%add3A, %dma_wait3A_32] : memref<32x8320xf32, #tpu.memory_space<hbm>> -> memref<1x8320xf32, #tpu.memory_space<hbm>>
      %dma_wait3A_34 = tpu.memref_squeeze %dma_wait3A_33 : memref<1x8320xf32, #tpu.memory_space<hbm>> -> memref<8320xf32, #tpu.memory_space<hbm>>
      tpu.wait_dma2 semaphore(%run_scoped3A : memref<!tpu.dma_semaphore, #tpu.memory_space<semaphore_mem>>) src(%arg10 : memref<8320xf32, #tpu.memory_space<vmem>>) dst(%dma_wait3A_34 : memref<8320xf32, #tpu.memory_space<hbm>>)
      tpu.yield
    }) : () -> ()
    "tpu.region"() ({
      %run_scoped3A = tpu.sem_alloc : memref<!tpu.dma_semaphore, #tpu.memory_space<semaphore_mem>>
      %dma_start3A = arith.constant 0 : i32
      %dma_start3A_25 = tpu.memref_slice %arg6[%add3A, %dma_start3A] : memref<32x1040xf32, #tpu.memory_space<hbm>> -> memref<1x1040xf32, #tpu.memory_space<hbm>>
      %dma_start3A_26 = tpu.memref_squeeze %dma_start3A_25 : memref<1x1040xf32, #tpu.memory_space<hbm>> -> memref<1040xf32, #tpu.memory_space<hbm>>
      %dma_start3A_27 = arith.constant 0 : i32
      %dma_start3A_28 = tpu.memref_slice %arg6[%add3A, %dma_start3A_27] : memref<32x1040xf32, #tpu.memory_space<hbm>> -> memref<1x1040xf32, #tpu.memory_space<hbm>>
      %dma_start3A_29 = tpu.memref_squeeze %dma_start3A_28 : memref<1x1040xf32, #tpu.memory_space<hbm>> -> memref<1040xf32, #tpu.memory_space<hbm>>
      tpu.enqueue_dma source(%arg11 : memref<1040xf32, #tpu.memory_space<vmem>>) target(%dma_start3A_29 : memref<1040xf32, #tpu.memory_space<hbm>>) target_semaphore(%run_scoped3A : memref<!tpu.dma_semaphore, #tpu.memory_space<semaphore_mem>>)
      %dma_wait3A = arith.constant 0 : i32
      %dma_wait3A_30 = tpu.memref_slice %arg6[%add3A, %dma_wait3A] : memref<32x1040xf32, #tpu.memory_space<hbm>> -> memref<1x1040xf32, #tpu.memory_space<hbm>>
      %dma_wait3A_31 = tpu.memref_squeeze %dma_wait3A_30 : memref<1x1040xf32, #tpu.memory_space<hbm>> -> memref<1040xf32, #tpu.memory_space<hbm>>
      %dma_wait3A_32 = arith.constant 0 : i32
      %dma_wait3A_33 = tpu.memref_slice %arg6[%add3A, %dma_wait3A_32] : memref<32x1040xf32, #tpu.memory_space<hbm>> -> memref<1x1040xf32, #tpu.memory_space<hbm>>
      %dma_wait3A_34 = tpu.memref_squeeze %dma_wait3A_33 : memref<1x1040xf32, #tpu.memory_space<hbm>> -> memref<1040xf32, #tpu.memory_space<hbm>>
      tpu.wait_dma2 semaphore(%run_scoped3A : memref<!tpu.dma_semaphore, #tpu.memory_space<semaphore_mem>>) src(%arg11 : memref<1040xf32, #tpu.memory_space<vmem>>) dst(%dma_wait3A_34 : memref<1040xf32, #tpu.memory_space<hbm>>)
      tpu.yield
    }) : () -> ()
    return
  }
}

module attributes {stable_mosaic.version = 14 : i64} {
  func.func @_mm_body(%arg0: i32, %arg1: memref<2000x259xf32, #tpu.memory_space<vmem>>, %arg2: memref<259x128xf32, #tpu.memory_space<vmem>>, %arg3: memref<1x128xf32, #tpu.memory_space<vmem>>, %arg4: memref<2000x128xf32, #tpu.memory_space<vmem>>) attributes {dimension_semantics = [#tpu.dimension_semantics<arbitrary>], iteration_bounds = array<i64: 160>, scalar_prefetch = 0 : i64, scratch_operands = 0 : i64, tpu.core_type = #tpu.core_type<tc>, window_params = [{transform_indices = @transform_0, window_bounds = array<i64: 2000, 259>}, {pipeline_mode = #tpu.pipeline_mode<synchronous>, transform_indices = @transform_1, window_bounds = array<i64: 259, 128>}, {pipeline_mode = #tpu.pipeline_mode<synchronous>, transform_indices = @transform_2, window_bounds = array<i64: 1, 128>}, {transform_indices = @transform_3, window_bounds = array<i64: 2000, 128>}]} {
    %get3A = arith.constant 0 : index
    %get3A_0 = arith.constant 0 : index
    %get3A_1 = vector.load %arg1[%get3A, %get3A_0] : memref<2000x259xf32, #tpu.memory_space<vmem>>, vector<2000x259xf32>
    %get3A_2 = arith.constant 0 : index
    %get3A_3 = arith.constant 0 : index
    %get3A_4 = vector.load %arg2[%get3A_2, %get3A_3] : memref<259x128xf32, #tpu.memory_space<vmem>>, vector<259x128xf32>
    %dot_general3A = arith.constant dense<0.000000e+00> : vector<2000x128xf32>
    %dot_general3A_5 = tpu.matmul %get3A_1, %get3A_4, %dot_general3A {dimension_numbers = #tpu.dot_dimension_numbers<[1], [0], [0], [1], [0, 0, 1, 1], [], []>, transpose_lhs_hint = false} : vector<2000x259xf32>, vector<259x128xf32>, vector<2000x128xf32> -> vector<2000x128xf32>
    %get3A_6 = arith.constant 0 : index
    %get3A_7 = arith.constant 0 : index
    %get3A_8 = vector.load %arg3[%get3A_6, %get3A_7] : memref<1x128xf32, #tpu.memory_space<vmem>>, vector<1x128xf32>
    %add3A = vector.broadcast %get3A_8 : vector<1x128xf32> to vector<2000x128xf32>
    %add3A_9 = arith.addf %dot_general3A_5, %add3A : vector<2000x128xf32>
    %max3A = arith.constant 0.000000e+00 : f32
    %max3A_10 = vector.broadcast %max3A : f32 to vector<2000x128xf32>
    %max3A_11 = arith.maximumf %add3A_9, %max3A_10 : vector<2000x128xf32>
    %swap3A = arith.constant 0 : index
    %swap3A_12 = arith.constant 0 : index
    %swap3A_13 = vector.load %arg4[%swap3A, %swap3A_12] : memref<2000x128xf32, #tpu.memory_space<vmem>>, vector<2000x128xf32>
    tpu.vector_store %arg4[%swap3A, %swap3A_12], %max3A_11 {strides = array<i32>} : memref<2000x128xf32, #tpu.memory_space<vmem>>, vector<2000x128xf32>,
    return
  }
  func.func @transform_0(%arg0: i32) -> (i32, i32) {
    %c0_i32 = arith.constant 0 : i32
    %c0_i32_0 = arith.constant 0 : i32
    return %arg0, %c0_i32 : i32, i32
  }
  func.func @transform_1(%arg0: i32) -> (i32, i32) {
    %c0_i32 = arith.constant 0 : i32
    %c0_i32_0 = arith.constant 0 : i32
    %c0_i32_1 = arith.constant 0 : i32
    return %c0_i32, %c0_i32_0 : i32, i32
  }
  func.func @transform_2(%arg0: i32) -> (i32, i32) {
    %c0_i32 = arith.constant 0 : i32
    %c0_i32_0 = arith.constant 0 : i32
    %c0_i32_1 = arith.constant 0 : i32
    return %c0_i32, %c0_i32_0 : i32, i32
  }
  func.func @transform_3(%arg0: i32) -> (i32, i32) {
    %c0_i32 = arith.constant 0 : i32
    %c0_i32_0 = arith.constant 0 : i32
    return %arg0, %c0_i32 : i32, i32
  }
}

module attributes {stable_mosaic.version = 14 : i64} {
  func.func @_mm_body(%arg0: i32, %arg1: memref<2000x128xf32, #tpu.memory_space<vmem>>, %arg2: memref<128x16xf32, #tpu.memory_space<vmem>>, %arg3: memref<1x16xf32, #tpu.memory_space<vmem>>, %arg4: memref<2000x16xf32, #tpu.memory_space<vmem>>) attributes {dimension_semantics = [#tpu.dimension_semantics<arbitrary>], iteration_bounds = array<i64: 160>, scalar_prefetch = 0 : i64, scratch_operands = 0 : i64, tpu.core_type = #tpu.core_type<tc>, window_params = [{transform_indices = @transform_0, window_bounds = array<i64: 2000, 128>}, {pipeline_mode = #tpu.pipeline_mode<synchronous>, transform_indices = @transform_1, window_bounds = array<i64: 128, 16>}, {pipeline_mode = #tpu.pipeline_mode<synchronous>, transform_indices = @transform_2, window_bounds = array<i64: 1, 16>}, {transform_indices = @transform_3, window_bounds = array<i64: 2000, 16>}]} {
    %get3A = arith.constant 0 : index
    %get3A_0 = arith.constant 0 : index
    %get3A_1 = vector.load %arg1[%get3A, %get3A_0] : memref<2000x128xf32, #tpu.memory_space<vmem>>, vector<2000x128xf32>
    %get3A_2 = arith.constant 0 : index
    %get3A_3 = arith.constant 0 : index
    %get3A_4 = vector.load %arg2[%get3A_2, %get3A_3] : memref<128x16xf32, #tpu.memory_space<vmem>>, vector<128x16xf32>
    %dot_general3A = arith.constant dense<0.000000e+00> : vector<2000x16xf32>
    %dot_general3A_5 = tpu.matmul %get3A_1, %get3A_4, %dot_general3A {dimension_numbers = #tpu.dot_dimension_numbers<[1], [0], [0], [1], [0, 0, 1, 1], [], []>, transpose_lhs_hint = false} : vector<2000x128xf32>, vector<128x16xf32>, vector<2000x16xf32> -> vector<2000x16xf32>
    %get3A_6 = arith.constant 0 : index
    %get3A_7 = arith.constant 0 : index
    %get3A_8 = vector.load %arg3[%get3A_6, %get3A_7] : memref<1x16xf32, #tpu.memory_space<vmem>>, vector<1x16xf32>
    %add3A = vector.broadcast %get3A_8 : vector<1x16xf32> to vector<2000x16xf32>
    %add3A_9 = arith.addf %dot_general3A_5, %add3A : vector<2000x16xf32>
    %swap3A = arith.constant 0 : index
    %swap3A_10 = arith.constant 0 : index
    %swap3A_11 = vector.load %arg4[%swap3A, %swap3A_10] : memref<2000x16xf32, #tpu.memory_space<vmem>>, vector<2000x16xf32>
    tpu.vector_store %arg4[%swap3A, %swap3A_10], %add3A_9 {strides = array<i32>} : memref<2000x16xf32, #tpu.memory_space<vmem>>, vector<2000x16xf32>,
    return
  }
  func.func @transform_0(%arg0: i32) -> (i32, i32) {
    %c0_i32 = arith.constant 0 : i32
    %c0_i32_0 = arith.constant 0 : i32
    return %arg0, %c0_i32 : i32, i32
  }
  func.func @transform_1(%arg0: i32) -> (i32, i32) {
    %c0_i32 = arith.constant 0 : i32
    %c0_i32_0 = arith.constant 0 : i32
    %c0_i32_1 = arith.constant 0 : i32
    return %c0_i32, %c0_i32_0 : i32, i32
  }
  func.func @transform_2(%arg0: i32) -> (i32, i32) {
    %c0_i32 = arith.constant 0 : i32
    %c0_i32_0 = arith.constant 0 : i32
    %c0_i32_1 = arith.constant 0 : i32
    return %c0_i32, %c0_i32_0 : i32, i32
  }
  func.func @transform_3(%arg0: i32) -> (i32, i32) {
    %c0_i32 = arith.constant 0 : i32
    %c0_i32_0 = arith.constant 0 : i32
    return %arg0, %c0_i32 : i32, i32
  }
}

module attributes {stable_mosaic.version = 14 : i64} {
  func.func @_mm_body(%arg0: i32, %arg1: memref<2000x153xf32, #tpu.memory_space<vmem>>, %arg2: memref<153x128xf32, #tpu.memory_space<vmem>>, %arg3: memref<1x128xf32, #tpu.memory_space<vmem>>, %arg4: memref<2000x128xf32, #tpu.memory_space<vmem>>) attributes {dimension_semantics = [#tpu.dimension_semantics<arbitrary>], iteration_bounds = array<i64: 5>, scalar_prefetch = 0 : i64, scratch_operands = 0 : i64, tpu.core_type = #tpu.core_type<tc>, window_params = [{transform_indices = @transform_0, window_bounds = array<i64: 2000, 153>}, {pipeline_mode = #tpu.pipeline_mode<synchronous>, transform_indices = @transform_1, window_bounds = array<i64: 153, 128>}, {pipeline_mode = #tpu.pipeline_mode<synchronous>, transform_indices = @transform_2, window_bounds = array<i64: 1, 128>}, {transform_indices = @transform_3, window_bounds = array<i64: 2000, 128>}]} {
    %get3A = arith.constant 0 : index
    %get3A_0 = arith.constant 0 : index
    %get3A_1 = vector.load %arg1[%get3A, %get3A_0] : memref<2000x153xf32, #tpu.memory_space<vmem>>, vector<2000x153xf32>
    %get3A_2 = arith.constant 0 : index
    %get3A_3 = arith.constant 0 : index
    %get3A_4 = vector.load %arg2[%get3A_2, %get3A_3] : memref<153x128xf32, #tpu.memory_space<vmem>>, vector<153x128xf32>
    %dot_general3A = arith.constant dense<0.000000e+00> : vector<2000x128xf32>
    %dot_general3A_5 = tpu.matmul %get3A_1, %get3A_4, %dot_general3A {dimension_numbers = #tpu.dot_dimension_numbers<[1], [0], [0], [1], [0, 0, 1, 1], [], []>, transpose_lhs_hint = false} : vector<2000x153xf32>, vector<153x128xf32>, vector<2000x128xf32> -> vector<2000x128xf32>
    %get3A_6 = arith.constant 0 : index
    %get3A_7 = arith.constant 0 : index
    %get3A_8 = vector.load %arg3[%get3A_6, %get3A_7] : memref<1x128xf32, #tpu.memory_space<vmem>>, vector<1x128xf32>
    %add3A = vector.broadcast %get3A_8 : vector<1x128xf32> to vector<2000x128xf32>
    %add3A_9 = arith.addf %dot_general3A_5, %add3A : vector<2000x128xf32>
    %max3A = arith.constant 0.000000e+00 : f32
    %max3A_10 = vector.broadcast %max3A : f32 to vector<2000x128xf32>
    %max3A_11 = arith.maximumf %add3A_9, %max3A_10 : vector<2000x128xf32>
    %swap3A = arith.constant 0 : index
    %swap3A_12 = arith.constant 0 : index
    %swap3A_13 = vector.load %arg4[%swap3A, %swap3A_12] : memref<2000x128xf32, #tpu.memory_space<vmem>>, vector<2000x128xf32>
    tpu.vector_store %arg4[%swap3A, %swap3A_12], %max3A_11 {strides = array<i32>} : memref<2000x128xf32, #tpu.memory_space<vmem>>, vector<2000x128xf32>,
    return
  }
  func.func @transform_0(%arg0: i32) -> (i32, i32) {
    %c0_i32 = arith.constant 0 : i32
    %c0_i32_0 = arith.constant 0 : i32
    return %arg0, %c0_i32 : i32, i32
  }
  func.func @transform_1(%arg0: i32) -> (i32, i32) {
    %c0_i32 = arith.constant 0 : i32
    %c0_i32_0 = arith.constant 0 : i32
    %c0_i32_1 = arith.constant 0 : i32
    return %c0_i32, %c0_i32_0 : i32, i32
  }
  func.func @transform_2(%arg0: i32) -> (i32, i32) {
    %c0_i32 = arith.constant 0 : i32
    %c0_i32_0 = arith.constant 0 : i32
    %c0_i32_1 = arith.constant 0 : i32
    return %c0_i32, %c0_i32_0 : i32, i32
  }
  func.func @transform_3(%arg0: i32) -> (i32, i32) {
    %c0_i32 = arith.constant 0 : i32
    %c0_i32_0 = arith.constant 0 : i32
    return %arg0, %c0_i32 : i32, i32
  }
}

module attributes {stable_mosaic.version = 14 : i64} {
  func.func @_mm_body(%arg0: i32, %arg1: memref<2000x128xf32, #tpu.memory_space<vmem>>, %arg2: memref<128x128xf32, #tpu.memory_space<vmem>>, %arg3: memref<1x128xf32, #tpu.memory_space<vmem>>, %arg4: memref<2000x128xf32, #tpu.memory_space<vmem>>) attributes {dimension_semantics = [#tpu.dimension_semantics<arbitrary>], iteration_bounds = array<i64: 5>, scalar_prefetch = 0 : i64, scratch_operands = 0 : i64, tpu.core_type = #tpu.core_type<tc>, window_params = [{transform_indices = @transform_0, window_bounds = array<i64: 2000, 128>}, {pipeline_mode = #tpu.pipeline_mode<synchronous>, transform_indices = @transform_1, window_bounds = array<i64: 128, 128>}, {pipeline_mode = #tpu.pipeline_mode<synchronous>, transform_indices = @transform_2, window_bounds = array<i64: 1, 128>}, {transform_indices = @transform_3, window_bounds = array<i64: 2000, 128>}]} {
    %get3A = arith.constant 0 : index
    %get3A_0 = arith.constant 0 : index
    %get3A_1 = vector.load %arg1[%get3A, %get3A_0] : memref<2000x128xf32, #tpu.memory_space<vmem>>, vector<2000x128xf32>
    %get3A_2 = arith.constant 0 : index
    %get3A_3 = arith.constant 0 : index
    %get3A_4 = vector.load %arg2[%get3A_2, %get3A_3] : memref<128x128xf32, #tpu.memory_space<vmem>>, vector<128x128xf32>
    %dot_general3A = arith.constant dense<0.000000e+00> : vector<2000x128xf32>
    %dot_general3A_5 = tpu.matmul %get3A_1, %get3A_4, %dot_general3A {dimension_numbers = #tpu.dot_dimension_numbers<[1], [0], [0], [1], [0, 0, 1, 1], [], []>, transpose_lhs_hint = false} : vector<2000x128xf32>, vector<128x128xf32>, vector<2000x128xf32> -> vector<2000x128xf32>
    %get3A_6 = arith.constant 0 : index
    %get3A_7 = arith.constant 0 : index
    %get3A_8 = vector.load %arg3[%get3A_6, %get3A_7] : memref<1x128xf32, #tpu.memory_space<vmem>>, vector<1x128xf32>
    %add3A = vector.broadcast %get3A_8 : vector<1x128xf32> to vector<2000x128xf32>
    %add3A_9 = arith.addf %dot_general3A_5, %add3A : vector<2000x128xf32>
    %swap3A = arith.constant 0 : index
    %swap3A_10 = arith.constant 0 : index
    %swap3A_11 = vector.load %arg4[%swap3A, %swap3A_10] : memref<2000x128xf32, #tpu.memory_space<vmem>>, vector<2000x128xf32>
    tpu.vector_store %arg4[%swap3A, %swap3A_10], %add3A_9 {strides = array<i32>} : memref<2000x128xf32, #tpu.memory_space<vmem>>, vector<2000x128xf32>,
    return
  }
  func.func @transform_0(%arg0: i32) -> (i32, i32) {
    %c0_i32 = arith.constant 0 : i32
    %c0_i32_0 = arith.constant 0 : i32
    return %arg0, %c0_i32 : i32, i32
  }
  func.func @transform_1(%arg0: i32) -> (i32, i32) {
    %c0_i32 = arith.constant 0 : i32
    %c0_i32_0 = arith.constant 0 : i32
    %c0_i32_1 = arith.constant 0 : i32
    return %c0_i32, %c0_i32_0 : i32, i32
  }
  func.func @transform_2(%arg0: i32) -> (i32, i32) {
    %c0_i32 = arith.constant 0 : i32
    %c0_i32_0 = arith.constant 0 : i32
    %c0_i32_1 = arith.constant 0 : i32
    return %c0_i32, %c0_i32_0 : i32, i32
  }
  func.func @transform_3(%arg0: i32) -> (i32, i32) {
    %c0_i32 = arith.constant 0 : i32
    %c0_i32_0 = arith.constant 0 : i32
    return %arg0, %c0_i32 : i32, i32
  }
}

module attributes {stable_mosaic.version = 14 : i64} {
  func.func @_mm_body(%arg0: i32, %arg1: memref<64x400xf32, #tpu.memory_space<vmem>>, %arg2: memref<400x128xf32, #tpu.memory_space<vmem>>, %arg3: memref<1x128xf32, #tpu.memory_space<vmem>>, %arg4: memref<64x128xf32, #tpu.memory_space<vmem>>) attributes {dimension_semantics = [#tpu.dimension_semantics<arbitrary>], iteration_bounds = array<i64: 1>, scalar_prefetch = 0 : i64, scratch_operands = 0 : i64, tpu.core_type = #tpu.core_type<tc>, window_params = [{transform_indices = @transform_0, window_bounds = array<i64: 64, 400>}, {pipeline_mode = #tpu.pipeline_mode<synchronous>, transform_indices = @transform_1, window_bounds = array<i64: 400, 128>}, {pipeline_mode = #tpu.pipeline_mode<synchronous>, transform_indices = @transform_2, window_bounds = array<i64: 1, 128>}, {transform_indices = @transform_3, window_bounds = array<i64: 64, 128>}]} {
    %get3A = arith.constant 0 : index
    %get3A_0 = arith.constant 0 : index
    %get3A_1 = vector.load %arg1[%get3A, %get3A_0] : memref<64x400xf32, #tpu.memory_space<vmem>>, vector<64x400xf32>
    %get3A_2 = arith.constant 0 : index
    %get3A_3 = arith.constant 0 : index
    %get3A_4 = vector.load %arg2[%get3A_2, %get3A_3] : memref<400x128xf32, #tpu.memory_space<vmem>>, vector<400x128xf32>
    %dot_general3A = arith.constant dense<0.000000e+00> : vector<64x128xf32>
    %dot_general3A_5 = tpu.matmul %get3A_1, %get3A_4, %dot_general3A {dimension_numbers = #tpu.dot_dimension_numbers<[1], [0], [0], [1], [0, 0, 1, 1], [], []>, transpose_lhs_hint = false} : vector<64x400xf32>, vector<400x128xf32>, vector<64x128xf32> -> vector<64x128xf32>
    %get3A_6 = arith.constant 0 : index
    %get3A_7 = arith.constant 0 : index
    %get3A_8 = vector.load %arg3[%get3A_6, %get3A_7] : memref<1x128xf32, #tpu.memory_space<vmem>>, vector<1x128xf32>
    %add3A = vector.broadcast %get3A_8 : vector<1x128xf32> to vector<64x128xf32>
    %add3A_9 = arith.addf %dot_general3A_5, %add3A : vector<64x128xf32>
    %max3A = arith.constant 0.000000e+00 : f32
    %max3A_10 = vector.broadcast %max3A : f32 to vector<64x128xf32>
    %max3A_11 = arith.maximumf %add3A_9, %max3A_10 : vector<64x128xf32>
    %swap3A = arith.constant 0 : index
    %swap3A_12 = arith.constant 0 : index
    %swap3A_13 = vector.load %arg4[%swap3A, %swap3A_12] : memref<64x128xf32, #tpu.memory_space<vmem>>, vector<64x128xf32>
    tpu.vector_store %arg4[%swap3A, %swap3A_12], %max3A_11 {strides = array<i32>} : memref<64x128xf32, #tpu.memory_space<vmem>>, vector<64x128xf32>,
    return
  }
  func.func @transform_0(%arg0: i32) -> (i32, i32) {
    %c0_i32 = arith.constant 0 : i32
    %c0_i32_0 = arith.constant 0 : i32
    return %arg0, %c0_i32 : i32, i32
  }
  func.func @transform_1(%arg0: i32) -> (i32, i32) {
    %c0_i32 = arith.constant 0 : i32
    %c0_i32_0 = arith.constant 0 : i32
    %c0_i32_1 = arith.constant 0 : i32
    return %c0_i32, %c0_i32_0 : i32, i32
  }
  func.func @transform_2(%arg0: i32) -> (i32, i32) {
    %c0_i32 = arith.constant 0 : i32
    %c0_i32_0 = arith.constant 0 : i32
    %c0_i32_1 = arith.constant 0 : i32
    return %c0_i32, %c0_i32_0 : i32, i32
  }
  func.func @transform_3(%arg0: i32) -> (i32, i32) {
    %c0_i32 = arith.constant 0 : i32
    %c0_i32_0 = arith.constant 0 : i32
    return %arg0, %c0_i32 : i32, i32
  }
}

module attributes {stable_mosaic.version = 14 : i64} {
  func.func @_mm_body(%arg0: i32, %arg1: memref<64x128xf32, #tpu.memory_space<vmem>>, %arg2: memref<128x128xf32, #tpu.memory_space<vmem>>, %arg3: memref<1x128xf32, #tpu.memory_space<vmem>>, %arg4: memref<64x128xf32, #tpu.memory_space<vmem>>) attributes {dimension_semantics = [#tpu.dimension_semantics<arbitrary>], iteration_bounds = array<i64: 1>, scalar_prefetch = 0 : i64, scratch_operands = 0 : i64, tpu.core_type = #tpu.core_type<tc>, window_params = [{transform_indices = @transform_0, window_bounds = array<i64: 64, 128>}, {pipeline_mode = #tpu.pipeline_mode<synchronous>, transform_indices = @transform_1, window_bounds = array<i64: 128, 128>}, {pipeline_mode = #tpu.pipeline_mode<synchronous>, transform_indices = @transform_2, window_bounds = array<i64: 1, 128>}, {transform_indices = @transform_3, window_bounds = array<i64: 64, 128>}]} {
    %get3A = arith.constant 0 : index
    %get3A_0 = arith.constant 0 : index
    %get3A_1 = vector.load %arg1[%get3A, %get3A_0] : memref<64x128xf32, #tpu.memory_space<vmem>>, vector<64x128xf32>
    %get3A_2 = arith.constant 0 : index
    %get3A_3 = arith.constant 0 : index
    %get3A_4 = vector.load %arg2[%get3A_2, %get3A_3] : memref<128x128xf32, #tpu.memory_space<vmem>>, vector<128x128xf32>
    %dot_general3A = arith.constant dense<0.000000e+00> : vector<64x128xf32>
    %dot_general3A_5 = tpu.matmul %get3A_1, %get3A_4, %dot_general3A {dimension_numbers = #tpu.dot_dimension_numbers<[1], [0], [0], [1], [0, 0, 1, 1], [], []>, transpose_lhs_hint = false} : vector<64x128xf32>, vector<128x128xf32>, vector<64x128xf32> -> vector<64x128xf32>
    %get3A_6 = arith.constant 0 : index
    %get3A_7 = arith.constant 0 : index
    %get3A_8 = vector.load %arg3[%get3A_6, %get3A_7] : memref<1x128xf32, #tpu.memory_space<vmem>>, vector<1x128xf32>
    %add3A = vector.broadcast %get3A_8 : vector<1x128xf32> to vector<64x128xf32>
    %add3A_9 = arith.addf %dot_general3A_5, %add3A : vector<64x128xf32>
    %max3A = arith.constant 0.000000e+00 : f32
    %max3A_10 = vector.broadcast %max3A : f32 to vector<64x128xf32>
    %max3A_11 = arith.maximumf %add3A_9, %max3A_10 : vector<64x128xf32>
    %swap3A = arith.constant 0 : index
    %swap3A_12 = arith.constant 0 : index
    %swap3A_13 = vector.load %arg4[%swap3A, %swap3A_12] : memref<64x128xf32, #tpu.memory_space<vmem>>, vector<64x128xf32>
    tpu.vector_store %arg4[%swap3A, %swap3A_12], %max3A_11 {strides = array<i32>} : memref<64x128xf32, #tpu.memory_space<vmem>>, vector<64x128xf32>,
    return
  }
  func.func @transform_0(%arg0: i32) -> (i32, i32) {
    %c0_i32 = arith.constant 0 : i32
    %c0_i32_0 = arith.constant 0 : i32
    return %arg0, %c0_i32 : i32, i32
  }
  func.func @transform_1(%arg0: i32) -> (i32, i32) {
    %c0_i32 = arith.constant 0 : i32
    %c0_i32_0 = arith.constant 0 : i32
    %c0_i32_1 = arith.constant 0 : i32
    return %c0_i32, %c0_i32_0 : i32, i32
  }
  func.func @transform_2(%arg0: i32) -> (i32, i32) {
    %c0_i32 = arith.constant 0 : i32
    %c0_i32_0 = arith.constant 0 : i32
    %c0_i32_1 = arith.constant 0 : i32
    return %c0_i32, %c0_i32_0 : i32, i32
  }
  func.func @transform_3(%arg0: i32) -> (i32, i32) {
    %c0_i32 = arith.constant 0 : i32
    %c0_i32_0 = arith.constant 0 : i32
    return %arg0, %c0_i32 : i32, i32
  }
}

module attributes {stable_mosaic.version = 14 : i64} {
  func.func @_mm_body(%arg0: i32, %arg1: memref<64x128xf32, #tpu.memory_space<vmem>>, %arg2: memref<128x1xf32, #tpu.memory_space<vmem>>, %arg3: memref<1x1xf32, #tpu.memory_space<vmem>>, %arg4: memref<64x1xf32, #tpu.memory_space<vmem>>) attributes {dimension_semantics = [#tpu.dimension_semantics<arbitrary>], iteration_bounds = array<i64: 1>, scalar_prefetch = 0 : i64, scratch_operands = 0 : i64, tpu.core_type = #tpu.core_type<tc>, window_params = [{transform_indices = @transform_0, window_bounds = array<i64: 64, 128>}, {pipeline_mode = #tpu.pipeline_mode<synchronous>, transform_indices = @transform_1, window_bounds = array<i64: 128, 1>}, {pipeline_mode = #tpu.pipeline_mode<synchronous>, transform_indices = @transform_2, window_bounds = array<i64: 1, 1>}, {transform_indices = @transform_3, window_bounds = array<i64: 64, 1>}]} {
    %get3A = arith.constant 0 : index
    %get3A_0 = arith.constant 0 : index
    %get3A_1 = vector.load %arg1[%get3A, %get3A_0] : memref<64x128xf32, #tpu.memory_space<vmem>>, vector<64x128xf32>
    %get3A_2 = arith.constant 0 : index
    %get3A_3 = arith.constant 0 : index
    %get3A_4 = vector.load %arg2[%get3A_2, %get3A_3] : memref<128x1xf32, #tpu.memory_space<vmem>>, vector<128x1xf32>
    %dot_general3A = arith.constant dense<0.000000e+00> : vector<64x1xf32>
    %dot_general3A_5 = tpu.matmul %get3A_1, %get3A_4, %dot_general3A {dimension_numbers = #tpu.dot_dimension_numbers<[1], [0], [0], [1], [0, 0, 1, 1], [], []>, transpose_lhs_hint = false} : vector<64x128xf32>, vector<128x1xf32>, vector<64x1xf32> -> vector<64x1xf32>
    %get3A_6 = arith.constant 0 : index
    %get3A_7 = arith.constant 0 : index
    %get3A_8 = vector.load %arg3[%get3A_6, %get3A_7] : memref<1x1xf32, #tpu.memory_space<vmem>>, vector<1x1xf32>
    %add3A = vector.broadcast %get3A_8 : vector<1x1xf32> to vector<64x1xf32>
    %add3A_9 = arith.addf %dot_general3A_5, %add3A : vector<64x1xf32>
    %swap3A = arith.constant 0 : index
    %swap3A_10 = arith.constant 0 : index
    %swap3A_11 = vector.load %arg4[%swap3A, %swap3A_10] : memref<64x1xf32, #tpu.memory_space<vmem>>, vector<64x1xf32>
    tpu.vector_store %arg4[%swap3A, %swap3A_10], %add3A_9 {strides = array<i32>} : memref<64x1xf32, #tpu.memory_space<vmem>>, vector<64x1xf32>,
    return
  }
  func.func @transform_0(%arg0: i32) -> (i32, i32) {
    %c0_i32 = arith.constant 0 : i32
    %c0_i32_0 = arith.constant 0 : i32
    return %arg0, %c0_i32 : i32, i32
  }
  func.func @transform_1(%arg0: i32) -> (i32, i32) {
    %c0_i32 = arith.constant 0 : i32
    %c0_i32_0 = arith.constant 0 : i32
    %c0_i32_1 = arith.constant 0 : i32
    return %c0_i32, %c0_i32_0 : i32, i32
  }
  func.func @transform_2(%arg0: i32) -> (i32, i32) {
    %c0_i32 = arith.constant 0 : i32
    %c0_i32_0 = arith.constant 0 : i32
    %c0_i32_1 = arith.constant 0 : i32
    return %c0_i32, %c0_i32_0 : i32, i32
  }
  func.func @transform_3(%arg0: i32) -> (i32, i32) {
    %c0_i32 = arith.constant 0 : i32
    %c0_i32_0 = arith.constant 0 : i32
    return %arg0, %c0_i32 : i32, i32
  }
}

</mosaic_0001>

<sc_bundles>
// kernel: kernel.19.cloned.1.call-start
scs
__scs_entry_jumppad:
0x0: {  	(pc) =	sbr.rel $0x88, $3  }
0x1: {  	(tag) =	ssettag $0x0;
	lr =	simm.s32 $0x1  }
0x2: {  	[smem:$0x3F84] =	sst lr;
	_ =	strace $0xD0000000  }
0x3: {  	_ = 	snop  }
0x4: {  	_ = 	snop  }
0x5: {  	_ = 	snop  }
0x6: {  	_ = 	snop  }
0x7: {  	_ = 	snop  }
__scs_overlays_trampoline_lowered:
0x8: {  	[smem:$0x3F93] =	sst s0  }
0x9: {  	[smem:$0x3F94] =	sst s1  }
0xa: {  	[smem:$0x3F95] =	sst s2  }
0xb: {  	[smem:$0x3F96] =	sst s3  }
0xc: {  	[smem:$0x3F97] =	sst s4  }
0xd: {  	[smem:$0x3F98] =	sst s5  }
0xe: {  	[smem:$0x3F99] =	sst s6  }
0xf: {  	[smem:$0x3F9A] =	sst s7  }
0x10: {  	[smem:$0x3F9B] =	sst s8  }
0x11: {  	[smem:$0x3F9C] =	sst s9;
	s0 =	simm.s32 @!p0 $0x0  }
0x12: {  	s1 =	sld [smem:$0x3F82];
	s0 =	simm.s32 @p0 $0x1  }
0x13: {  	[smem:$0x3F9D] =	sst s0;
	s0 =	simm.s32 @!p1 $0x0  }
0x14: {  	s2 =	sld [smem:$0x3F81];
	s0 =	simm.s32 @p1 $0x1  }
0x15: {  	[smem:$0x3F9E] =	sst s0;
	s0 =	simm.s32 @!p2 $0x0  }
0x16: {  	s3 =	sld [smem:$0x3FDB];
	s0 =	simm.s32 @p2 $0x1  }
0x17: {  	s4 =	simm.s32 $0x1BF5;
	[smem:$0x3FA0] =	sst s0  }
0x18: {  	s0 =	sld [smem:$0x3F83];
	_ =	swait.ge [sflag:s4], $0x0  }
0x19: {  	s7 =	sld [smem:$0x3F84]  }
0x1a: {  	s8 =	sadd.s32 $0xFFFFE003, lr  }
0x1b: {  	s9 =	sadd.s32 $0xFFFFFEF7, lr;
	s5 =	simm.s32 $0xFFFFFFFF;
	p2 =	slt.u32 s8, $0xFFFFF086  }
0x1c: {  	p1 =	slt.u32 s9, $0xF7A;
	s5 =	simm.s32 @!p2 $0x0  }
0x1d: {  	s5 =	simm.s32 @p1 $0x1;
	p0 =	seq.s32 s7, s2  }
0x1e: {  	s7 =	smul.u32 @!p0 $0xF7A, s2;
	p2 =	seq.s32 @!p0 s5, $0x0  }
0x1f: {  	s9 =	smul.u32 $0xF7A, s1;
	s8 =	simm.s32 @!p0 $0x1BF5;
	p2 =	por !p2, p0  }
0x20: {  	[sflag:s8] =	ssyncset.s32 @!p0 $0xFFFFF086;
	s6 =	sadd.s32 @!p0 s3, s7;
	s7 =	simm.s32 @!p0 $0x108  }
0x21: {  	s3 =	sadd.s32 s3, s9;
	s6 =	sadd.s32 @!p0 $0x88, s6;
	s7 =	simm.s32 @p2 $0x1082  }
0x22: {  	[simem:s7], [sflag:s8] =	dma.local @!p0 [hbm:s6], $0xF7A  }
0x23: {  	s9 =	sor.u32 $0xD0000000, s2;
	s6 =	simm.s32 $0x108;
	_ =	swait.ge @!p0 [sflag:s8], $0x0  }
0x24: {  	s3 =	sadd.s32 $0x88, s3;
	s6 =	simm.s32 @!p1 $0x1082;
	[sflag:s4] =	ssyncset.s32 $0xFFFFF086  }
0x25: {  	[simem:s6], [sflag:s4] =	dma.local [hbm:s3], $0xF7A  }
0x26: {  	[smem:$0x3F84] =	sst s1;
	(tag) =	ssettag s2;
	_ =	strace s9  }
0x27: {  	s1 =	sld [smem:$0x3F94]  }
0x28: {  	s2 =	sld [smem:$0x3F95]  }
0x29: {  	s4 =	sld [smem:$0x3F97]  }
0x2a: {  	p0 =	seq.s32 s5, $0x0;
	s5 =	sld [smem:$0x3F98]  }
0x2b: {  	s6 =	sld [smem:$0x3F99]  }
0x2c: {  	s7 =	sld [smem:$0x3F9A]  }
0x2d: {  	s3 =	simm.s32 $0x108;
	s8 =	sld [smem:$0x3F9B]  }
0x2e: {  	s3 =	simm.s32 @!p0 $0x1082;
	s9 =	sld [smem:$0x3F9C]  }
0x2f: {  	lr =	sadd.s32 s0, s3;
	s0 =	sld [smem:$0x3F93]  }
0x30: {  	s3 =	sld [smem:$0x3F96]  }
0x31: {  	[smem:$0x3F9F] =	sst s10  }
0x32: {  	s10 =	sld [smem:$0x3F9D];
	_ =	sdelay $0x3  }
0x33: {  	p0 =	seq.s32 s10, $0x1;
	s10 =	sld [smem:$0x3F9F];
	_ =	sdelay $0x3  }
0x34: {  	[smem:$0x3F9F] =	sst s10  }
0x35: {  	s10 =	sld [smem:$0x3F9E];
	_ =	sdelay $0x3  }
0x36: {  	p1 =	seq.s32 s10, $0x1;
	s10 =	sld [smem:$0x3F9F];
	_ =	sdelay $0x3  }
0x37: {  	[smem:$0x3F9F] =	sst s10  }
0x38: {  	s10 =	sld [smem:$0x3FA0]  }
0x39: {  	_ = 	snop;
	(pc) =	sbr.ind lr, $3  }
0x3a: {  	_ = 	snop  }
0x3b: {  	_ = 	snop  }
0x3c: {  	p2 =	seq.s32 s10, $0x1;
	s10 =	sld [smem:$0x3F9F]  }
0x3d: {  	_ =	shalt  }
0x3e: {  	_ =	shalt  }
0x3f: {  	_ =	shalt  }
0x40: {  	_ =	shalt  }
0x41: {  	_ =	shalt  }
0x42: {  	_ =	shalt  }
0x43: {  	_ =	shalt  }
0x44: {  	_ =	shalt  }
0x45: {  	_ =	shalt  }
0x46: {  	_ =	shalt  }
0x47: {  	_ =	shalt  }
0x48: {  	_ =	shalt  }
0x49: {  	_ =	shalt  }
0x4a: {  	_ =	shalt  }
0x4b: {  	_ =	shalt  }
0x4c: {  	_ =	shalt  }
0x4d: {  	_ =	shalt  }
0x4e: {  	_ =	shalt  }
0x4f: {  	_ =	shalt  }
0x50: {  	_ =	shalt  }
0x51: {  	_ =	shalt  }
0x52: {  	_ =	shalt  }
0x53: {  	_ =	shalt  }
0x54: {  	_ =	shalt  }
0x55: {  	_ =	shalt  }
0x56: {  	_ =	shalt  }
0x57: {  	_ =	shalt  }
0x58: {  	_ =	shalt  }
0x59: {  	_ =	shalt  }
0x5a: {  	_ =	shalt  }
0x5b: {  	_ =	shalt  }
0x5c: {  	_ =	shalt  }
0x5d: {  	_ =	shalt  }
0x5e: {  	_ =	shalt  }
0x5f: {  	_ =	shalt  }
0x60: {  	_ =	shalt  }
0x61: {  	_ =	shalt  }
0x62: {  	_ =	shalt  }
0x63: {  	_ =	shalt  }
0x64: {  	_ =	shalt  }
0x65: {  	_ =	shalt  }
0x66: {  	_ =	shalt  }
0x67: {  	_ =	shalt  }
0x68: {  	_ =	shalt  }
0x69: {  	_ =	shalt  }
0x6a: {  	_ =	shalt  }
0x6b: {  	_ =	shalt  }
0x6c: {  	_ =	shalt  }
0x6d: {  	_ =	shalt  }
0x6e: {  	_ =	shalt  }
0x6f: {  	_ =	shalt  }
0x70: {  	_ =	shalt  }
0x71: {  	_ =	shalt  }
0x72: {  	_ =	shalt  }
0x73: {  	_ =	shalt  }
0x74: {  	_ =	shalt  }
0x75: {  	_ =	shalt  }
0x76: {  	_ =	shalt  }
0x77: {  	_ =	shalt  }
0x78: {  	_ =	shalt  }
0x79: {  	_ =	shalt  }
0x7a: {  	_ =	shalt  }
0x7b: {  	_ =	shalt  }
0x7c: {  	_ =	shalt  }
0x7d: {  	_ =	shalt  }
0x7e: {  	_ =	shalt  }
0x7f: {  	_ =	shalt  }
0x80: {  	_ =	shalt  }
0x81: {  	_ =	shalt  }
0x82: {  	_ =	shalt  }
0x83: {  	_ =	shalt  }
0x84: {  	_ =	shalt  }
0x85: {  	_ =	shalt  }
0x86: {  	_ =	shalt  }
0x87: {  	_ =	shalt  }
.Lfunc_end0:
.L_simem_size_0:
called_computation_lowered:
.L_overlay_start_0:
0x88: {  	s2 =	sld [smem:$0x3FD9]  }
0x89: {  	s3 =	sld [smem:$0x3FFE];
	_ =	sdelay $0x1  }
0x8a: {  	s1 =	srdreg.scid  }
0x8b: {  	s0 =	sand.u32 $0x1, s1  }
0x8c: {  	s17 =	sshll.u32 s0, $0xA;
	s2 =	sadd.s32 s3, s2  }
0x8d: {  	s2 =	sadd.s32 s2, s17  }
0x8e: {  	[smem:$0x3FAB] =	sst s2  }
0x8f: {  	_ = 	snop  }
0x90: {  	s2 =	sld [smem:$0x3FC9];
	(tm) =	ssettm $0x1  }
0x91: {  	s18 =	sld [smem:$0x3FFB];
	_ =	sdelay $0x3  }
0x92: {  	_ =	strace s18  }
0x93: {  	s3 =	sld [smem:$0x3FFC];
	_ =	sdelay $0x3  }
0x94: {  	_ =	strace s3  }
0x95: {  	s3 =	sld [smem:$0x3FFD];
	_ =	sdelay $0x3  }
0x96: {  	_ =	strace s3  }
0x97: {  	_ =	strace $0x8FFFFFFF  }
0x98: {  	s19 =	sld [smem:$0x3FDB];
	_ =	sdelay $0x1  }
0x99: {  	s4 =	simm.s32 $_scs_section_size  }
0x9a: {  	s5 =	simm.s32 $_size__tile_overlayer_lowered;
	s6 =	simm.s32 $_tile_overlayer_lowered  }
0x9b: {  	s22 =	simm.s32 $0x1BFF;
	s21 =	sshll.u32 s6, $0x1;
	s3 =	sadd.s32 s4, s19  }
0x9c: {  	s7 =	simm.s32 $0x0;
	s20 =	sshll.u32 s5, $0x1;
	s5 =	sadd.s32 s21, s3  }
0x9d: {  	[timem:s7], [sflag:s22] =	dma.local [hbm:s5], s20  }
0x9e: {  	_ =	swait.ge [sflag:s22], s20  }
0x9f: {  	s4 =	ssub.s32 $0x0, s20;
	[sflag:s22] =	ssyncset.done $0x0  }
0xa0: {  	[sflag:s22] =	ssyncadd.s32 s4;
	_ =	sdelay $0x1  }
0xa1: {  	s23 =	simm.s32 $0x1B8B  }
0xa2: {  	_ =	swait.ge [sflag:s23], $0x1  }
0xa3: {  	[sflag:s23] =	ssyncset.done $0x0  }
0xa4: {  	s25 =	simm.s32 $0x1B8E;
	s24 =	sld [smem:$0x3FFE];
	[sflag:s23] =	ssyncadd.s32 $0xFFFFFFFF  }
0xa5: {  	s26 =	simm.s32 $execute0_lowered;
	[smem:$0x3FD2] =	sst s25  }
0xa6: {  	s5 =	sshll.u32 s26, $0x1;
	_ =	strace $0x80000046;
	[dreg:$0x1] =	wrdreg $0xFFFFFFFF  }
0xa7: {  	s28 =	simm.s32 $_size_execute0_lowered;
	s3 =	sadd.s32 s3, s5;
	[dreg:$0x0] =	wrdreg $0x0  }
0xa8: {  	s5 =	sshll.u32 s28, $0x1;
	[dreg:$0x2] =	wrdreg s3  }
0xa9: {  	[dreg:$0x3] =	wrdreg s5  }
0xaa: {  	[dreg:$0x4] =	wrdreg $0xC0  }
0xab: {  	_ =	task [dreg:s7], $0x5FFFF  }
0xac: {  	[dreg:$0x1] =	wrdreg $0xFFFFFFFF  }
0xad: {  	[dreg:$0x0] =	wrdreg $0x60  }
0xae: {  	[dreg:$0x2] =	wrdreg s2  }
0xaf: {  	[dreg:$0x3] =	wrdreg s24  }
0xb0: {  	[dreg:$0x4] =	wrdreg $0x9  }
0xb1: {  	_ =	task.clear_ibuf [dreg:s7], $0x5FFFF;
	_ =	strace $0x90000046  }
0xb2: {  	s29 =	simm.s32 $0x9;
	_ =	strace $0x80000048  }
0xb3: {  	_ =	swait.ge [sflag:s29], $0x1  }
0xb4: {  	[sflag:s29] =	ssyncadd.s32 $0xFFFFFFFF  }
0xb5: {  	_ =	strace $0x90000048  }
0xb6: {  	_ =	sfence  }
0xb7: {  	s30 =	sld [smem:$0x0];
	_ =	sdelay $0x2  }
0xb8: {  	s31 =	sshll.u32 s1, $0xD;
	s1 =	sshrl.u32 s1, $0x2  }
0xb9: {  	s3 =	sand.u32 $0x4000, s31;
	s1 =	sadd.s32 s1, s30  }
0xba: {  	s0 =	sor.u32 s3, s0;
	s1 =	sshll.u32 s1, $0x11  }
0xbb: {  	s0 =	sor.u32 s1, s0  }
0xbc: {  	s0 =	sadd.s32 $0x8F2B, s0  }
0xbd: {  	[sflag:s0] =	ssyncadd.remote.s32 $0x1  }
0xbe: {  	_ =	sfence.sel $0xFFFF  }
0xbf: {  	[dreg:$0x0] =	wrdreg $0xFFFFFFFF;
	(pc) =	sbr.abs _section_cstart, $3  }
0xc0: {  	[dreg:$0x1] =	wrdreg $0xFFFFFFFF  }
0xc1: {  	_ =	task.clear_ibuf [dreg:s7], $0x2FFFF;
	_ =	strace $0x9FFFFFFF  }
0xc2: {  	(tm) =	ssettm $0x7FFFFFFF  }
0xc3: {  	_ =	shalt  }
tec
execute0_lowered:
.L_overlay_start_1:
0x0: {  	(tag) =	ssettag $0x1  }
0x1: {  	s2 =	rddreg [dreg:$0x0]  }
0x2: {  	s4 =	rddreg [dreg:$0x1]  }
0x3: {  	s0 =	rddreg [dreg:$0x2];
	s5 =	srdreg.scid  }
0x4: {  	s1 =	stileid.u32;
	s3 =	simm.s32 $0x0;
	s10 =	simm.s32 $0x50  }
0x5: {  	s11 =	simm.s32 $0x80;
	s12 =	simm.s32 $0x1;
	s6 =	smul.u32 $0x4E20, s1  }
0x6: {  	s13 =	simm.s32 $0x0;
	s5 =	sand.u32 $0x1, s5;
	s8 =	smul.u32 $0x4E200, s1  }
0x7: {  	[smem:$0x7FF] =	sst s3;
	s7 =	smul.u32 $0x2710, s5;
	s9 =	ssub.s32 $0x2, s5  }
0x8: {  	_ =	strace $0x80000047;
	s5 =	smul.u32 $0x27100, s5;
	s29 =	sshrl.u32 s9, $0x1  }
0x9: {  	s8 =	sadd.s32 s8, s4;
	s6 =	sadd.s32 s7, s6;
	s7 =	ssub.s32 s9, s29  }
0xa: {  	s31 =	sadd.s32 s5, s8;
	s9 =	simm.s32 $0x2;
	s6 =	sshrl.u32 s6, $0x3  }
0xb: {  	s5 =	sadd.s32 $0x18000, s31;
	s30 =	sadd.s32 s6, s4;
	s4 =	smax.u32 s7, $0x1  }
0xc: {  	s7 =	sadd.s32 $0x4FA000, s31;
	s6 =	sadd.s32 $0xE200, s30;
	s8 =	sadd.s32 $0x4400, s30  }
.LBB2_1:
0xd: {  	s14 =	sadd.s32 $0x0, s6  }
0xe: {  	[tilespmem:s3], [sflag:$0x2] =	stream.linear.gather [hbm4b:s14+s3], $0x50, $0x38;
	[tilespmem:$0x2880] =	vst v63  }
0xf: {  	_ =	swait.ge [sflag:s9], $0x50  }
0x10: {  	[sflag:s9] =	ssyncset.done $0x0  }
0x11: {  	[sflag:s9] =	ssyncadd.s32 $0xFFFFFFB0  }
0x12: {  	[tilespmem:s11], [sflag:$0x1] =	stream.indirect.gather [hbm4b:s2+s10], $0x80, s3, s10, $0xb8;
	[tilespmem:$0x2880] =	vst v63  }
0x13: {  	_ =	swait.ge [sflag:s12], $0x2800  }
0x14: {  	[sflag:s12] =	ssyncset.done $0x0  }
0x15: {  	[sflag:s12] =	ssyncadd.s32 $0xFFFFD800  }
0x16: {  	[hbm4b:s5+s3] =	stream.linear.scatter [tilespmem:s11], [sflag:$0x2], $0x2800, $0x38;
	[tilespmem:$0x2880] =	vst v63  }
0x17: {  	s17 =	sadd.s32 $0xA, s6;
	_ =	swait.ge [sflag:s9], $0x2800  }
0x18: {  	s15 =	simm.s32 $0x14;
	s14 =	sadd.s32 $0x500, s5;
	[sflag:s9] =	ssyncset.done $0x0  }
.LBB2_2:
0x19: {  	s18 =	sadd.s32 s15, s6;
	s16 =	simm.s32 $0x0;
	[sflag:s9] =	ssyncadd.s32 $0xFFFFD800  }
0x1a: {  	[tilespmem:s16], [sflag:$0x2] =	stream.linear.gather [hbm4b:s17+s16], $0x50, $0x38;
	[tilespmem:$0x2880] =	vst v63  }
0x1b: {  	p0 =	sne.s32 s15, $0x4D8;
	s15 =	sadd.s32 $0xA, s15;
	_ =	swait.ge [sflag:s9], $0x50  }
0x1c: {  	s17 =	smov.u32 s18;
	[sflag:s9] =	ssyncset.done $0x0  }
0x1d: {  	[sflag:s9] =	ssyncadd.s32 $0xFFFFFFB0  }
0x1e: {  	[tilespmem:s11], [sflag:$0x1] =	stream.indirect.gather [hbm4b:s2+s10], $0x80, s16, s10, $0xb8;
	[tilespmem:$0x2880] =	vst v63  }
0x1f: {  	_ =	swait.ge [sflag:s12], $0x2800  }
.Ltmp0:
0x20: {  	[sflag:s12] =	ssyncset.done $0x0;
	(pc) =	sbr.rel @p0 .LBB2_2-.Ltmp0, $4  }
0x21: {  	[sflag:s12] =	ssyncadd.s32 $0xFFFFD800  }
0x22: {  	[hbm4b:s14+s16] =	stream.linear.scatter [tilespmem:s11], [sflag:$0x2], $0x2800, $0x38;
	[tilespmem:$0x2880] =	vst v63  }
0x23: {  	_ =	swait.ge [sflag:s9], $0x2800  }
0x24: {  	s14 =	sadd.s32 $0x500, s14;
	[sflag:s9] =	ssyncset.done $0x0  }
0x25: {  	[sflag:s9] =	ssyncadd.s32 $0xFFFFD800  }
0x26: {  	[tilespmem:s16], [sflag:$0x2] =	stream.linear.gather [hbm4b:s17+s16], $0x50, $0x38;
	[tilespmem:$0x2880] =	vst v63  }
0x27: {  	_ =	swait.ge [sflag:s9], $0x50  }
0x28: {  	[sflag:s9] =	ssyncset.done $0x0  }
0x29: {  	[sflag:s9] =	ssyncadd.s32 $0xFFFFFFB0  }
0x2a: {  	[tilespmem:s11], [sflag:$0x1] =	stream.indirect.gather [hbm4b:s2+s10], $0x80, s16, s10, $0xb8;
	[tilespmem:$0x2880] =	vst v63  }
0x2b: {  	_ =	swait.ge [sflag:s12], $0x2800  }
0x2c: {  	p1 =	por $0x1, $0x1;
	[sflag:s12] =	ssyncset.done $0x0  }
.Ltmp1:
0x2d: {  	[sflag:s12] =	ssyncadd.s32 $0xFFFFD800;
	(pc) =	sbr.rel @!p1 .LBB2_8-.Ltmp1, $4  }
0x2e: {  	[hbm4b:s14+s16] =	stream.linear.scatter [tilespmem:s11], [sflag:$0x2], $0x2800, $0x38;
	[tilespmem:$0x2880] =	vst v63  }
0x2f: {  	_ =	swait.ge [sflag:s9], $0x2800  }
0x30: {  	p0 =	por $0x0, $0x0;
	[sflag:s9] =	ssyncset.done $0x0  }
0x31: {  	s15 =	smov.u32 s7;
	s14 =	simm.s32 $0xA;
	[sflag:s9] =	ssyncadd.s32 $0xFFFFD800  }
0x32: {  	s15 =	sadd.s32 $0x0, s8  }
0x33: {  	[tilespmem:s3], [sflag:$0x2] =	stream.linear.gather [hbm4b:s15+s3], $0x50, $0x38;
	[tilespmem:$0x2880] =	vst v63  }
0x34: {  	_ =	swait.ge [sflag:s9], $0x50  }
0x35: {  	[sflag:s9] =	ssyncset.done $0x0  }
0x36: {  	[sflag:s9] =	ssyncadd.s32 $0xFFFFFFB0  }
0x37: {  	[tilespmem:s11], [sflag:$0x1] =	stream.indirect.gather [hbm4b:s2+s10], $0x80, s3, s10, $0xb8;
	[tilespmem:$0x2880] =	vst v63  }
0x38: {  	p1 =	por $0x1, $0x1;
	_ =	swait.ge [sflag:s12], $0x2800  }
.Ltmp2:
0x39: {  	[sflag:s12] =	ssyncset.done $0x0;
	(pc) =	sbr.rel @!p1 .LBB2_5-.Ltmp2, $4  }
0x3a: {  	[sflag:s12] =	ssyncadd.s32 $0xFFFFD800  }
0x3b: {  	[hbm4b:s7+s3] =	stream.linear.scatter [tilespmem:s11], [sflag:$0x2], $0x2800, $0x38;
	[tilespmem:$0x2880] =	vst v63  }
0x3c: {  	s16 =	simm.s32 $0x14;
	_ =	swait.ge [sflag:s9], $0x2800  }
0x3d: {  	p0 =	por $0x1, $0x1;
	s15 =	sadd.s32 $0x500, s7;
	[sflag:s9] =	ssyncset.done $0x0  }
.LBB2_6:
0x3e: {  	s17 =	sadd.s32 s14, s8  }
0x3f: {  	[sflag:s9] =	ssyncadd.s32 $0xFFFFD800;
	s14 =	smov.u32 s16;
	s18 =	sadd.s32 $0xA, s16  }
0x40: {  	[tilespmem:s3], [sflag:$0x2] =	stream.linear.gather [hbm4b:s17+s3], $0x50, $0x38;
	[tilespmem:$0x2880] =	vst v63  }
0x41: {  	p1 =	sne.s32 s16, $0x4D8;
	_ =	swait.ge [sflag:s9], $0x50  }
0x42: {  	[sflag:s9] =	ssyncset.done $0x0  }
0x43: {  	[sflag:s9] =	ssyncadd.s32 $0xFFFFFFB0  }
0x44: {  	[tilespmem:s11], [sflag:$0x1] =	stream.indirect.gather [hbm4b:s2+s10], $0x80, s3, s10, $0xb8;
	[tilespmem:$0x2880] =	vst v63  }
0x45: {  	_ =	swait.ge [sflag:s12], $0x2800  }
.Ltmp3:
0x46: {  	[sflag:s12] =	ssyncset.done $0x0;
	(pc) =	sbr.rel @p1 .LBB2_6-.Ltmp3, $4  }
0x47: {  	[sflag:s12] =	ssyncadd.s32 $0xFFFFD800  }
0x48: {  	[hbm4b:s15+s3] =	stream.linear.scatter [tilespmem:s11], [sflag:$0x2], $0x2800, $0x38;
	[tilespmem:$0x2880] =	vst v63  }
0x49: {  	_ =	swait.ge [sflag:s9], $0x2800  }
0x4a: {  	s16 =	smov.u32 s18;
	s15 =	sadd.s32 $0x500, s15;
	[sflag:s9] =	ssyncset.done $0x0  }
0x4b: {  	s16 =	smov.u32 s14  }
.LBB2_8:
0x4c: {  	s14 =	sadd.s32 s16, s8;
	[sflag:s9] =	ssyncadd.s32 @p0 $0xFFFFD800  }
0x4d: {  	[tilespmem:s3], [sflag:$0x2] =	stream.linear.gather [hbm4b:s14+s3], $0x50, $0x38;
	[tilespmem:$0x2880] =	vst v63  }
0x4e: {  	_ =	swait.ge [sflag:s9], $0x50  }
0x4f: {  	[sflag:s9] =	ssyncset.done $0x0  }
0x50: {  	[sflag:s9] =	ssyncadd.s32 $0xFFFFFFB0  }
0x51: {  	[tilespmem:s11], [sflag:$0x1] =	stream.indirect.gather [hbm4b:s2+s10], $0x80, s3, s10, $0xb8;
	[tilespmem:$0x2880] =	vst v63  }
0x52: {  	_ =	swait.ge [sflag:s12], $0x2800  }
0x53: {  	s13 =	sadd.s32 $0x1, s13;
	[sflag:s12] =	ssyncset.done $0x0  }
0x54: {  	p0 =	sne.s32 s13, s4;
	[sflag:s12] =	ssyncadd.s32 $0xFFFFD800  }
0x55: {  	[hbm4b:s15+s3] =	stream.linear.scatter [tilespmem:s11], [sflag:$0x2], $0x2800, $0x38;
	[tilespmem:$0x2880] =	vst v63  }
.Ltmp4:
0x56: {  	_ = 	snop;
	(pc) =	sbr.rel @p0 .LBB2_1-.Ltmp4, $4  }
.Ltmp5:
0x57: {  	_ = 	snop;
	(pc) =	sbr.rel @!p0 .LBB2_9-.Ltmp5, $4  }
0x58: {  	_ =	swait.ge [sflag:s9], $0x2800  }
0x59: {  	[sflag:s9] =	ssyncset.done $0x0  }
0x5a: {  	[sflag:s9] =	ssyncadd.s32 $0xFFFFD800  }
0x5b: {  	_ = 	snop  }
.LBB2_5:
.Ltmp6:
0x5c: {  	(pc) =	sbr.rel .LBB2_8-.Ltmp6, $2  }
0x5d: {  	_ =	sdelay $0x2  }
0x5e: {  	s16 =	simm.s32 $0xA  }
.LBB2_9:
0x5f: {  	_ =	sfence.sel $0x180000  }
0x60: {  	[bflag:$0x0] =	sbarrier.arrive $0xFFFF  }
0x61: {  	p0 =	sne.s32 s1, $0x0;
	_ =	strace $0x90000047  }
0x62: {  	s0 =	sadd.s32 @!p0 $0x100000, s0;
	[bflag:$0x2] =	sbarrier.arrive $0xFFFF  }
0x63: {  	[sflag:s0] =	ssyncadd.tile.s32 @!p0 $0x1;
	_ =	shalt  }
.Lfunc_end2:
_tile_overlayer_lowered:
.L_overlay_start_2:
0x64: {  	(tag) =	ssettag $0x2  }
0x65: {  	s0 =	rddreg [dreg:$0x0];
	s2 =	stileid.u32  }
0x66: {  	s1 =	rddreg [dreg:$0x1];
	p0 =	sne.s32 s2, $0x0  }
0x67: {  	s3 =	rddreg [dreg:$0x2];
	[bflag:$0x3] =	sbarrier.arrive $0xFFFF;
	s2 =	simm.s32 @!p0 $0x1C02  }
0x68: {  	[timem:s3], [sflag:s2] =	dma.local @!p0 [hbm:s0], s1  }
0x69: {  	s0 =	simm.s32 @!p0 $0x2  }
0x6a: {  	_ =	swait.ge @!p0 [sflag:s0], s1  }
0x6b: {  	s1 =	ssub.s32 @!p0 $0x0, s1;
	[sflag:s0] =	ssyncset.done @!p0 $0x0  }
0x6c: {  	[sflag:s0] =	ssyncadd.s32 @!p0 s1  }
0x6d: {  	[bflag:$0x3] =	sbarrier.arrive $0xFFFF  }
0x6e: {  	_ =	shalt  }

// kernel: kernel.22.cloned.1.call-start
scs
__scs_entry_jumppad:
0x0: {  	(pc) =	sbr.rel $0x88, $3  }
0x1: {  	(tag) =	ssettag $0x0;
	lr =	simm.s32 $0x1  }
0x2: {  	[smem:$0x3F84] =	sst lr;
	_ =	strace $0xD0000000  }
0x3: {  	_ = 	snop  }
0x4: {  	_ = 	snop  }
0x5: {  	_ = 	snop  }
0x6: {  	_ = 	snop  }
0x7: {  	_ = 	snop  }
__scs_overlays_trampoline_lowered:
0x8: {  	[smem:$0x3F93] =	sst s0  }
0x9: {  	[smem:$0x3F94] =	sst s1  }
0xa: {  	[smem:$0x3F95] =	sst s2  }
0xb: {  	[smem:$0x3F96] =	sst s3  }
0xc: {  	[smem:$0x3F97] =	sst s4  }
0xd: {  	[smem:$0x3F98] =	sst s5  }
0xe: {  	[smem:$0x3F99] =	sst s6  }
0xf: {  	[smem:$0x3F9A] =	sst s7  }
0x10: {  	[smem:$0x3F9B] =	sst s8  }
0x11: {  	[smem:$0x3F9C] =	sst s9;
	s0 =	simm.s32 @!p0 $0x0  }
0x12: {  	s1 =	sld [smem:$0x3F82];
	s0 =	simm.s32 @p0 $0x1  }
0x13: {  	[smem:$0x3F9D] =	sst s0;
	s0 =	simm.s32 @!p1 $0x0  }
0x14: {  	s2 =	sld [smem:$0x3F81];
	s0 =	simm.s32 @p1 $0x1  }
0x15: {  	[smem:$0x3F9E] =	sst s0;
	s0 =	simm.s32 @!p2 $0x0  }
0x16: {  	s3 =	sld [smem:$0x3FDB];
	s0 =	simm.s32 @p2 $0x1  }
0x17: {  	s4 =	simm.s32 $0x1BF5;
	[smem:$0x3FA0] =	sst s0  }
0x18: {  	s0 =	sld [smem:$0x3F83];
	_ =	swait.ge [sflag:s4], $0x0  }
0x19: {  	s7 =	sld [smem:$0x3F84]  }
0x1a: {  	s8 =	sadd.s32 $0xFFFFE003, lr  }
0x1b: {  	s9 =	sadd.s32 $0xFFFFFEF7, lr;
	s5 =	simm.s32 $0xFFFFFFFF;
	p2 =	slt.u32 s8, $0xFFFFF086  }
0x1c: {  	p1 =	slt.u32 s9, $0xF7A;
	s5 =	simm.s32 @!p2 $0x0  }
0x1d: {  	s5 =	simm.s32 @p1 $0x1;
	p0 =	seq.s32 s7, s2  }
0x1e: {  	s7 =	smul.u32 @!p0 $0xF7A, s2;
	p2 =	seq.s32 @!p0 s5, $0x0  }
0x1f: {  	s9 =	smul.u32 $0xF7A, s1;
	s8 =	simm.s32 @!p0 $0x1BF5;
	p2 =	por !p2, p0  }
0x20: {  	[sflag:s8] =	ssyncset.s32 @!p0 $0xFFFFF086;
	s6 =	sadd.s32 @!p0 s3, s7;
	s7 =	simm.s32 @!p0 $0x108  }
0x21: {  	s3 =	sadd.s32 s3, s9;
	s6 =	sadd.s32 @!p0 $0x88, s6;
	s7 =	simm.s32 @p2 $0x1082  }
0x22: {  	[simem:s7], [sflag:s8] =	dma.local @!p0 [hbm:s6], $0xF7A  }
0x23: {  	s9 =	sor.u32 $0xD0000000, s2;
	s6 =	simm.s32 $0x108;
	_ =	swait.ge @!p0 [sflag:s8], $0x0  }
0x24: {  	s3 =	sadd.s32 $0x88, s3;
	s6 =	simm.s32 @!p1 $0x1082;
	[sflag:s4] =	ssyncset.s32 $0xFFFFF086  }
0x25: {  	[simem:s6], [sflag:s4] =	dma.local [hbm:s3], $0xF7A  }
0x26: {  	[smem:$0x3F84] =	sst s1;
	(tag) =	ssettag s2;
	_ =	strace s9  }
0x27: {  	s1 =	sld [smem:$0x3F94]  }
0x28: {  	s2 =	sld [smem:$0x3F95]  }
0x29: {  	s4 =	sld [smem:$0x3F97]  }
0x2a: {  	p0 =	seq.s32 s5, $0x0;
	s5 =	sld [smem:$0x3F98]  }
0x2b: {  	s6 =	sld [smem:$0x3F99]  }
0x2c: {  	s7 =	sld [smem:$0x3F9A]  }
0x2d: {  	s3 =	simm.s32 $0x108;
	s8 =	sld [smem:$0x3F9B]  }
0x2e: {  	s3 =	simm.s32 @!p0 $0x1082;
	s9 =	sld [smem:$0x3F9C]  }
0x2f: {  	lr =	sadd.s32 s0, s3;
	s0 =	sld [smem:$0x3F93]  }
0x30: {  	s3 =	sld [smem:$0x3F96]  }
0x31: {  	[smem:$0x3F9F] =	sst s10  }
0x32: {  	s10 =	sld [smem:$0x3F9D];
	_ =	sdelay $0x3  }
0x33: {  	p0 =	seq.s32 s10, $0x1;
	s10 =	sld [smem:$0x3F9F];
	_ =	sdelay $0x3  }
0x34: {  	[smem:$0x3F9F] =	sst s10  }
0x35: {  	s10 =	sld [smem:$0x3F9E];
	_ =	sdelay $0x3  }
0x36: {  	p1 =	seq.s32 s10, $0x1;
	s10 =	sld [smem:$0x3F9F];
	_ =	sdelay $0x3  }
0x37: {  	[smem:$0x3F9F] =	sst s10  }
0x38: {  	s10 =	sld [smem:$0x3FA0]  }
0x39: {  	_ = 	snop;
	(pc) =	sbr.ind lr, $3  }
0x3a: {  	_ = 	snop  }
0x3b: {  	_ = 	snop  }
0x3c: {  	p2 =	seq.s32 s10, $0x1;
	s10 =	sld [smem:$0x3F9F]  }
0x3d: {  	_ =	shalt  }
0x3e: {  	_ =	shalt  }
0x3f: {  	_ =	shalt  }
0x40: {  	_ =	shalt  }
0x41: {  	_ =	shalt  }
0x42: {  	_ =	shalt  }
0x43: {  	_ =	shalt  }
0x44: {  	_ =	shalt  }
0x45: {  	_ =	shalt  }
0x46: {  	_ =	shalt  }
0x47: {  	_ =	shalt  }
0x48: {  	_ =	shalt  }
0x49: {  	_ =	shalt  }
0x4a: {  	_ =	shalt  }
0x4b: {  	_ =	shalt  }
0x4c: {  	_ =	shalt  }
0x4d: {  	_ =	shalt  }
0x4e: {  	_ =	shalt  }
0x4f: {  	_ =	shalt  }
0x50: {  	_ =	shalt  }
0x51: {  	_ =	shalt  }
0x52: {  	_ =	shalt  }
0x53: {  	_ =	shalt  }
0x54: {  	_ =	shalt  }
0x55: {  	_ =	shalt  }
0x56: {  	_ =	shalt  }
0x57: {  	_ =	shalt  }
0x58: {  	_ =	shalt  }
0x59: {  	_ =	shalt  }
0x5a: {  	_ =	shalt  }
0x5b: {  	_ =	shalt  }
0x5c: {  	_ =	shalt  }
0x5d: {  	_ =	shalt  }
0x5e: {  	_ =	shalt  }
0x5f: {  	_ =	shalt  }
0x60: {  	_ =	shalt  }
0x61: {  	_ =	shalt  }
0x62: {  	_ =	shalt  }
0x63: {  	_ =	shalt  }
0x64: {  	_ =	shalt  }
0x65: {  	_ =	shalt  }
0x66: {  	_ =	shalt  }
0x67: {  	_ =	shalt  }
0x68: {  	_ =	shalt  }
0x69: {  	_ =	shalt  }
0x6a: {  	_ =	shalt  }
0x6b: {  	_ =	shalt  }
0x6c: {  	_ =	shalt  }
0x6d: {  	_ =	shalt  }
0x6e: {  	_ =	shalt  }
0x6f: {  	_ =	shalt  }
0x70: {  	_ =	shalt  }
0x71: {  	_ =	shalt  }
0x72: {  	_ =	shalt  }
0x73: {  	_ =	shalt  }
0x74: {  	_ =	shalt  }
0x75: {  	_ =	shalt  }
0x76: {  	_ =	shalt  }
0x77: {  	_ =	shalt  }
0x78: {  	_ =	shalt  }
0x79: {  	_ =	shalt  }
0x7a: {  	_ =	shalt  }
0x7b: {  	_ =	shalt  }
0x7c: {  	_ =	shalt  }
0x7d: {  	_ =	shalt  }
0x7e: {  	_ =	shalt  }
0x7f: {  	_ =	shalt  }
0x80: {  	_ =	shalt  }
0x81: {  	_ =	shalt  }
0x82: {  	_ =	shalt  }
0x83: {  	_ =	shalt  }
0x84: {  	_ =	shalt  }
0x85: {  	_ =	shalt  }
0x86: {  	_ =	shalt  }
0x87: {  	_ =	shalt  }
.Lfunc_end0:
.L_simem_size_0:
called_computation.1_lowered:
.L_overlay_start_0:
0x88: {  	s2 =	sld [smem:$0x3FD9]  }
0x89: {  	s3 =	sld [smem:$0x3FFE];
	_ =	sdelay $0x1  }
0x8a: {  	s1 =	srdreg.scid  }
0x8b: {  	s0 =	sand.u32 $0x1, s1  }
0x8c: {  	s16 =	sshll.u32 s0, $0xA;
	s2 =	sadd.s32 s3, s2  }
0x8d: {  	s2 =	sadd.s32 s2, s16  }
0x8e: {  	[smem:$0x3FAB] =	sst s2  }
0x8f: {  	_ = 	snop  }
0x90: {  	(tm) =	ssettm $0x1  }
0x91: {  	s17 =	sld [smem:$0x3FFB];
	_ =	sdelay $0x3  }
0x92: {  	_ =	strace s17  }
0x93: {  	s2 =	sld [smem:$0x3FFC];
	_ =	sdelay $0x3  }
0x94: {  	_ =	strace s2  }
0x95: {  	s2 =	sld [smem:$0x3FFD];
	_ =	sdelay $0x3  }
0x96: {  	_ =	strace s2  }
0x97: {  	_ =	strace $0x8FFFFFFF  }
0x98: {  	s18 =	sld [smem:$0x3FDB];
	_ =	sdelay $0x1  }
0x99: {  	s19 =	simm.s32 $_scs_section_size  }
0x9a: {  	s4 =	simm.s32 $_size__tile_overlayer_lowered;
	s5 =	simm.s32 $_tile_overlayer_lowered  }
0x9b: {  	s22 =	simm.s32 $0x1BFF;
	s21 =	sshll.u32 s5, $0x1;
	s2 =	sadd.s32 s19, s18  }
0x9c: {  	s6 =	simm.s32 $0x0;
	s20 =	sshll.u32 s4, $0x1;
	s4 =	sadd.s32 s21, s2  }
0x9d: {  	[timem:s6], [sflag:s22] =	dma.local [hbm:s4], s20  }
0x9e: {  	_ =	swait.ge [sflag:s22], s20  }
0x9f: {  	s3 =	ssub.s32 $0x0, s20;
	[sflag:s22] =	ssyncset.done $0x0  }
0xa0: {  	[sflag:s22] =	ssyncadd.s32 s3;
	_ =	sdelay $0x1  }
0xa1: {  	s23 =	simm.s32 $0x1B8B  }
0xa2: {  	_ =	swait.ge [sflag:s23], $0x1  }
0xa3: {  	[sflag:s23] =	ssyncset.done $0x0  }
0xa4: {  	s25 =	simm.s32 $0x1B8E;
	s24 =	sld [smem:$0x3FFE];
	[sflag:s23] =	ssyncadd.s32 $0xFFFFFFFF  }
0xa5: {  	s26 =	simm.s32 $execute0_lowered;
	[smem:$0x3FD2] =	sst s25  }
0xa6: {  	s4 =	sshll.u32 s26, $0x1;
	_ =	strace $0x80000049;
	[dreg:$0x1] =	wrdreg $0xFFFFFFFF  }
0xa7: {  	s28 =	simm.s32 $_size_execute0_lowered;
	s2 =	sadd.s32 s2, s4;
	[dreg:$0x0] =	wrdreg $0x0  }
0xa8: {  	s4 =	sshll.u32 s28, $0x1;
	[dreg:$0x2] =	wrdreg s2  }
0xa9: {  	[dreg:$0x3] =	wrdreg s4  }
0xaa: {  	[dreg:$0x4] =	wrdreg $0xC0  }
0xab: {  	_ =	task [dreg:s6], $0x5FFFF  }
0xac: {  	[dreg:$0x1] =	wrdreg $0xFFFFFFFF  }
0xad: {  	[dreg:$0x0] =	wrdreg $0x60  }
0xae: {  	[dreg:$0x2] =	wrdreg s24  }
0xaf: {  	[dreg:$0x3] =	wrdreg $0x9  }
0xb0: {  	_ =	task.clear_ibuf [dreg:s6], $0x4FFFF;
	_ =	strace $0x90000049  }
0xb1: {  	s29 =	simm.s32 $0x9;
	_ =	strace $0x8000004B  }
0xb2: {  	_ =	swait.ge [sflag:s29], $0x1  }
0xb3: {  	[sflag:s29] =	ssyncadd.s32 $0xFFFFFFFF  }
0xb4: {  	_ =	strace $0x9000004B  }
0xb5: {  	_ =	sfence  }
0xb6: {  	s30 =	sld [smem:$0x0];
	_ =	sdelay $0x2  }
0xb7: {  	s31 =	sshll.u32 s1, $0xD;
	s1 =	sshrl.u32 s1, $0x2  }
0xb8: {  	s3 =	sand.u32 $0x4000, s31;
	s1 =	sadd.s32 s1, s30  }
0xb9: {  	s0 =	sor.u32 s3, s0;
	s1 =	sshll.u32 s1, $0x11  }
0xba: {  	s0 =	sor.u32 s1, s0  }
0xbb: {  	s0 =	sadd.s32 $0x8F2B, s0  }
0xbc: {  	[sflag:s0] =	ssyncadd.remote.s32 $0x1  }
0xbd: {  	_ =	sfence.sel $0xFFFF  }
0xbe: {  	[dreg:$0x0] =	wrdreg $0xFFFFFFFF;
	(pc) =	sbr.abs _section_cstart, $3  }
0xbf: {  	[dreg:$0x1] =	wrdreg $0xFFFFFFFF  }
0xc0: {  	_ =	task.clear_ibuf [dreg:s6], $0x2FFFF;
	_ =	strace $0x9FFFFFFF  }
0xc1: {  	(tm) =	ssettm $0x7FFFFFFF  }
tec
execute0_lowered:
.L_overlay_start_1:
0x0: {  	(tag) =	ssettag $0x1  }
0x1: {  	s5 =	rddreg [dreg:$0x0]  }
0x2: {  	s2 =	srdreg.scid;
	s1 =	stileid.u32  }
0x3: {  	s0 =	rddreg [dreg:$0x1];
	s11 =	simm.s32 $0x10500;
	s12 =	simm.s32 $0x80  }
0x4: {  	s13 =	simm.s32 $0x400;
	s14 =	simm.s32 $0x0;
	s6 =	sand.u32 $0x1, s2  }
0x5: {  	s3 =	sshll.u32 s1, $0x1;
	s2 =	simm.s32 $0x0;
	s30 =	sshrl.u32 s1, $0x2  }
0x6: {  	s7 =	sor.u32 s6, s3;
	[smem:$0x7FF] =	sst s2;
	s8 =	smul.u32 $0x50000, s30  }
0x7: {  	s10 =	smul.u32 $0x3C000, s30;
	s3 =	sadd.s32 $0x18000, s5;
	s4 =	sshll.u32 s7, $0x7  }
0x8: {  	s6 =	ssub.s32 $0x2, s6;
	_ =	strace $0x8000004A;
	s9 =	sand.u32 $0x380, s4  }
0x9: {  	s31 =	sshrl.u32 s6, $0x1;
	s8 =	sor.u32 s8, s9;
	s9 =	sor.u32 s10, s9  }
0xa: {  	s4 =	sadd.s32 $0x9DC000, s5;
	s8 =	sshrl.u32 s8, $0x3;
	s9 =	sshrl.u32 s9, $0x3  }
0xb: {  	s10 =	ssub.s32 s6, s31;
	s8 =	sadd.s32 s8, s5;
	s9 =	sadd.s32 s9, s5  }
0xc: {  	s5 =	smul.u32 $0x2710, s7;
	s6 =	sadd.s32 $0x4FA000, s8;
	s7 =	sadd.s32 $0x522000, s9  }
0xd: {  	v0 =	vimm.f32 $0.0e+00;
	v1 =	vimm.f32 $-Inf;
	v2 =	vlaneseq.u32;
	s8 =	smax.u32 s10, $0x1;
	s9 =	simm.s32 $0x1;
	s10 =	simm.s32 $0x6500  }
.LBB2_1:
0xe: {  	s15 =	simm.s32 $0x40;
	s16 =	simm.s32 $0x0  }
.LBB2_2:
0xf: {  	p0 =	sne.s32 s15, $0x27FC0;
	[tilespmem:s16+$0x6500] =	vst v0;
	s16 =	smov.u32 s15;
	s15 =	sadd.s32 $0x40, s15  }
.Ltmp0:
0x10: {  	(pc) =	sbr.rel @p0 .LBB2_2-.Ltmp0, $2  }
0x11: {  	_ =	sdelay $0x2  }
0x12: {  	s16 =	sshra.s32 s16, $0x2  }
0x13: {  	[tilespmem:s16+$0x6500] =	vst v0;
	s15 =	simm.s32 $0x0;
	s16 =	simm.s32 $0x40;
	s17 =	simm.s32 $0x0  }
.LBB2_4:
0x14: {  	p0 =	sne.s32 s16, $0x1DFC0;
	[tilespmem:s17+$0x10500] =	vst v1;
	s17 =	smov.u32 s16;
	s16 =	sadd.s32 $0x40, s16  }
.Ltmp1:
0x15: {  	(pc) =	sbr.rel @p0 .LBB2_4-.Ltmp1, $2  }
0x16: {  	_ =	sdelay $0x2  }
0x17: {  	s17 =	sshra.s32 s17, $0x2  }
0x18: {  	[tilespmem:s17+$0x10500] =	vst v1  }
.LBB2_6:
0x19: {  	s16 =	smul.u32 $0xC8, s15;
	_ =	sdelay $0x1  }
0x1a: {  	s16 =	sadd.s32 s5, s16  }
0x1b: {  	s17 =	sshrl.u32 s16, $0x3  }
0x1c: {  	s18 =	simm.s32 $0x0;
	s17 =	sadd.s32 s4, s17  }
0x1d: {  	[tilespmem:s18], [sflag:$0x1] =	stream.linear.gather [hbm4b:s17+s18], $0xC8, $0x38;
	[tilespmem:$0x17D00] =	vst v63  }
0x1e: {  	_ =	swait.ge [sflag:s9], $0xC8  }
0x1f: {  	s16 =	sshll.u32 s16, $0x4;
	[sflag:s9] =	ssyncset.done $0x0  }
0x20: {  	v3 =	vmov s18;
	s30 =	sadd.s32 s3, s16;
	s16 =	simm.s32 $0x100;
	[sflag:s9] =	ssyncadd.s32 $0xFFFFFF38  }
0x21: {  	[tilespmem:s16], [sflag:$0x1] =	stream.linear.gather [hbm4b:s30+s18], $0x6400, $0x38;
	[tilespmem:$0x17D00] =	vst v63  }
0x22: {  	_ =	swait.ge [sflag:s9], $0x6400  }
0x23: {  	[sflag:s9] =	ssyncset.done $0x0  }
0x24: {  	[sflag:s9] =	ssyncadd.s32 $0xFFFF9C00  }
0x25: {  	v3 =	vld.idx.msk [tilespmem:v3+s2+$0x0], $0xffff;
	_ =	sdelay $0x4  }
0x26: {  	v3 =	vtrunc.f32 v3  }
0x27: {  	v3 =	vcvt.f32.s32 v3;
	_ =	sdelay $0x1  }
0x28: {  	v4 =	vshll.u32 v3, $0x2  }
0x29: {  	v4 =	vadd.s32 v2, v4;
	_ =	sdelay $0x3  }
0x2a: {  	v6 =	vld [tilespmem:s16+$0x0]  }
0x2b: {  	v5 =	vld.idx.msk [tilespmem:v4+s10+$0x0], $0xf  }
0x2c: {  	v3 =	vmul.u32 $0x3, v3;
	_ =	sdelay $0x1  }
0x2d: {  	v3 =	vadd.s32 v2, v3;
	_ =	sdelay $0x1  }
0x2e: {  	v5 =	vadd.f32 v5, v6;
	_ =	sdelay $0x1  }
0x2f: {  	[tilespmem:v4+s10+$0x0] =	vst.idx.msk $0xf, v5  }
0x30: {  	v5 =	vld.idx.msk [tilespmem:v3+s11+$0x0], $0x7;
	_ =	sdelay $0x1  }
0x31: {  	s31 =	simm.s32 $0x1  }
0x32: {  	v4 =	vmov s31;
	_ =	sdelay $0x1  }
0x33: {  	s17 =	simm.s32 $0x2;
	v5 =	vmax.f32 v5, v6  }
.LBB2_7:
0x34: {  	p0 =	sne.s32 s17, $0xC7  }
0x35: {  	[tilespmem:v3+s11+$0x0] =	vst.idx.msk $0x7, v5;
	s16 =	sadd.s32 $0x80, s16;
	s18 =	smov.u32 s17;
	s17 =	sadd.s32 $0x1, s17  }
0x36: {  	v3 =	vld.idx.msk [tilespmem:v4+s2+$0x0], $0xffff;
	_ =	sdelay $0x5  }
0x37: {  	v3 =	vtrunc.f32 v3  }
0x38: {  	v3 =	vcvt.f32.s32 v3;
	_ =	sdelay $0x1  }
0x39: {  	v4 =	vshll.u32 v3, $0x2;
	v3 =	vmul.u32 $0x3, v3  }
0x3a: {  	v4 =	vadd.s32 v2, v4;
	_ =	sdelay $0x4  }
0x3b: {  	v5 =	vld.idx.msk [tilespmem:v4+s10+$0x0], $0xf  }
0x3c: {  	v6 =	vld [tilespmem:s16+$0x0];
	_ =	sdelay $0x2  }
0x3d: {  	v3 =	vadd.s32 v2, v3;
	_ =	sdelay $0x1  }
0x3e: {  	v5 =	vadd.f32 v5, v6;
	_ =	sdelay $0x1  }
0x3f: {  	[tilespmem:v4+s10+$0x0] =	vst.idx.msk $0xf, v5  }
0x40: {  	v5 =	vld.idx.msk [tilespmem:v3+s11+$0x0], $0x7;
	_ =	sdelay $0x1  }
.Ltmp2:
0x41: {  	(pc) =	sbr.rel @p0 .LBB2_7-.Ltmp2, $2  }
0x42: {  	v4 =	vmov s18;
	_ =	sdelay $0x2  }
0x43: {  	v5 =	vmax.f32 v5, v6  }
0x44: {  	_ =	sdelay $0x3  }
0x45: {  	[tilespmem:v3+s11+$0x0] =	vst.idx.msk $0x7, v5  }
0x46: {  	v3 =	vld.idx.msk [tilespmem:v4+s2+$0x0], $0xffff;
	_ =	sdelay $0x4  }
0x47: {  	v3 =	vtrunc.f32 v3  }
0x48: {  	v3 =	vcvt.f32.s32 v3;
	_ =	sdelay $0x1  }
0x49: {  	v63 =	vshll.u32 v3, $0x2  }
0x4a: {  	v4 =	vadd.s32 v2, v63;
	_ =	sdelay $0x2  }
0x4b: {  	s16 =	sadd.s32 $0x80, s16  }
0x4c: {  	v6 =	vld [tilespmem:s16+$0x0]  }
0x4d: {  	v5 =	vld.idx.msk [tilespmem:v4+s10+$0x0], $0xf  }
0x4e: {  	v3 =	vmul.u32 $0x3, v3;
	_ =	sdelay $0x1  }
0x4f: {  	v3 =	vadd.s32 v2, v3;
	_ =	sdelay $0x1  }
0x50: {  	v5 =	vadd.f32 v5, v6;
	_ =	sdelay $0x1  }
0x51: {  	[tilespmem:v4+s10+$0x0] =	vst.idx.msk $0xf, v5  }
0x52: {  	s15 =	sadd.s32 $0x1, s15;
	v4 =	vld.idx.msk [tilespmem:v3+s11+$0x0], $0x7  }
0x53: {  	p0 =	sne.s32 s15, $0x32  }
.Ltmp3:
0x54: {  	_ = 	snop;
	(pc) =	sbr.rel @p0 .LBB2_6-.Ltmp3, $3  }
0x55: {  	_ =	sdelay $0x1  }
0x56: {  	v4 =	vmax.f32 v4, v6  }
0x57: {  	[tilespmem:v3+s11+$0x0] =	vst.idx.msk $0x7, v4  }
0x58: {  	[hbm4b:s6+s12] =	stream.strided.scatter [tilespmem:s10], [sflag:$0x1], $0xA000, s13, s12, $0x38;
	[tilespmem:$0x17D00] =	vst v63  }
0x59: {  	s14 =	sadd.s32 $0x1, s14;
	_ =	swait.ge [sflag:s9], $0xA000  }
0x5a: {  	p0 =	sne.s32 s14, s8;
	[sflag:s9] =	ssyncset.done $0x0  }
.Ltmp4:
0x5b: {  	[sflag:s9] =	ssyncadd.s32 $0xFFFF6000;
	(pc) =	sbr.rel @p0 .LBB2_1-.Ltmp4, $4  }
0x5c: {  	[hbm4b:s7+s12] =	stream.strided.scatter [tilespmem:s11], [sflag:$0x1], $0x7800, s13, s12, $0x38;
	[tilespmem:$0x17D00] =	vst v63  }
0x5d: {  	_ =	swait.ge [sflag:s9], $0x7800  }
0x5e: {  	[sflag:s9] =	ssyncset.done $0x0  }
0x5f: {  	[sflag:s9] =	ssyncadd.s32 $0xFFFF8800  }
0x60: {  	_ =	sfence.sel $0x180000  }
0x61: {  	[bflag:$0x0] =	sbarrier.arrive $0xFFFF  }
0x62: {  	p0 =	sne.s32 s1, $0x0;
	_ =	strace $0x9000004A  }
0x63: {  	s0 =	sadd.s32 @!p0 $0x100000, s0;
	[bflag:$0x2] =	sbarrier.arrive $0xFFFF  }
0x64: {  	[sflag:s0] =	ssyncadd.tile.s32 @!p0 $0x1;
	_ =	shalt  }
.Lfunc_end2:
_tile_overlayer_lowered:
.L_overlay_start_2:
0x65: {  	(tag) =	ssettag $0x2  }
0x66: {  	s0 =	rddreg [dreg:$0x0];
	s2 =	stileid.u32  }
0x67: {  	s1 =	rddreg [dreg:$0x1];
	p0 =	sne.s32 s2, $0x0  }
0x68: {  	s3 =	rddreg [dreg:$0x2];
	[bflag:$0x3] =	sbarrier.arrive $0xFFFF;
	s2 =	simm.s32 @!p0 $0x1C01  }
0x69: {  	[timem:s3], [sflag:s2] =	dma.local @!p0 [hbm:s0], s1  }
0x6a: {  	s0 =	simm.s32 @!p0 $0x1  }
0x6b: {  	_ =	swait.ge @!p0 [sflag:s0], s1  }
0x6c: {  	s1 =	ssub.s32 @!p0 $0x0, s1;
	[sflag:s0] =	ssyncset.done @!p0 $0x0  }
0x6d: {  	[sflag:s0] =	ssyncadd.s32 @!p0 s1  }
0x6e: {  	[bflag:$0x3] =	sbarrier.arrive $0xFFFF  }
0x6f: {  	_ =	shalt  }

// kernel: kernel.25.cloned.1.call-start
scs
__scs_entry_jumppad:
0x0: {  	(pc) =	sbr.rel $0x88, $3  }
0x1: {  	(tag) =	ssettag $0x0;
	lr =	simm.s32 $0x1  }
0x2: {  	[smem:$0x3F84] =	sst lr;
	_ =	strace $0xD0000000  }
0x3: {  	_ = 	snop  }
0x4: {  	_ = 	snop  }
0x5: {  	_ = 	snop  }
0x6: {  	_ = 	snop  }
0x7: {  	_ = 	snop  }
__scs_overlays_trampoline_lowered:
0x8: {  	[smem:$0x3F93] =	sst s0  }
0x9: {  	[smem:$0x3F94] =	sst s1  }
0xa: {  	[smem:$0x3F95] =	sst s2  }
0xb: {  	[smem:$0x3F96] =	sst s3  }
0xc: {  	[smem:$0x3F97] =	sst s4  }
0xd: {  	[smem:$0x3F98] =	sst s5  }
0xe: {  	[smem:$0x3F99] =	sst s6  }
0xf: {  	[smem:$0x3F9A] =	sst s7  }
0x10: {  	[smem:$0x3F9B] =	sst s8  }
0x11: {  	[smem:$0x3F9C] =	sst s9;
	s0 =	simm.s32 @!p0 $0x0  }
0x12: {  	s1 =	sld [smem:$0x3F82];
	s0 =	simm.s32 @p0 $0x1  }
0x13: {  	[smem:$0x3F9D] =	sst s0;
	s0 =	simm.s32 @!p1 $0x0  }
0x14: {  	s2 =	sld [smem:$0x3F81];
	s0 =	simm.s32 @p1 $0x1  }
0x15: {  	[smem:$0x3F9E] =	sst s0;
	s0 =	simm.s32 @!p2 $0x0  }
0x16: {  	s3 =	sld [smem:$0x3FDB];
	s0 =	simm.s32 @p2 $0x1  }
0x17: {  	s4 =	simm.s32 $0x1BF5;
	[smem:$0x3FA0] =	sst s0  }
0x18: {  	s0 =	sld [smem:$0x3F83];
	_ =	swait.ge [sflag:s4], $0x0  }
0x19: {  	s7 =	sld [smem:$0x3F84]  }
0x1a: {  	s8 =	sadd.s32 $0xFFFFE003, lr  }
0x1b: {  	s9 =	sadd.s32 $0xFFFFFEF7, lr;
	s5 =	simm.s32 $0xFFFFFFFF;
	p2 =	slt.u32 s8, $0xFFFFF086  }
0x1c: {  	p1 =	slt.u32 s9, $0xF7A;
	s5 =	simm.s32 @!p2 $0x0  }
0x1d: {  	s5 =	simm.s32 @p1 $0x1;
	p0 =	seq.s32 s7, s2  }
0x1e: {  	s7 =	smul.u32 @!p0 $0xF7A, s2;
	p2 =	seq.s32 @!p0 s5, $0x0  }
0x1f: {  	s9 =	smul.u32 $0xF7A, s1;
	s8 =	simm.s32 @!p0 $0x1BF5;
	p2 =	por !p2, p0  }
0x20: {  	[sflag:s8] =	ssyncset.s32 @!p0 $0xFFFFF086;
	s6 =	sadd.s32 @!p0 s3, s7;
	s7 =	simm.s32 @!p0 $0x108  }
0x21: {  	s3 =	sadd.s32 s3, s9;
	s6 =	sadd.s32 @!p0 $0x88, s6;
	s7 =	simm.s32 @p2 $0x1082  }
0x22: {  	[simem:s7], [sflag:s8] =	dma.local @!p0 [hbm:s6], $0xF7A  }
0x23: {  	s9 =	sor.u32 $0xD0000000, s2;
	s6 =	simm.s32 $0x108;
	_ =	swait.ge @!p0 [sflag:s8], $0x0  }
0x24: {  	s3 =	sadd.s32 $0x88, s3;
	s6 =	simm.s32 @!p1 $0x1082;
	[sflag:s4] =	ssyncset.s32 $0xFFFFF086  }
0x25: {  	[simem:s6], [sflag:s4] =	dma.local [hbm:s3], $0xF7A  }
0x26: {  	[smem:$0x3F84] =	sst s1;
	(tag) =	ssettag s2;
	_ =	strace s9  }
0x27: {  	s1 =	sld [smem:$0x3F94]  }
0x28: {  	s2 =	sld [smem:$0x3F95]  }
0x29: {  	s4 =	sld [smem:$0x3F97]  }
0x2a: {  	p0 =	seq.s32 s5, $0x0;
	s5 =	sld [smem:$0x3F98]  }
0x2b: {  	s6 =	sld [smem:$0x3F99]  }
0x2c: {  	s7 =	sld [smem:$0x3F9A]  }
0x2d: {  	s3 =	simm.s32 $0x108;
	s8 =	sld [smem:$0x3F9B]  }
0x2e: {  	s3 =	simm.s32 @!p0 $0x1082;
	s9 =	sld [smem:$0x3F9C]  }
0x2f: {  	lr =	sadd.s32 s0, s3;
	s0 =	sld [smem:$0x3F93]  }
0x30: {  	s3 =	sld [smem:$0x3F96]  }
0x31: {  	[smem:$0x3F9F] =	sst s10  }
0x32: {  	s10 =	sld [smem:$0x3F9D];
	_ =	sdelay $0x3  }
0x33: {  	p0 =	seq.s32 s10, $0x1;
	s10 =	sld [smem:$0x3F9F];
	_ =	sdelay $0x3  }
0x34: {  	[smem:$0x3F9F] =	sst s10  }
0x35: {  	s10 =	sld [smem:$0x3F9E];
	_ =	sdelay $0x3  }
0x36: {  	p1 =	seq.s32 s10, $0x1;
	s10 =	sld [smem:$0x3F9F];
	_ =	sdelay $0x3  }
0x37: {  	[smem:$0x3F9F] =	sst s10  }
0x38: {  	s10 =	sld [smem:$0x3FA0]  }
0x39: {  	_ = 	snop;
	(pc) =	sbr.ind lr, $3  }
0x3a: {  	_ = 	snop  }
0x3b: {  	_ = 	snop  }
0x3c: {  	p2 =	seq.s32 s10, $0x1;
	s10 =	sld [smem:$0x3F9F]  }
0x3d: {  	_ =	shalt  }
0x3e: {  	_ =	shalt  }
0x3f: {  	_ =	shalt  }
0x40: {  	_ =	shalt  }
0x41: {  	_ =	shalt  }
0x42: {  	_ =	shalt  }
0x43: {  	_ =	shalt  }
0x44: {  	_ =	shalt  }
0x45: {  	_ =	shalt  }
0x46: {  	_ =	shalt  }
0x47: {  	_ =	shalt  }
0x48: {  	_ =	shalt  }
0x49: {  	_ =	shalt  }
0x4a: {  	_ =	shalt  }
0x4b: {  	_ =	shalt  }
0x4c: {  	_ =	shalt  }
0x4d: {  	_ =	shalt  }
0x4e: {  	_ =	shalt  }
0x4f: {  	_ =	shalt  }
0x50: {  	_ =	shalt  }
0x51: {  	_ =	shalt  }
0x52: {  	_ =	shalt  }
0x53: {  	_ =	shalt  }
0x54: {  	_ =	shalt  }
0x55: {  	_ =	shalt  }
0x56: {  	_ =	shalt  }
0x57: {  	_ =	shalt  }
0x58: {  	_ =	shalt  }
0x59: {  	_ =	shalt  }
0x5a: {  	_ =	shalt  }
0x5b: {  	_ =	shalt  }
0x5c: {  	_ =	shalt  }
0x5d: {  	_ =	shalt  }
0x5e: {  	_ =	shalt  }
0x5f: {  	_ =	shalt  }
0x60: {  	_ =	shalt  }
0x61: {  	_ =	shalt  }
0x62: {  	_ =	shalt  }
0x63: {  	_ =	shalt  }
0x64: {  	_ =	shalt  }
0x65: {  	_ =	shalt  }
0x66: {  	_ =	shalt  }
0x67: {  	_ =	shalt  }
0x68: {  	_ =	shalt  }
0x69: {  	_ =	shalt  }
0x6a: {  	_ =	shalt  }
0x6b: {  	_ =	shalt  }
0x6c: {  	_ =	shalt  }
0x6d: {  	_ =	shalt  }
0x6e: {  	_ =	shalt  }
0x6f: {  	_ =	shalt  }
0x70: {  	_ =	shalt  }
0x71: {  	_ =	shalt  }
0x72: {  	_ =	shalt  }
0x73: {  	_ =	shalt  }
0x74: {  	_ =	shalt  }
0x75: {  	_ =	shalt  }
0x76: {  	_ =	shalt  }
0x77: {  	_ =	shalt  }
0x78: {  	_ =	shalt  }
0x79: {  	_ =	shalt  }
0x7a: {  	_ =	shalt  }
0x7b: {  	_ =	shalt  }
0x7c: {  	_ =	shalt  }
0x7d: {  	_ =	shalt  }
0x7e: {  	_ =	shalt  }
0x7f: {  	_ =	shalt  }
0x80: {  	_ =	shalt  }
0x81: {  	_ =	shalt  }
0x82: {  	_ =	shalt  }
0x83: {  	_ =	shalt  }
0x84: {  	_ =	shalt  }
0x85: {  	_ =	shalt  }
0x86: {  	_ =	shalt  }
0x87: {  	_ =	shalt  }
.Lfunc_end0:
.L_simem_size_0:
called_computation.2_lowered:
.L_overlay_start_0:
0x88: {  	s2 =	sld [smem:$0x3FD9]  }
0x89: {  	s3 =	sld [smem:$0x3FFE];
	_ =	sdelay $0x1  }
0x8a: {  	s1 =	srdreg.scid  }
0x8b: {  	s0 =	sand.u32 $0x1, s1  }
0x8c: {  	s16 =	sshll.u32 s0, $0xA;
	s2 =	sadd.s32 s3, s2  }
0x8d: {  	s2 =	sadd.s32 s2, s16  }
0x8e: {  	[smem:$0x3FAB] =	sst s2  }
0x8f: {  	_ = 	snop  }
0x90: {  	(tm) =	ssettm $0x1  }
0x91: {  	s17 =	sld [smem:$0x3FFB];
	_ =	sdelay $0x3  }
0x92: {  	_ =	strace s17  }
0x93: {  	s2 =	sld [smem:$0x3FFC];
	_ =	sdelay $0x3  }
0x94: {  	_ =	strace s2  }
0x95: {  	s2 =	sld [smem:$0x3FFD];
	_ =	sdelay $0x3  }
0x96: {  	_ =	strace s2  }
0x97: {  	_ =	strace $0x8FFFFFFF  }
0x98: {  	s18 =	sld [smem:$0x3FDB];
	_ =	sdelay $0x1  }
0x99: {  	s19 =	simm.s32 $_scs_section_size  }
0x9a: {  	s4 =	simm.s32 $_size__tile_overlayer_lowered;
	s5 =	simm.s32 $_tile_overlayer_lowered  }
0x9b: {  	s22 =	simm.s32 $0x1BFF;
	s21 =	sshll.u32 s5, $0x1;
	s2 =	sadd.s32 s19, s18  }
0x9c: {  	s6 =	simm.s32 $0x0;
	s20 =	sshll.u32 s4, $0x1;
	s4 =	sadd.s32 s21, s2  }
0x9d: {  	[timem:s6], [sflag:s22] =	dma.local [hbm:s4], s20  }
0x9e: {  	_ =	swait.ge [sflag:s22], s20  }
0x9f: {  	s3 =	ssub.s32 $0x0, s20;
	[sflag:s22] =	ssyncset.done $0x0  }
0xa0: {  	[sflag:s22] =	ssyncadd.s32 s3;
	_ =	sdelay $0x1  }
0xa1: {  	s23 =	simm.s32 $0x1B8B  }
0xa2: {  	_ =	swait.ge [sflag:s23], $0x1  }
0xa3: {  	[sflag:s23] =	ssyncset.done $0x0  }
0xa4: {  	s25 =	simm.s32 $0x1B8E;
	s24 =	sld [smem:$0x3FFE];
	[sflag:s23] =	ssyncadd.s32 $0xFFFFFFFF  }
0xa5: {  	s26 =	simm.s32 $execute0_lowered;
	[smem:$0x3FD2] =	sst s25  }
0xa6: {  	s4 =	sshll.u32 s26, $0x1;
	_ =	strace $0x8000004C;
	[dreg:$0x1] =	wrdreg $0xFFFFFFFF  }
0xa7: {  	s28 =	simm.s32 $_size_execute0_lowered;
	s2 =	sadd.s32 s2, s4;
	[dreg:$0x0] =	wrdreg $0x0  }
0xa8: {  	s4 =	sshll.u32 s28, $0x1;
	[dreg:$0x2] =	wrdreg s2  }
0xa9: {  	[dreg:$0x3] =	wrdreg s4  }
0xaa: {  	[dreg:$0x4] =	wrdreg $0xC0  }
0xab: {  	_ =	task [dreg:s6], $0x5FFFF  }
0xac: {  	[dreg:$0x1] =	wrdreg $0xFFFFFFFF  }
0xad: {  	[dreg:$0x0] =	wrdreg $0x60  }
0xae: {  	[dreg:$0x2] =	wrdreg s24  }
0xaf: {  	[dreg:$0x3] =	wrdreg $0x9  }
0xb0: {  	_ =	task.clear_ibuf [dreg:s6], $0x4FFFF;
	_ =	strace $0x9000004C  }
0xb1: {  	s29 =	simm.s32 $0x9;
	_ =	strace $0x8000004E  }
0xb2: {  	_ =	swait.ge [sflag:s29], $0x1  }
0xb3: {  	[sflag:s29] =	ssyncadd.s32 $0xFFFFFFFF  }
0xb4: {  	_ =	strace $0x9000004E  }
0xb5: {  	_ =	sfence  }
0xb6: {  	s30 =	sld [smem:$0x0];
	_ =	sdelay $0x2  }
0xb7: {  	s31 =	sshll.u32 s1, $0xD;
	s1 =	sshrl.u32 s1, $0x2  }
0xb8: {  	s3 =	sand.u32 $0x4000, s31;
	s1 =	sadd.s32 s1, s30  }
0xb9: {  	s0 =	sor.u32 s3, s0;
	s1 =	sshll.u32 s1, $0x11  }
0xba: {  	s0 =	sor.u32 s1, s0  }
0xbb: {  	s0 =	sadd.s32 $0x8F2B, s0  }
0xbc: {  	[sflag:s0] =	ssyncadd.remote.s32 $0x1  }
0xbd: {  	_ =	sfence.sel $0xFFFF  }
0xbe: {  	[dreg:$0x0] =	wrdreg $0xFFFFFFFF;
	(pc) =	sbr.abs _section_cstart, $3  }
0xbf: {  	[dreg:$0x1] =	wrdreg $0xFFFFFFFF  }
0xc0: {  	_ =	task.clear_ibuf [dreg:s6], $0x2FFFF;
	_ =	strace $0x9FFFFFFF  }
0xc1: {  	(tm) =	ssettm $0x7FFFFFFF  }
tec
execute0_lowered:
.L_overlay_start_1:
0x0: {  	(tag) =	ssettag $0x1  }
0x1: {  	s1 =	srdreg.scid  }
0x2: {  	s0 =	stileid.u32;
	s4 =	rddreg [dreg:$0x0];
	s2 =	simm.s32 $0x0  }
0x3: {  	s10 =	simm.s32 $0x50;
	s11 =	simm.s32 $0x80;
	s6 =	smul.u32 $0x4E20, s0  }
0x4: {  	s12 =	simm.s32 $0x1;
	s5 =	sand.u32 $0x1, s1;
	s8 =	smul.u32 $0x4E200, s0  }
0x5: {  	s13 =	simm.s32 $0x0;
	s1 =	rddreg [dreg:$0x1];
	s7 =	smul.u32 $0x2710, s5  }
0x6: {  	[smem:$0x7FF] =	sst s2;
	s3 =	sadd.s32 $0x4FA000, s4;
	s9 =	smul.u32 $0x27100, s5  }
0x7: {  	_ =	strace $0x8000004D;
	s5 =	ssub.s32 $0x2, s5;
	s29 =	sadd.s32 s8, s4  }
0x8: {  	s30 =	sshrl.u32 s5, $0x1;
	s6 =	sadd.s32 s7, s6;
	s7 =	sadd.s32 s9, s29  }
0x9: {  	s5 =	ssub.s32 s5, s30;
	s9 =	simm.s32 $0x2;
	s6 =	sshrl.u32 s6, $0x3  }
0xa: {  	s5 =	smax.u32 s5, $0x1;
	s31 =	sadd.s32 s6, s4;
	s4 =	sadd.s32 $0x9E5E00, s7  }
0xb: {  	s7 =	sadd.s32 $0xEC8600, s7;
	s6 =	sadd.s32 $0xE200, s31;
	s8 =	sadd.s32 $0x4400, s31  }
.LBB2_1:
0xc: {  	s14 =	sadd.s32 $0x0, s6  }
0xd: {  	[tilespmem:s2], [sflag:$0x2] =	stream.linear.gather [hbm4b:s14+s2], $0x50, $0x38;
	[tilespmem:$0x2880] =	vst v63  }
0xe: {  	_ =	swait.ge [sflag:s9], $0x50  }
0xf: {  	[sflag:s9] =	ssyncset.done $0x0  }
0x10: {  	[sflag:s9] =	ssyncadd.s32 $0xFFFFFFB0  }
0x11: {  	[tilespmem:s11], [sflag:$0x1] =	stream.indirect.gather [hbm4b:s3+s10], $0x80, s2, s10, $0xb8;
	[tilespmem:$0x2880] =	vst v63  }
0x12: {  	_ =	swait.ge [sflag:s12], $0x2800  }
0x13: {  	[sflag:s12] =	ssyncset.done $0x0  }
0x14: {  	[sflag:s12] =	ssyncadd.s32 $0xFFFFD800  }
0x15: {  	[hbm4b:s4+s2] =	stream.linear.scatter [tilespmem:s11], [sflag:$0x2], $0x2800, $0x38;
	[tilespmem:$0x2880] =	vst v63  }
0x16: {  	s17 =	sadd.s32 $0xA, s6;
	_ =	swait.ge [sflag:s9], $0x2800  }
0x17: {  	s15 =	simm.s32 $0x14;
	s14 =	sadd.s32 $0x500, s4;
	[sflag:s9] =	ssyncset.done $0x0  }
.LBB2_2:
0x18: {  	s18 =	sadd.s32 s15, s6;
	s16 =	simm.s32 $0x0;
	[sflag:s9] =	ssyncadd.s32 $0xFFFFD800  }
0x19: {  	[tilespmem:s16], [sflag:$0x2] =	stream.linear.gather [hbm4b:s17+s16], $0x50, $0x38;
	[tilespmem:$0x2880] =	vst v63  }
0x1a: {  	p0 =	sne.s32 s15, $0x4D8;
	s15 =	sadd.s32 $0xA, s15;
	_ =	swait.ge [sflag:s9], $0x50  }
0x1b: {  	s17 =	smov.u32 s18;
	[sflag:s9] =	ssyncset.done $0x0  }
0x1c: {  	[sflag:s9] =	ssyncadd.s32 $0xFFFFFFB0  }
0x1d: {  	[tilespmem:s11], [sflag:$0x1] =	stream.indirect.gather [hbm4b:s3+s10], $0x80, s16, s10, $0xb8;
	[tilespmem:$0x2880] =	vst v63  }
0x1e: {  	_ =	swait.ge [sflag:s12], $0x2800  }
.Ltmp0:
0x1f: {  	[sflag:s12] =	ssyncset.done $0x0;
	(pc) =	sbr.rel @p0 .LBB2_2-.Ltmp0, $4  }
0x20: {  	[sflag:s12] =	ssyncadd.s32 $0xFFFFD800  }
0x21: {  	[hbm4b:s14+s16] =	stream.linear.scatter [tilespmem:s11], [sflag:$0x2], $0x2800, $0x38;
	[tilespmem:$0x2880] =	vst v63  }
0x22: {  	_ =	swait.ge [sflag:s9], $0x2800  }
0x23: {  	s14 =	sadd.s32 $0x500, s14;
	[sflag:s9] =	ssyncset.done $0x0  }
0x24: {  	[sflag:s9] =	ssyncadd.s32 $0xFFFFD800  }
0x25: {  	[tilespmem:s16], [sflag:$0x2] =	stream.linear.gather [hbm4b:s17+s16], $0x50, $0x38;
	[tilespmem:$0x2880] =	vst v63  }
0x26: {  	_ =	swait.ge [sflag:s9], $0x50  }
0x27: {  	[sflag:s9] =	ssyncset.done $0x0  }
0x28: {  	[sflag:s9] =	ssyncadd.s32 $0xFFFFFFB0  }
0x29: {  	[tilespmem:s11], [sflag:$0x1] =	stream.indirect.gather [hbm4b:s3+s10], $0x80, s16, s10, $0xb8;
	[tilespmem:$0x2880] =	vst v63  }
0x2a: {  	_ =	swait.ge [sflag:s12], $0x2800  }
0x2b: {  	p1 =	por $0x1, $0x1;
	[sflag:s12] =	ssyncset.done $0x0  }
.Ltmp1:
0x2c: {  	[sflag:s12] =	ssyncadd.s32 $0xFFFFD800;
	(pc) =	sbr.rel @!p1 .LBB2_8-.Ltmp1, $4  }
0x2d: {  	[hbm4b:s14+s16] =	stream.linear.scatter [tilespmem:s11], [sflag:$0x2], $0x2800, $0x38;
	[tilespmem:$0x2880] =	vst v63  }
0x2e: {  	_ =	swait.ge [sflag:s9], $0x2800  }
0x2f: {  	p0 =	por $0x0, $0x0;
	[sflag:s9] =	ssyncset.done $0x0  }
0x30: {  	s15 =	smov.u32 s7;
	s14 =	simm.s32 $0xA;
	[sflag:s9] =	ssyncadd.s32 $0xFFFFD800  }
0x31: {  	s15 =	sadd.s32 $0x0, s8  }
0x32: {  	[tilespmem:s2], [sflag:$0x2] =	stream.linear.gather [hbm4b:s15+s2], $0x50, $0x38;
	[tilespmem:$0x2880] =	vst v63  }
0x33: {  	_ =	swait.ge [sflag:s9], $0x50  }
0x34: {  	[sflag:s9] =	ssyncset.done $0x0  }
0x35: {  	[sflag:s9] =	ssyncadd.s32 $0xFFFFFFB0  }
0x36: {  	[tilespmem:s11], [sflag:$0x1] =	stream.indirect.gather [hbm4b:s3+s10], $0x80, s2, s10, $0xb8;
	[tilespmem:$0x2880] =	vst v63  }
0x37: {  	p1 =	por $0x1, $0x1;
	_ =	swait.ge [sflag:s12], $0x2800  }
.Ltmp2:
0x38: {  	[sflag:s12] =	ssyncset.done $0x0;
	(pc) =	sbr.rel @!p1 .LBB2_5-.Ltmp2, $4  }
0x39: {  	[sflag:s12] =	ssyncadd.s32 $0xFFFFD800  }
0x3a: {  	[hbm4b:s7+s2] =	stream.linear.scatter [tilespmem:s11], [sflag:$0x2], $0x2800, $0x38;
	[tilespmem:$0x2880] =	vst v63  }
0x3b: {  	s16 =	simm.s32 $0x14;
	_ =	swait.ge [sflag:s9], $0x2800  }
0x3c: {  	p0 =	por $0x1, $0x1;
	s15 =	sadd.s32 $0x500, s7;
	[sflag:s9] =	ssyncset.done $0x0  }
.LBB2_6:
0x3d: {  	s17 =	sadd.s32 s14, s8  }
0x3e: {  	[sflag:s9] =	ssyncadd.s32 $0xFFFFD800;
	s14 =	smov.u32 s16;
	s18 =	sadd.s32 $0xA, s16  }
0x3f: {  	[tilespmem:s2], [sflag:$0x2] =	stream.linear.gather [hbm4b:s17+s2], $0x50, $0x38;
	[tilespmem:$0x2880] =	vst v63  }
0x40: {  	p1 =	sne.s32 s16, $0x4D8;
	_ =	swait.ge [sflag:s9], $0x50  }
0x41: {  	[sflag:s9] =	ssyncset.done $0x0  }
0x42: {  	[sflag:s9] =	ssyncadd.s32 $0xFFFFFFB0  }
0x43: {  	[tilespmem:s11], [sflag:$0x1] =	stream.indirect.gather [hbm4b:s3+s10], $0x80, s2, s10, $0xb8;
	[tilespmem:$0x2880] =	vst v63  }
0x44: {  	_ =	swait.ge [sflag:s12], $0x2800  }
.Ltmp3:
0x45: {  	[sflag:s12] =	ssyncset.done $0x0;
	(pc) =	sbr.rel @p1 .LBB2_6-.Ltmp3, $4  }
0x46: {  	[sflag:s12] =	ssyncadd.s32 $0xFFFFD800  }
0x47: {  	[hbm4b:s15+s2] =	stream.linear.scatter [tilespmem:s11], [sflag:$0x2], $0x2800, $0x38;
	[tilespmem:$0x2880] =	vst v63  }
0x48: {  	_ =	swait.ge [sflag:s9], $0x2800  }
0x49: {  	s16 =	smov.u32 s18;
	s15 =	sadd.s32 $0x500, s15;
	[sflag:s9] =	ssyncset.done $0x0  }
0x4a: {  	s16 =	smov.u32 s14  }
.LBB2_8:
0x4b: {  	s14 =	sadd.s32 s16, s8;
	[sflag:s9] =	ssyncadd.s32 @p0 $0xFFFFD800  }
0x4c: {  	[tilespmem:s2], [sflag:$0x2] =	stream.linear.gather [hbm4b:s14+s2], $0x50, $0x38;
	[tilespmem:$0x2880] =	vst v63  }
0x4d: {  	_ =	swait.ge [sflag:s9], $0x50  }
0x4e: {  	[sflag:s9] =	ssyncset.done $0x0  }
0x4f: {  	[sflag:s9] =	ssyncadd.s32 $0xFFFFFFB0  }
0x50: {  	[tilespmem:s11], [sflag:$0x1] =	stream.indirect.gather [hbm4b:s3+s10], $0x80, s2, s10, $0xb8;
	[tilespmem:$0x2880] =	vst v63  }
0x51: {  	_ =	swait.ge [sflag:s12], $0x2800  }
0x52: {  	s13 =	sadd.s32 $0x1, s13;
	[sflag:s12] =	ssyncset.done $0x0  }
0x53: {  	p0 =	sne.s32 s13, s5;
	[sflag:s12] =	ssyncadd.s32 $0xFFFFD800  }
0x54: {  	[hbm4b:s15+s2] =	stream.linear.scatter [tilespmem:s11], [sflag:$0x2], $0x2800, $0x38;
	[tilespmem:$0x2880] =	vst v63  }
.Ltmp4:
0x55: {  	_ = 	snop;
	(pc) =	sbr.rel @p0 .LBB2_1-.Ltmp4, $4  }
.Ltmp5:
0x56: {  	_ = 	snop;
	(pc) =	sbr.rel @!p0 .LBB2_9-.Ltmp5, $4  }
0x57: {  	_ =	swait.ge [sflag:s9], $0x2800  }
0x58: {  	[sflag:s9] =	ssyncset.done $0x0  }
0x59: {  	[sflag:s9] =	ssyncadd.s32 $0xFFFFD800  }
0x5a: {  	_ = 	snop  }
.LBB2_5:
.Ltmp6:
0x5b: {  	(pc) =	sbr.rel .LBB2_8-.Ltmp6, $2  }
0x5c: {  	_ =	sdelay $0x2  }
0x5d: {  	s16 =	simm.s32 $0xA  }
.LBB2_9:
0x5e: {  	_ =	sfence.sel $0x180000  }
0x5f: {  	[bflag:$0x0] =	sbarrier.arrive $0xFFFF  }
0x60: {  	p0 =	sne.s32 s0, $0x0;
	_ =	strace $0x9000004D  }
0x61: {  	s0 =	sadd.s32 @!p0 $0x100000, s1;
	[bflag:$0x2] =	sbarrier.arrive $0xFFFF  }
0x62: {  	[sflag:s0] =	ssyncadd.tile.s32 @!p0 $0x1;
	_ =	shalt  }
.Lfunc_end2:
_tile_overlayer_lowered:
.L_overlay_start_2:
0x63: {  	(tag) =	ssettag $0x2  }
0x64: {  	s0 =	rddreg [dreg:$0x0];
	s2 =	stileid.u32  }
0x65: {  	s1 =	rddreg [dreg:$0x1];
	p0 =	sne.s32 s2, $0x0  }
0x66: {  	s3 =	rddreg [dreg:$0x2];
	[bflag:$0x3] =	sbarrier.arrive $0xFFFF;
	s2 =	simm.s32 @!p0 $0x1C02  }
0x67: {  	[timem:s3], [sflag:s2] =	dma.local @!p0 [hbm:s0], s1  }
0x68: {  	s0 =	simm.s32 @!p0 $0x2  }
0x69: {  	_ =	swait.ge @!p0 [sflag:s0], s1  }
0x6a: {  	s1 =	ssub.s32 @!p0 $0x0, s1;
	[sflag:s0] =	ssyncset.done @!p0 $0x0  }
0x6b: {  	[sflag:s0] =	ssyncadd.s32 @!p0 s1  }
0x6c: {  	[bflag:$0x3] =	sbarrier.arrive $0xFFFF  }
0x6d: {  	_ =	shalt  }

// kernel: kernel.28.cloned.1.call-start
scs
__scs_entry_jumppad:
0x0: {  	(pc) =	sbr.rel $0x88, $3  }
0x1: {  	(tag) =	ssettag $0x0;
	lr =	simm.s32 $0x1  }
0x2: {  	[smem:$0x3F84] =	sst lr;
	_ =	strace $0xD0000000  }
0x3: {  	_ = 	snop  }
0x4: {  	_ = 	snop  }
0x5: {  	_ = 	snop  }
0x6: {  	_ = 	snop  }
0x7: {  	_ = 	snop  }
__scs_overlays_trampoline_lowered:
0x8: {  	[smem:$0x3F93] =	sst s0  }
0x9: {  	[smem:$0x3F94] =	sst s1  }
0xa: {  	[smem:$0x3F95] =	sst s2  }
0xb: {  	[smem:$0x3F96] =	sst s3  }
0xc: {  	[smem:$0x3F97] =	sst s4  }
0xd: {  	[smem:$0x3F98] =	sst s5  }
0xe: {  	[smem:$0x3F99] =	sst s6  }
0xf: {  	[smem:$0x3F9A] =	sst s7  }
0x10: {  	[smem:$0x3F9B] =	sst s8  }
0x11: {  	[smem:$0x3F9C] =	sst s9;
	s0 =	simm.s32 @!p0 $0x0  }
0x12: {  	s1 =	sld [smem:$0x3F82];
	s0 =	simm.s32 @p0 $0x1  }
0x13: {  	[smem:$0x3F9D] =	sst s0;
	s0 =	simm.s32 @!p1 $0x0  }
0x14: {  	s2 =	sld [smem:$0x3F81];
	s0 =	simm.s32 @p1 $0x1  }
0x15: {  	[smem:$0x3F9E] =	sst s0;
	s0 =	simm.s32 @!p2 $0x0  }
0x16: {  	s3 =	sld [smem:$0x3FDB];
	s0 =	simm.s32 @p2 $0x1  }
0x17: {  	s4 =	simm.s32 $0x1BF5;
	[smem:$0x3FA0] =	sst s0  }
0x18: {  	s0 =	sld [smem:$0x3F83];
	_ =	swait.ge [sflag:s4], $0x0  }
0x19: {  	s7 =	sld [smem:$0x3F84]  }
0x1a: {  	s8 =	sadd.s32 $0xFFFFE003, lr  }
0x1b: {  	s9 =	sadd.s32 $0xFFFFFEF7, lr;
	s5 =	simm.s32 $0xFFFFFFFF;
	p2 =	slt.u32 s8, $0xFFFFF086  }
0x1c: {  	p1 =	slt.u32 s9, $0xF7A;
	s5 =	simm.s32 @!p2 $0x0  }
0x1d: {  	s5 =	simm.s32 @p1 $0x1;
	p0 =	seq.s32 s7, s2  }
0x1e: {  	s7 =	smul.u32 @!p0 $0xF7A, s2;
	p2 =	seq.s32 @!p0 s5, $0x0  }
0x1f: {  	s9 =	smul.u32 $0xF7A, s1;
	s8 =	simm.s32 @!p0 $0x1BF5;
	p2 =	por !p2, p0  }
0x20: {  	[sflag:s8] =	ssyncset.s32 @!p0 $0xFFFFF086;
	s6 =	sadd.s32 @!p0 s3, s7;
	s7 =	simm.s32 @!p0 $0x108  }
0x21: {  	s3 =	sadd.s32 s3, s9;
	s6 =	sadd.s32 @!p0 $0x88, s6;
	s7 =	simm.s32 @p2 $0x1082  }
0x22: {  	[simem:s7], [sflag:s8] =	dma.local @!p0 [hbm:s6], $0xF7A  }
0x23: {  	s9 =	sor.u32 $0xD0000000, s2;
	s6 =	simm.s32 $0x108;
	_ =	swait.ge @!p0 [sflag:s8], $0x0  }
0x24: {  	s3 =	sadd.s32 $0x88, s3;
	s6 =	simm.s32 @!p1 $0x1082;
	[sflag:s4] =	ssyncset.s32 $0xFFFFF086  }
0x25: {  	[simem:s6], [sflag:s4] =	dma.local [hbm:s3], $0xF7A  }
0x26: {  	[smem:$0x3F84] =	sst s1;
	(tag) =	ssettag s2;
	_ =	strace s9  }
0x27: {  	s1 =	sld [smem:$0x3F94]  }
0x28: {  	s2 =	sld [smem:$0x3F95]  }
0x29: {  	s4 =	sld [smem:$0x3F97]  }
0x2a: {  	p0 =	seq.s32 s5, $0x0;
	s5 =	sld [smem:$0x3F98]  }
0x2b: {  	s6 =	sld [smem:$0x3F99]  }
0x2c: {  	s7 =	sld [smem:$0x3F9A]  }
0x2d: {  	s3 =	simm.s32 $0x108;
	s8 =	sld [smem:$0x3F9B]  }
0x2e: {  	s3 =	simm.s32 @!p0 $0x1082;
	s9 =	sld [smem:$0x3F9C]  }
0x2f: {  	lr =	sadd.s32 s0, s3;
	s0 =	sld [smem:$0x3F93]  }
0x30: {  	s3 =	sld [smem:$0x3F96]  }
0x31: {  	[smem:$0x3F9F] =	sst s10  }
0x32: {  	s10 =	sld [smem:$0x3F9D];
	_ =	sdelay $0x3  }
0x33: {  	p0 =	seq.s32 s10, $0x1;
	s10 =	sld [smem:$0x3F9F];
	_ =	sdelay $0x3  }
0x34: {  	[smem:$0x3F9F] =	sst s10  }
0x35: {  	s10 =	sld [smem:$0x3F9E];
	_ =	sdelay $0x3  }
0x36: {  	p1 =	seq.s32 s10, $0x1;
	s10 =	sld [smem:$0x3F9F];
	_ =	sdelay $0x3  }
0x37: {  	[smem:$0x3F9F] =	sst s10  }
0x38: {  	s10 =	sld [smem:$0x3FA0]  }
0x39: {  	_ = 	snop;
	(pc) =	sbr.ind lr, $3  }
0x3a: {  	_ = 	snop  }
0x3b: {  	_ = 	snop  }
0x3c: {  	p2 =	seq.s32 s10, $0x1;
	s10 =	sld [smem:$0x3F9F]  }
0x3d: {  	_ =	shalt  }
0x3e: {  	_ =	shalt  }
0x3f: {  	_ =	shalt  }
0x40: {  	_ =	shalt  }
0x41: {  	_ =	shalt  }
0x42: {  	_ =	shalt  }
0x43: {  	_ =	shalt  }
0x44: {  	_ =	shalt  }
0x45: {  	_ =	shalt  }
0x46: {  	_ =	shalt  }
0x47: {  	_ =	shalt  }
0x48: {  	_ =	shalt  }
0x49: {  	_ =	shalt  }
0x4a: {  	_ =	shalt  }
0x4b: {  	_ =	shalt  }
0x4c: {  	_ =	shalt  }
0x4d: {  	_ =	shalt  }
0x4e: {  	_ =	shalt  }
0x4f: {  	_ =	shalt  }
0x50: {  	_ =	shalt  }
0x51: {  	_ =	shalt  }
0x52: {  	_ =	shalt  }
0x53: {  	_ =	shalt  }
0x54: {  	_ =	shalt  }
0x55: {  	_ =	shalt  }
0x56: {  	_ =	shalt  }
0x57: {  	_ =	shalt  }
0x58: {  	_ =	shalt  }
0x59: {  	_ =	shalt  }
0x5a: {  	_ =	shalt  }
0x5b: {  	_ =	shalt  }
0x5c: {  	_ =	shalt  }
0x5d: {  	_ =	shalt  }
0x5e: {  	_ =	shalt  }
0x5f: {  	_ =	shalt  }
0x60: {  	_ =	shalt  }
0x61: {  	_ =	shalt  }
0x62: {  	_ =	shalt  }
0x63: {  	_ =	shalt  }
0x64: {  	_ =	shalt  }
0x65: {  	_ =	shalt  }
0x66: {  	_ =	shalt  }
0x67: {  	_ =	shalt  }
0x68: {  	_ =	shalt  }
0x69: {  	_ =	shalt  }
0x6a: {  	_ =	shalt  }
0x6b: {  	_ =	shalt  }
0x6c: {  	_ =	shalt  }
0x6d: {  	_ =	shalt  }
0x6e: {  	_ =	shalt  }
0x6f: {  	_ =	shalt  }
0x70: {  	_ =	shalt  }
0x71: {  	_ =	shalt  }
0x72: {  	_ =	shalt  }
0x73: {  	_ =	shalt  }
0x74: {  	_ =	shalt  }
0x75: {  	_ =	shalt  }
0x76: {  	_ =	shalt  }
0x77: {  	_ =	shalt  }
0x78: {  	_ =	shalt  }
0x79: {  	_ =	shalt  }
0x7a: {  	_ =	shalt  }
0x7b: {  	_ =	shalt  }
0x7c: {  	_ =	shalt  }
0x7d: {  	_ =	shalt  }
0x7e: {  	_ =	shalt  }
0x7f: {  	_ =	shalt  }
0x80: {  	_ =	shalt  }
0x81: {  	_ =	shalt  }
0x82: {  	_ =	shalt  }
0x83: {  	_ =	shalt  }
0x84: {  	_ =	shalt  }
0x85: {  	_ =	shalt  }
0x86: {  	_ =	shalt  }
0x87: {  	_ =	shalt  }
.Lfunc_end0:
.L_simem_size_0:
called_computation.3_lowered:
.L_overlay_start_0:
0x88: {  	s2 =	sld [smem:$0x3FD9]  }
0x89: {  	s3 =	sld [smem:$0x3FFE];
	_ =	sdelay $0x1  }
0x8a: {  	s1 =	srdreg.scid  }
0x8b: {  	s0 =	sand.u32 $0x1, s1  }
0x8c: {  	s16 =	sshll.u32 s0, $0xA;
	s2 =	sadd.s32 s3, s2  }
0x8d: {  	s2 =	sadd.s32 s2, s16  }
0x8e: {  	[smem:$0x3FAB] =	sst s2  }
0x8f: {  	_ = 	snop  }
0x90: {  	(tm) =	ssettm $0x1  }
0x91: {  	s17 =	sld [smem:$0x3FFB];
	_ =	sdelay $0x3  }
0x92: {  	_ =	strace s17  }
0x93: {  	s2 =	sld [smem:$0x3FFC];
	_ =	sdelay $0x3  }
0x94: {  	_ =	strace s2  }
0x95: {  	s2 =	sld [smem:$0x3FFD];
	_ =	sdelay $0x3  }
0x96: {  	_ =	strace s2  }
0x97: {  	_ =	strace $0x8FFFFFFF  }
0x98: {  	s18 =	sld [smem:$0x3FDB];
	_ =	sdelay $0x1  }
0x99: {  	s19 =	simm.s32 $_scs_section_size  }
0x9a: {  	s4 =	simm.s32 $_size__tile_overlayer_lowered;
	s5 =	simm.s32 $_tile_overlayer_lowered  }
0x9b: {  	s22 =	simm.s32 $0x1BFF;
	s21 =	sshll.u32 s5, $0x1;
	s2 =	sadd.s32 s19, s18  }
0x9c: {  	s6 =	simm.s32 $0x0;
	s20 =	sshll.u32 s4, $0x1;
	s4 =	sadd.s32 s21, s2  }
0x9d: {  	[timem:s6], [sflag:s22] =	dma.local [hbm:s4], s20  }
0x9e: {  	_ =	swait.ge [sflag:s22], s20  }
0x9f: {  	s3 =	ssub.s32 $0x0, s20;
	[sflag:s22] =	ssyncset.done $0x0  }
0xa0: {  	[sflag:s22] =	ssyncadd.s32 s3;
	_ =	sdelay $0x1  }
0xa1: {  	s23 =	simm.s32 $0x1B8B  }
0xa2: {  	_ =	swait.ge [sflag:s23], $0x1  }
0xa3: {  	[sflag:s23] =	ssyncset.done $0x0  }
0xa4: {  	s25 =	simm.s32 $0x1B8E;
	s24 =	sld [smem:$0x3FFE];
	[sflag:s23] =	ssyncadd.s32 $0xFFFFFFFF  }
0xa5: {  	s26 =	simm.s32 $execute0_lowered;
	[smem:$0x3FD2] =	sst s25  }
0xa6: {  	s4 =	sshll.u32 s26, $0x1;
	_ =	strace $0x8000004F;
	[dreg:$0x1] =	wrdreg $0xFFFFFFFF  }
0xa7: {  	s28 =	simm.s32 $_size_execute0_lowered;
	s2 =	sadd.s32 s2, s4;
	[dreg:$0x0] =	wrdreg $0x0  }
0xa8: {  	s4 =	sshll.u32 s28, $0x1;
	[dreg:$0x2] =	wrdreg s2  }
0xa9: {  	[dreg:$0x3] =	wrdreg s4  }
0xaa: {  	[dreg:$0x4] =	wrdreg $0xC0  }
0xab: {  	_ =	task [dreg:s6], $0x5FFFF  }
0xac: {  	[dreg:$0x1] =	wrdreg $0xFFFFFFFF  }
0xad: {  	[dreg:$0x0] =	wrdreg $0x60  }
0xae: {  	[dreg:$0x2] =	wrdreg s24  }
0xaf: {  	[dreg:$0x3] =	wrdreg $0x9  }
0xb0: {  	_ =	task.clear_ibuf [dreg:s6], $0x4FFFF;
	_ =	strace $0x9000004F  }
0xb1: {  	s29 =	simm.s32 $0x9;
	_ =	strace $0x80000051  }
0xb2: {  	_ =	swait.ge [sflag:s29], $0x1  }
0xb3: {  	[sflag:s29] =	ssyncadd.s32 $0xFFFFFFFF  }
0xb4: {  	_ =	strace $0x90000051  }
0xb5: {  	_ =	sfence  }
0xb6: {  	s30 =	sld [smem:$0x0];
	_ =	sdelay $0x2  }
0xb7: {  	s31 =	sshll.u32 s1, $0xD;
	s1 =	sshrl.u32 s1, $0x2  }
0xb8: {  	s3 =	sand.u32 $0x4000, s31;
	s1 =	sadd.s32 s1, s30  }
0xb9: {  	s0 =	sor.u32 s3, s0;
	s1 =	sshll.u32 s1, $0x11  }
0xba: {  	s0 =	sor.u32 s1, s0  }
0xbb: {  	s0 =	sadd.s32 $0x8F2B, s0  }
0xbc: {  	[sflag:s0] =	ssyncadd.remote.s32 $0x1  }
0xbd: {  	_ =	sfence.sel $0xFFFF  }
0xbe: {  	[dreg:$0x0] =	wrdreg $0xFFFFFFFF;
	(pc) =	sbr.abs _section_cstart, $3  }
0xbf: {  	[dreg:$0x1] =	wrdreg $0xFFFFFFFF  }
0xc0: {  	_ =	task.clear_ibuf [dreg:s6], $0x2FFFF;
	_ =	strace $0x9FFFFFFF  }
0xc1: {  	(tm) =	ssettm $0x7FFFFFFF  }
tec
execute0_lowered:
.L_overlay_start_1:
0x0: {  	(tag) =	ssettag $0x1  }
0x1: {  	s5 =	rddreg [dreg:$0x0]  }
0x2: {  	s2 =	srdreg.scid;
	s1 =	stileid.u32  }
0x3: {  	s0 =	rddreg [dreg:$0x1];
	s11 =	simm.s32 $0x10500;
	s12 =	simm.s32 $0x80  }
0x4: {  	s13 =	simm.s32 $0x400;
	s14 =	simm.s32 $0x0;
	s6 =	sand.u32 $0x1, s2  }
0x5: {  	s3 =	sshll.u32 s1, $0x1;
	s2 =	simm.s32 $0x0;
	s30 =	sshrl.u32 s1, $0x2  }
0x6: {  	s7 =	sor.u32 s6, s3;
	[smem:$0x7FF] =	sst s2;
	s8 =	smul.u32 $0x50000, s30  }
0x7: {  	s10 =	smul.u32 $0x3C000, s30;
	s3 =	sadd.s32 $0x4400, s5;
	s4 =	sshll.u32 s7, $0x7  }
0x8: {  	s6 =	ssub.s32 $0x2, s6;
	_ =	strace $0x80000050;
	s9 =	sand.u32 $0x380, s4  }
0x9: {  	s31 =	sshrl.u32 s6, $0x1;
	s8 =	sor.u32 s8, s9;
	s9 =	sor.u32 s10, s9  }
0xa: {  	s4 =	sadd.s32 $0x9DC000, s5;
	s8 =	sshrl.u32 s8, $0x3;
	s9 =	sshrl.u32 s9, $0x3  }
0xb: {  	s8 =	sadd.s32 s8, s5;
	s9 =	sadd.s32 s9, s5;
	s5 =	smul.u32 $0x2710, s7  }
0xc: {  	s10 =	ssub.s32 s6, s31;
	s6 =	sadd.s32 $0x567C00, s8;
	s7 =	sadd.s32 $0x521200, s9  }
0xd: {  	v0 =	vimm.f32 $0.0e+00;
	v1 =	vimm.f32 $-Inf;
	v2 =	vlaneseq.u32;
	s8 =	smax.u32 s10, $0x1;
	s9 =	simm.s32 $0x1;
	s10 =	simm.s32 $0x6500  }
.LBB2_1:
0xe: {  	s15 =	simm.s32 $0x40;
	s16 =	simm.s32 $0x0  }
.LBB2_2:
0xf: {  	p0 =	sne.s32 s15, $0x27FC0;
	[tilespmem:s16+$0x6500] =	vst v0;
	s16 =	smov.u32 s15;
	s15 =	sadd.s32 $0x40, s15  }
.Ltmp0:
0x10: {  	(pc) =	sbr.rel @p0 .LBB2_2-.Ltmp0, $2  }
0x11: {  	_ =	sdelay $0x2  }
0x12: {  	s16 =	sshra.s32 s16, $0x2  }
0x13: {  	[tilespmem:s16+$0x6500] =	vst v0;
	s15 =	simm.s32 $0x0;
	s16 =	simm.s32 $0x40;
	s17 =	simm.s32 $0x0  }
.LBB2_4:
0x14: {  	p0 =	sne.s32 s16, $0x1DFC0;
	[tilespmem:s17+$0x10500] =	vst v1;
	s17 =	smov.u32 s16;
	s16 =	sadd.s32 $0x40, s16  }
.Ltmp1:
0x15: {  	(pc) =	sbr.rel @p0 .LBB2_4-.Ltmp1, $2  }
0x16: {  	_ =	sdelay $0x2  }
0x17: {  	s17 =	sshra.s32 s17, $0x2  }
0x18: {  	[tilespmem:s17+$0x10500] =	vst v1  }
.LBB2_6:
0x19: {  	s16 =	smul.u32 $0xC8, s15;
	_ =	sdelay $0x1  }
0x1a: {  	s16 =	sadd.s32 s5, s16  }
0x1b: {  	s17 =	sshrl.u32 s16, $0x3  }
0x1c: {  	s18 =	simm.s32 $0x0;
	s17 =	sadd.s32 s4, s17  }
0x1d: {  	[tilespmem:s18], [sflag:$0x1] =	stream.linear.gather [hbm4b:s17+s18], $0xC8, $0x38;
	[tilespmem:$0x17D00] =	vst v63  }
0x1e: {  	_ =	swait.ge [sflag:s9], $0xC8  }
0x1f: {  	s16 =	sshll.u32 s16, $0x4;
	[sflag:s9] =	ssyncset.done $0x0  }
0x20: {  	v3 =	vmov s18;
	s30 =	sadd.s32 s3, s16;
	s16 =	simm.s32 $0x100;
	[sflag:s9] =	ssyncadd.s32 $0xFFFFFF38  }
0x21: {  	[tilespmem:s16], [sflag:$0x1] =	stream.linear.gather [hbm4b:s30+s18], $0x6400, $0x38;
	[tilespmem:$0x17D00] =	vst v63  }
0x22: {  	_ =	swait.ge [sflag:s9], $0x6400  }
0x23: {  	[sflag:s9] =	ssyncset.done $0x0  }
0x24: {  	[sflag:s9] =	ssyncadd.s32 $0xFFFF9C00  }
0x25: {  	v3 =	vld.idx.msk [tilespmem:v3+s2+$0x0], $0xffff;
	_ =	sdelay $0x4  }
0x26: {  	v3 =	vtrunc.f32 v3  }
0x27: {  	v3 =	vcvt.f32.s32 v3;
	_ =	sdelay $0x1  }
0x28: {  	v4 =	vshll.u32 v3, $0x2  }
0x29: {  	v4 =	vadd.s32 v2, v4;
	_ =	sdelay $0x3  }
0x2a: {  	v6 =	vld [tilespmem:s16+$0x0]  }
0x2b: {  	v5 =	vld.idx.msk [tilespmem:v4+s10+$0x0], $0xf  }
0x2c: {  	v3 =	vmul.u32 $0x3, v3;
	_ =	sdelay $0x1  }
0x2d: {  	v3 =	vadd.s32 v2, v3;
	_ =	sdelay $0x1  }
0x2e: {  	v5 =	vadd.f32 v5, v6;
	_ =	sdelay $0x1  }
0x2f: {  	[tilespmem:v4+s10+$0x0] =	vst.idx.msk $0xf, v5  }
0x30: {  	v5 =	vld.idx.msk [tilespmem:v3+s11+$0x0], $0x7;
	_ =	sdelay $0x1  }
0x31: {  	s31 =	simm.s32 $0x1  }
0x32: {  	v4 =	vmov s31;
	_ =	sdelay $0x1  }
0x33: {  	s17 =	simm.s32 $0x2;
	v5 =	vmax.f32 v5, v6  }
.LBB2_7:
0x34: {  	p0 =	sne.s32 s17, $0xC7  }
0x35: {  	[tilespmem:v3+s11+$0x0] =	vst.idx.msk $0x7, v5;
	s16 =	sadd.s32 $0x80, s16;
	s18 =	smov.u32 s17;
	s17 =	sadd.s32 $0x1, s17  }
0x36: {  	v3 =	vld.idx.msk [tilespmem:v4+s2+$0x0], $0xffff;
	_ =	sdelay $0x5  }
0x37: {  	v3 =	vtrunc.f32 v3  }
0x38: {  	v3 =	vcvt.f32.s32 v3;
	_ =	sdelay $0x1  }
0x39: {  	v4 =	vshll.u32 v3, $0x2;
	v3 =	vmul.u32 $0x3, v3  }
0x3a: {  	v4 =	vadd.s32 v2, v4;
	_ =	sdelay $0x4  }
0x3b: {  	v5 =	vld.idx.msk [tilespmem:v4+s10+$0x0], $0xf  }
0x3c: {  	v6 =	vld [tilespmem:s16+$0x0];
	_ =	sdelay $0x2  }
0x3d: {  	v3 =	vadd.s32 v2, v3;
	_ =	sdelay $0x1  }
0x3e: {  	v5 =	vadd.f32 v5, v6;
	_ =	sdelay $0x1  }
0x3f: {  	[tilespmem:v4+s10+$0x0] =	vst.idx.msk $0xf, v5  }
0x40: {  	v5 =	vld.idx.msk [tilespmem:v3+s11+$0x0], $0x7;
	_ =	sdelay $0x1  }
.Ltmp2:
0x41: {  	(pc) =	sbr.rel @p0 .LBB2_7-.Ltmp2, $2  }
0x42: {  	v4 =	vmov s18;
	_ =	sdelay $0x2  }
0x43: {  	v5 =	vmax.f32 v5, v6  }
0x44: {  	_ =	sdelay $0x3  }
0x45: {  	[tilespmem:v3+s11+$0x0] =	vst.idx.msk $0x7, v5  }
0x46: {  	v3 =	vld.idx.msk [tilespmem:v4+s2+$0x0], $0xffff;
	_ =	sdelay $0x4  }
0x47: {  	v3 =	vtrunc.f32 v3  }
0x48: {  	v3 =	vcvt.f32.s32 v3;
	_ =	sdelay $0x1  }
0x49: {  	v63 =	vshll.u32 v3, $0x2  }
0x4a: {  	v4 =	vadd.s32 v2, v63;
	_ =	sdelay $0x2  }
0x4b: {  	s16 =	sadd.s32 $0x80, s16  }
0x4c: {  	v6 =	vld [tilespmem:s16+$0x0]  }
0x4d: {  	v5 =	vld.idx.msk [tilespmem:v4+s10+$0x0], $0xf  }
0x4e: {  	v3 =	vmul.u32 $0x3, v3;
	_ =	sdelay $0x1  }
0x4f: {  	v3 =	vadd.s32 v2, v3;
	_ =	sdelay $0x1  }
0x50: {  	v5 =	vadd.f32 v5, v6;
	_ =	sdelay $0x1  }
0x51: {  	[tilespmem:v4+s10+$0x0] =	vst.idx.msk $0xf, v5  }
0x52: {  	s15 =	sadd.s32 $0x1, s15;
	v4 =	vld.idx.msk [tilespmem:v3+s11+$0x0], $0x7  }
0x53: {  	p0 =	sne.s32 s15, $0x32  }
.Ltmp3:
0x54: {  	_ = 	snop;
	(pc) =	sbr.rel @p0 .LBB2_6-.Ltmp3, $3  }
0x55: {  	_ =	sdelay $0x1  }
0x56: {  	v4 =	vmax.f32 v4, v6  }
0x57: {  	[tilespmem:v3+s11+$0x0] =	vst.idx.msk $0x7, v4  }
0x58: {  	[hbm4b:s6+s12] =	stream.strided.scatter [tilespmem:s10], [sflag:$0x1], $0xA000, s13, s12, $0x38;
	[tilespmem:$0x17D00] =	vst v63  }
0x59: {  	s14 =	sadd.s32 $0x1, s14;
	_ =	swait.ge [sflag:s9], $0xA000  }
0x5a: {  	p0 =	sne.s32 s14, s8;
	[sflag:s9] =	ssyncset.done $0x0  }
.Ltmp4:
0x5b: {  	[sflag:s9] =	ssyncadd.s32 $0xFFFF6000;
	(pc) =	sbr.rel @p0 .LBB2_1-.Ltmp4, $4  }
0x5c: {  	[hbm4b:s7+s12] =	stream.strided.scatter [tilespmem:s11], [sflag:$0x1], $0x7800, s13, s12, $0x38;
	[tilespmem:$0x17D00] =	vst v63  }
0x5d: {  	_ =	swait.ge [sflag:s9], $0x7800  }
0x5e: {  	[sflag:s9] =	ssyncset.done $0x0  }
0x5f: {  	[sflag:s9] =	ssyncadd.s32 $0xFFFF8800  }
0x60: {  	_ =	sfence.sel $0x180000  }
0x61: {  	[bflag:$0x0] =	sbarrier.arrive $0xFFFF  }
0x62: {  	p0 =	sne.s32 s1, $0x0;
	_ =	strace $0x90000050  }
0x63: {  	s0 =	sadd.s32 @!p0 $0x100000, s0;
	[bflag:$0x2] =	sbarrier.arrive $0xFFFF  }
0x64: {  	[sflag:s0] =	ssyncadd.tile.s32 @!p0 $0x1;
	_ =	shalt  }
.Lfunc_end2:
_tile_overlayer_lowered:
.L_overlay_start_2:
0x65: {  	(tag) =	ssettag $0x2  }
0x66: {  	s0 =	rddreg [dreg:$0x0];
	s2 =	stileid.u32  }
0x67: {  	s1 =	rddreg [dreg:$0x1];
	p0 =	sne.s32 s2, $0x0  }
0x68: {  	s3 =	rddreg [dreg:$0x2];
	[bflag:$0x3] =	sbarrier.arrive $0xFFFF;
	s2 =	simm.s32 @!p0 $0x1C01  }
0x69: {  	[timem:s3], [sflag:s2] =	dma.local @!p0 [hbm:s0], s1  }
0x6a: {  	s0 =	simm.s32 @!p0 $0x1  }
0x6b: {  	_ =	swait.ge @!p0 [sflag:s0], s1  }
0x6c: {  	s1 =	ssub.s32 @!p0 $0x0, s1;
	[sflag:s0] =	ssyncset.done @!p0 $0x0  }
0x6d: {  	[sflag:s0] =	ssyncadd.s32 @!p0 s1  }
0x6e: {  	[bflag:$0x3] =	sbarrier.arrive $0xFFFF  }
0x6f: {  	_ =	shalt  }

// kernel: kernel.31.cloned.1.call-start
scs
__scs_entry_jumppad:
0x0: {  	(pc) =	sbr.rel $0x88, $3  }
0x1: {  	(tag) =	ssettag $0x0;
	lr =	simm.s32 $0x1  }
0x2: {  	[smem:$0x3F84] =	sst lr;
	_ =	strace $0xD0000000  }
0x3: {  	_ = 	snop  }
0x4: {  	_ = 	snop  }
0x5: {  	_ = 	snop  }
0x6: {  	_ = 	snop  }
0x7: {  	_ = 	snop  }
__scs_overlays_trampoline_lowered:
0x8: {  	[smem:$0x3F93] =	sst s0  }
0x9: {  	[smem:$0x3F94] =	sst s1  }
0xa: {  	[smem:$0x3F95] =	sst s2  }
0xb: {  	[smem:$0x3F96] =	sst s3  }
0xc: {  	[smem:$0x3F97] =	sst s4  }
0xd: {  	[smem:$0x3F98] =	sst s5  }
0xe: {  	[smem:$0x3F99] =	sst s6  }
0xf: {  	[smem:$0x3F9A] =	sst s7  }
0x10: {  	[smem:$0x3F9B] =	sst s8  }
0x11: {  	[smem:$0x3F9C] =	sst s9;
	s0 =	simm.s32 @!p0 $0x0  }
0x12: {  	s1 =	sld [smem:$0x3F82];
	s0 =	simm.s32 @p0 $0x1  }
0x13: {  	[smem:$0x3F9D] =	sst s0;
	s0 =	simm.s32 @!p1 $0x0  }
0x14: {  	s2 =	sld [smem:$0x3F81];
	s0 =	simm.s32 @p1 $0x1  }
0x15: {  	[smem:$0x3F9E] =	sst s0;
	s0 =	simm.s32 @!p2 $0x0  }
0x16: {  	s3 =	sld [smem:$0x3FDB];
	s0 =	simm.s32 @p2 $0x1  }
0x17: {  	s4 =	simm.s32 $0x1BF5;
	[smem:$0x3FA0] =	sst s0  }
0x18: {  	s0 =	sld [smem:$0x3F83];
	_ =	swait.ge [sflag:s4], $0x0  }
0x19: {  	s7 =	sld [smem:$0x3F84]  }
0x1a: {  	s8 =	sadd.s32 $0xFFFFE003, lr  }
0x1b: {  	s9 =	sadd.s32 $0xFFFFFEF7, lr;
	s5 =	simm.s32 $0xFFFFFFFF;
	p2 =	slt.u32 s8, $0xFFFFF086  }
0x1c: {  	p1 =	slt.u32 s9, $0xF7A;
	s5 =	simm.s32 @!p2 $0x0  }
0x1d: {  	s5 =	simm.s32 @p1 $0x1;
	p0 =	seq.s32 s7, s2  }
0x1e: {  	s7 =	smul.u32 @!p0 $0xF7A, s2;
	p2 =	seq.s32 @!p0 s5, $0x0  }
0x1f: {  	s9 =	smul.u32 $0xF7A, s1;
	s8 =	simm.s32 @!p0 $0x1BF5;
	p2 =	por !p2, p0  }
0x20: {  	[sflag:s8] =	ssyncset.s32 @!p0 $0xFFFFF086;
	s6 =	sadd.s32 @!p0 s3, s7;
	s7 =	simm.s32 @!p0 $0x108  }
0x21: {  	s3 =	sadd.s32 s3, s9;
	s6 =	sadd.s32 @!p0 $0x88, s6;
	s7 =	simm.s32 @p2 $0x1082  }
0x22: {  	[simem:s7], [sflag:s8] =	dma.local @!p0 [hbm:s6], $0xF7A  }
0x23: {  	s9 =	sor.u32 $0xD0000000, s2;
	s6 =	simm.s32 $0x108;
	_ =	swait.ge @!p0 [sflag:s8], $0x0  }
0x24: {  	s3 =	sadd.s32 $0x88, s3;
	s6 =	simm.s32 @!p1 $0x1082;
	[sflag:s4] =	ssyncset.s32 $0xFFFFF086  }
0x25: {  	[simem:s6], [sflag:s4] =	dma.local [hbm:s3], $0xF7A  }
0x26: {  	[smem:$0x3F84] =	sst s1;
	(tag) =	ssettag s2;
	_ =	strace s9  }
0x27: {  	s1 =	sld [smem:$0x3F94]  }
0x28: {  	s2 =	sld [smem:$0x3F95]  }
0x29: {  	s4 =	sld [smem:$0x3F97]  }
0x2a: {  	p0 =	seq.s32 s5, $0x0;
	s5 =	sld [smem:$0x3F98]  }
0x2b: {  	s6 =	sld [smem:$0x3F99]  }
0x2c: {  	s7 =	sld [smem:$0x3F9A]  }
0x2d: {  	s3 =	simm.s32 $0x108;
	s8 =	sld [smem:$0x3F9B]  }
0x2e: {  	s3 =	simm.s32 @!p0 $0x1082;
	s9 =	sld [smem:$0x3F9C]  }
0x2f: {  	lr =	sadd.s32 s0, s3;
	s0 =	sld [smem:$0x3F93]  }
0x30: {  	s3 =	sld [smem:$0x3F96]  }
0x31: {  	[smem:$0x3F9F] =	sst s10  }
0x32: {  	s10 =	sld [smem:$0x3F9D];
	_ =	sdelay $0x3  }
0x33: {  	p0 =	seq.s32 s10, $0x1;
	s10 =	sld [smem:$0x3F9F];
	_ =	sdelay $0x3  }
0x34: {  	[smem:$0x3F9F] =	sst s10  }
0x35: {  	s10 =	sld [smem:$0x3F9E];
	_ =	sdelay $0x3  }
0x36: {  	p1 =	seq.s32 s10, $0x1;
	s10 =	sld [smem:$0x3F9F];
	_ =	sdelay $0x3  }
0x37: {  	[smem:$0x3F9F] =	sst s10  }
0x38: {  	s10 =	sld [smem:$0x3FA0]  }
0x39: {  	_ = 	snop;
	(pc) =	sbr.ind lr, $3  }
0x3a: {  	_ = 	snop  }
0x3b: {  	_ = 	snop  }
0x3c: {  	p2 =	seq.s32 s10, $0x1;
	s10 =	sld [smem:$0x3F9F]  }
0x3d: {  	_ =	shalt  }
0x3e: {  	_ =	shalt  }
0x3f: {  	_ =	shalt  }
0x40: {  	_ =	shalt  }
0x41: {  	_ =	shalt  }
0x42: {  	_ =	shalt  }
0x43: {  	_ =	shalt  }
0x44: {  	_ =	shalt  }
0x45: {  	_ =	shalt  }
0x46: {  	_ =	shalt  }
0x47: {  	_ =	shalt  }
0x48: {  	_ =	shalt  }
0x49: {  	_ =	shalt  }
0x4a: {  	_ =	shalt  }
0x4b: {  	_ =	shalt  }
0x4c: {  	_ =	shalt  }
0x4d: {  	_ =	shalt  }
0x4e: {  	_ =	shalt  }
0x4f: {  	_ =	shalt  }
0x50: {  	_ =	shalt  }
0x51: {  	_ =	shalt  }
0x52: {  	_ =	shalt  }
0x53: {  	_ =	shalt  }
0x54: {  	_ =	shalt  }
0x55: {  	_ =	shalt  }
0x56: {  	_ =	shalt  }
0x57: {  	_ =	shalt  }
0x58: {  	_ =	shalt  }
0x59: {  	_ =	shalt  }
0x5a: {  	_ =	shalt  }
0x5b: {  	_ =	shalt  }
0x5c: {  	_ =	shalt  }
0x5d: {  	_ =	shalt  }
0x5e: {  	_ =	shalt  }
0x5f: {  	_ =	shalt  }
0x60: {  	_ =	shalt  }
0x61: {  	_ =	shalt  }
0x62: {  	_ =	shalt  }
0x63: {  	_ =	shalt  }
0x64: {  	_ =	shalt  }
0x65: {  	_ =	shalt  }
0x66: {  	_ =	shalt  }
0x67: {  	_ =	shalt  }
0x68: {  	_ =	shalt  }
0x69: {  	_ =	shalt  }
0x6a: {  	_ =	shalt  }
0x6b: {  	_ =	shalt  }
0x6c: {  	_ =	shalt  }
0x6d: {  	_ =	shalt  }
0x6e: {  	_ =	shalt  }
0x6f: {  	_ =	shalt  }
0x70: {  	_ =	shalt  }
0x71: {  	_ =	shalt  }
0x72: {  	_ =	shalt  }
0x73: {  	_ =	shalt  }
0x74: {  	_ =	shalt  }
0x75: {  	_ =	shalt  }
0x76: {  	_ =	shalt  }
0x77: {  	_ =	shalt  }
0x78: {  	_ =	shalt  }
0x79: {  	_ =	shalt  }
0x7a: {  	_ =	shalt  }
0x7b: {  	_ =	shalt  }
0x7c: {  	_ =	shalt  }
0x7d: {  	_ =	shalt  }
0x7e: {  	_ =	shalt  }
0x7f: {  	_ =	shalt  }
0x80: {  	_ =	shalt  }
0x81: {  	_ =	shalt  }
0x82: {  	_ =	shalt  }
0x83: {  	_ =	shalt  }
0x84: {  	_ =	shalt  }
0x85: {  	_ =	shalt  }
0x86: {  	_ =	shalt  }
0x87: {  	_ =	shalt  }
.Lfunc_end0:
.L_simem_size_0:
called_computation.4_lowered:
.L_overlay_start_0:
0x88: {  	s2 =	sld [smem:$0x3FD9]  }
0x89: {  	s3 =	sld [smem:$0x3FFE];
	_ =	sdelay $0x1  }
0x8a: {  	s1 =	srdreg.scid  }
0x8b: {  	s0 =	sand.u32 $0x1, s1  }
0x8c: {  	s16 =	sshll.u32 s0, $0xA;
	s2 =	sadd.s32 s3, s2  }
0x8d: {  	s2 =	sadd.s32 s2, s16  }
0x8e: {  	[smem:$0x3FAB] =	sst s2  }
0x8f: {  	_ = 	snop  }
0x90: {  	(tm) =	ssettm $0x1  }
0x91: {  	s17 =	sld [smem:$0x3FFB];
	_ =	sdelay $0x3  }
0x92: {  	_ =	strace s17  }
0x93: {  	s2 =	sld [smem:$0x3FFC];
	_ =	sdelay $0x3  }
0x94: {  	_ =	strace s2  }
0x95: {  	s2 =	sld [smem:$0x3FFD];
	_ =	sdelay $0x3  }
0x96: {  	_ =	strace s2  }
0x97: {  	_ =	strace $0x8FFFFFFF  }
0x98: {  	s18 =	sld [smem:$0x3FDB];
	_ =	sdelay $0x1  }
0x99: {  	s19 =	simm.s32 $_scs_section_size  }
0x9a: {  	s4 =	simm.s32 $_size__tile_overlayer_lowered;
	s5 =	simm.s32 $_tile_overlayer_lowered  }
0x9b: {  	s22 =	simm.s32 $0x1BFF;
	s21 =	sshll.u32 s5, $0x1;
	s2 =	sadd.s32 s19, s18  }
0x9c: {  	s6 =	simm.s32 $0x0;
	s20 =	sshll.u32 s4, $0x1;
	s4 =	sadd.s32 s21, s2  }
0x9d: {  	[timem:s6], [sflag:s22] =	dma.local [hbm:s4], s20  }
0x9e: {  	_ =	swait.ge [sflag:s22], s20  }
0x9f: {  	s3 =	ssub.s32 $0x0, s20;
	[sflag:s22] =	ssyncset.done $0x0  }
0xa0: {  	[sflag:s22] =	ssyncadd.s32 s3;
	_ =	sdelay $0x1  }
0xa1: {  	s23 =	simm.s32 $0x1B8B  }
0xa2: {  	_ =	swait.ge [sflag:s23], $0x1  }
0xa3: {  	[sflag:s23] =	ssyncset.done $0x0  }
0xa4: {  	s25 =	simm.s32 $0x1B8E;
	s24 =	sld [smem:$0x3FFE];
	[sflag:s23] =	ssyncadd.s32 $0xFFFFFFFF  }
0xa5: {  	s26 =	simm.s32 $execute0_lowered;
	[smem:$0x3FD2] =	sst s25  }
0xa6: {  	s4 =	sshll.u32 s26, $0x1;
	_ =	strace $0x80000052;
	[dreg:$0x1] =	wrdreg $0xFFFFFFFF  }
0xa7: {  	s28 =	simm.s32 $_size_execute0_lowered;
	s2 =	sadd.s32 s2, s4;
	[dreg:$0x0] =	wrdreg $0x0  }
0xa8: {  	s4 =	sshll.u32 s28, $0x1;
	[dreg:$0x2] =	wrdreg s2  }
0xa9: {  	[dreg:$0x3] =	wrdreg s4  }
0xaa: {  	[dreg:$0x4] =	wrdreg $0xC0  }
0xab: {  	_ =	task [dreg:s6], $0x5FFFF  }
0xac: {  	[dreg:$0x1] =	wrdreg $0xFFFFFFFF  }
0xad: {  	[dreg:$0x0] =	wrdreg $0x60  }
0xae: {  	[dreg:$0x2] =	wrdreg s24  }
0xaf: {  	[dreg:$0x3] =	wrdreg $0x9  }
0xb0: {  	_ =	task.clear_ibuf [dreg:s6], $0x4FFFF;
	_ =	strace $0x90000052  }
0xb1: {  	s29 =	simm.s32 $0x9;
	_ =	strace $0x80000054  }
0xb2: {  	_ =	swait.ge [sflag:s29], $0x1  }
0xb3: {  	[sflag:s29] =	ssyncadd.s32 $0xFFFFFFFF  }
0xb4: {  	_ =	strace $0x90000054  }
0xb5: {  	_ =	sfence  }
0xb6: {  	s30 =	sld [smem:$0x0];
	_ =	sdelay $0x2  }
0xb7: {  	s31 =	sshll.u32 s1, $0xD;
	s1 =	sshrl.u32 s1, $0x2  }
0xb8: {  	s3 =	sand.u32 $0x4000, s31;
	s1 =	sadd.s32 s1, s30  }
0xb9: {  	s0 =	sor.u32 s3, s0;
	s1 =	sshll.u32 s1, $0x11  }
0xba: {  	s0 =	sor.u32 s1, s0  }
0xbb: {  	s0 =	sadd.s32 $0x8F2B, s0  }
0xbc: {  	[sflag:s0] =	ssyncadd.remote.s32 $0x1  }
0xbd: {  	_ =	sfence.sel $0xFFFF  }
0xbe: {  	[dreg:$0x0] =	wrdreg $0xFFFFFFFF;
	(pc) =	sbr.abs _section_cstart, $3  }
0xbf: {  	[dreg:$0x1] =	wrdreg $0xFFFFFFFF  }
0xc0: {  	_ =	task.clear_ibuf [dreg:s6], $0x2FFFF;
	_ =	strace $0x9FFFFFFF  }
0xc1: {  	(tm) =	ssettm $0x7FFFFFFF  }
tec
execute0_lowered:
.L_overlay_start_1:
0x0: {  	(tag) =	ssettag $0x1  }
0x1: {  	s1 =	srdreg.scid;
	s0 =	stileid.u32  }
0x2: {  	s5 =	rddreg [dreg:$0x0];
	s2 =	simm.s32 $0x0;
	s12 =	simm.s32 $0x5280  }
0x3: {  	s13 =	simm.s32 $0x1180;
	s14 =	simm.s32 $0x3200;
	s15 =	simm.s32 $0x80  }
0x4: {  	s16 =	simm.s32 $0x400;
	s17 =	simm.s32 $0x0;
	s6 =	sand.u32 $0x1, s1  }
0x5: {  	s3 =	sshll.u32 s0, $0x1;
	s1 =	rddreg [dreg:$0x1];
	s7 =	sshrl.u32 s0, $0x2  }
0x6: {  	[smem:$0x7FF] =	sst s2;
	s4 =	sor.u32 s6, s3;
	s8 =	smul.u32 $0x10400, s7  }
0x7: {  	_ =	strace $0x80000053;
	s6 =	ssub.s32 $0x2, s6;
	s3 =	smul.u32 $0x140, s4  }
0x8: {  	s7 =	smul.u32 $0x2400, s7;
	s4 =	sshll.u32 s4, $0x7;
	s31 =	sshrl.u32 s6, $0x1  }
0x9: {  	s10 =	sand.u32 $0x380, s4;
	s4 =	sadd.s32 $0x4400, s5;
	s9 =	sshrl.u32 s3, $0x3  }
0xa: {  	s8 =	sor.u32 s8, s10;
	s7 =	sor.u32 s7, s10;
	s10 =	ssub.s32 s6, s31  }
0xb: {  	v0 =	vlaneseq.u32;
	s9 =	sadd.s32 s9, s5;
	s8 =	sshrl.u32 s8, $0x3;
	s7 =	sshrl.u32 s7, $0x3  }
0xc: {  	v1 =	vimm.f32 $0.0e+00;
	v2 =	vimm.f32 $-Inf;
	v3 =	vor.u32 $0x10, v0;
	s8 =	sadd.s32 s8, s5;
	s11 =	sadd.s32 s7, s5;
	s5 =	sadd.s32 $0x540400, s9  }
0xd: {  	v4 =	vor.u32 $0x20, v0;
	v5 =	vor.u32 $0x30, v0;
	v6 =	vor.u32 $0x40, v0;
	s9 =	smax.u32 s10, $0x1;
	s10 =	simm.s32 $0x1;
	s6 =	sadd.s32 $0x2D600, s8  }
0xe: {  	v7 =	vor.u32 $0x50, v0;
	v8 =	vor.u32 $0x60, v0;
	v9 =	vor.u32 $0x70, v0;
	s7 =	sadd.s32 $0x35800, s8;
	s8 =	sadd.s32 $0x2C400, s11;
	s11 =	simm.s32 $0x180  }
.LBB2_1:
0xf: {  	s18 =	simm.s32 $0x0  }
.LBB2_2:
0x10: {  	p0 =	sne.s32 s18, $0x81C0  }
.Ltmp0:
0x11: {  	_ = 	snop;
	(pc) =	sbr.rel @p0 .LBB2_2-.Ltmp0, $4  }
0x12: {  	_ = 	snop  }
0x13: {  	s19 =	sshra.s32 s18, $0x2  }
0x14: {  	[tilespmem:s19+$0x1180] =	vst v1  }
0x15: {  	s18 =	sadd.s32 $0x40, s18;
	[tilespmem:s19+$0x3200] =	vst v2  }
0x16: {  	s18 =	simm.s32 $0x40;
	s19 =	simm.s32 $0x0  }
.LBB2_4:
0x17: {  	p0 =	sne.s32 s18, $0x1000;
	[tilespmem:s19+$0x5280] =	vst v1;
	s19 =	smov.u32 s18;
	s18 =	sadd.s32 $0x40, s18  }
.Ltmp1:
0x18: {  	(pc) =	sbr.rel @p0 .LBB2_4-.Ltmp1, $2  }
0x19: {  	_ =	sdelay $0x2  }
0x1a: {  	s19 =	sshra.s32 s19, $0x2  }
0x1b: {  	[tilespmem:s19+$0x5280] =	vst v1;
	s18 =	simm.s32 $0x0  }
0x1c: {  	[tilespmem:s18], [sflag:$0x1] =	stream.linear.gather [hbm4b:s5+s18], $0x140, $0x38;
	[tilespmem:$0x5700] =	vst v63  }
0x1d: {  	_ =	swait.ge [sflag:s10], $0x140  }
0x1e: {  	[sflag:s10] =	ssyncset.done $0x0  }
0x1f: {  	s19 =	simm.s32 $0x0;
	s20 =	simm.s32 $0x0;
	[sflag:s10] =	ssyncadd.s32 $0xFFFFFEC0  }
.LBB2_6:
0x20: {  	s21 =	sshll.u32 s20, $0x5  }
0x21: {  	s21 =	sadd.s32 s3, s21  }
0x22: {  	s22 =	sadd.s32 $0x0, s19;
	s21 =	sshll.u32 s21, $0x4  }
0x23: {  	v10 =	vmov s22;
	s21 =	sadd.s32 s4, s21  }
0x24: {  	[tilespmem:s11], [sflag:$0x1] =	stream.linear.gather [hbm4b:s21+s18], $0x1000, $0x38;
	[tilespmem:$0x5700] =	vst v63  }
0x25: {  	_ =	swait.ge [sflag:s10], $0x1000  }
0x26: {  	[sflag:s10] =	ssyncset.done $0x0  }
0x27: {  	[sflag:s10] =	ssyncadd.s32 $0xFFFFF000  }
0x28: {  	v10 =	vld.idx.msk [tilespmem:v10+s2+$0x0], $0xffff;
	_ =	sdelay $0x4  }
0x29: {  	v10 =	vtrunc.f32 v10  }
0x2a: {  	v10 =	vcvt.f32.s32 v10;
	_ =	sdelay $0x1  }
0x2b: {  	v11 =	vshll.u32 v10, $0x4  }
0x2c: {  	v11 =	vor.u32 v0, v11;
	_ =	sdelay $0x4  }
0x2d: {  	v12 =	vld.idx.msk [tilespmem:v11+s12+$0x0], $0xffff;
	_ =	sdelay $0x1  }
0x2e: {  	v10 =	vshll.u32 v10, $0x7  }
0x2f: {  	v13 =	vor.u32 v0, v10;
	_ =	sdelay $0x1  }
0x30: {  	v12 =	vadd.f32 $1.000000000e+00, v12;
	_ =	sdelay $0x1  }
0x31: {  	[tilespmem:v11+s12+$0x0] =	vst.idx.msk $0xffff, v12  }
0x32: {  	s21 =	simm.s32 $0x1C0;
	v11 =	vld.idx.msk [tilespmem:v13+s13+$0x0], $0xffff  }
0x33: {  	v12 =	vld [tilespmem:s21+$0xFFFFFFC0];
	_ =	sdelay $0x4  }
0x34: {  	v11 =	vadd.f32 v11, v12;
	_ =	sdelay $0x1  }
0x35: {  	[tilespmem:v13+s13+$0x0] =	vst.idx.msk $0xffff, v11  }
0x36: {  	v11 =	vld.idx.msk [tilespmem:v13+s14+$0x0], $0xffff;
	_ =	sdelay $0x1  }
0x37: {  	v14 =	vor.u32 v3, v10;
	_ =	sdelay $0x2  }
0x38: {  	v11 =	vmax.f32 v11, v12  }
0x39: {  	[tilespmem:v13+s14+$0x0] =	vst.idx.msk $0xffff, v11  }
0x3a: {  	v11 =	vld.idx.msk [tilespmem:v14+s13+$0x0], $0xffff  }
0x3b: {  	v12 =	vld [tilespmem:s21+$0xFFFFFFD0];
	_ =	sdelay $0x4  }
0x3c: {  	v11 =	vadd.f32 v11, v12;
	_ =	sdelay $0x1  }
0x3d: {  	[tilespmem:v14+s13+$0x0] =	vst.idx.msk $0xffff, v11  }
0x3e: {  	v11 =	vld.idx.msk [tilespmem:v14+s14+$0x0], $0xffff;
	_ =	sdelay $0x1  }
0x3f: {  	v13 =	vor.u32 v4, v10;
	_ =	sdelay $0x2  }
0x40: {  	v11 =	vmax.f32 v11, v12  }
0x41: {  	[tilespmem:v14+s14+$0x0] =	vst.idx.msk $0xffff, v11  }
0x42: {  	v11 =	vld.idx.msk [tilespmem:v13+s13+$0x0], $0xffff  }
0x43: {  	v12 =	vld [tilespmem:s21+$0xFFFFFFE0];
	_ =	sdelay $0x4  }
0x44: {  	v11 =	vadd.f32 v11, v12;
	_ =	sdelay $0x1  }
0x45: {  	[tilespmem:v13+s13+$0x0] =	vst.idx.msk $0xffff, v11  }
0x46: {  	v11 =	vld.idx.msk [tilespmem:v13+s14+$0x0], $0xffff;
	_ =	sdelay $0x1  }
0x47: {  	v14 =	vor.u32 v5, v10;
	_ =	sdelay $0x2  }
0x48: {  	v11 =	vmax.f32 v11, v12  }
0x49: {  	[tilespmem:v13+s14+$0x0] =	vst.idx.msk $0xffff, v11  }
0x4a: {  	v11 =	vld.idx.msk [tilespmem:v14+s13+$0x0], $0xffff  }
0x4b: {  	v12 =	vld [tilespmem:s21+$0xFFFFFFF0];
	_ =	sdelay $0x4  }
0x4c: {  	v11 =	vadd.f32 v11, v12;
	_ =	sdelay $0x1  }
0x4d: {  	[tilespmem:v14+s13+$0x0] =	vst.idx.msk $0xffff, v11  }
0x4e: {  	v11 =	vld.idx.msk [tilespmem:v14+s14+$0x0], $0xffff;
	_ =	sdelay $0x1  }
0x4f: {  	v13 =	vor.u32 v6, v10;
	_ =	sdelay $0x2  }
0x50: {  	v11 =	vmax.f32 v11, v12  }
0x51: {  	[tilespmem:v14+s14+$0x0] =	vst.idx.msk $0xffff, v11  }
0x52: {  	v11 =	vld.idx.msk [tilespmem:v13+s13+$0x0], $0xffff  }
0x53: {  	v12 =	vld [tilespmem:s21+$0x0];
	_ =	sdelay $0x4  }
0x54: {  	v11 =	vadd.f32 v11, v12;
	_ =	sdelay $0x1  }
0x55: {  	[tilespmem:v13+s13+$0x0] =	vst.idx.msk $0xffff, v11  }
0x56: {  	v11 =	vld.idx.msk [tilespmem:v13+s14+$0x0], $0xffff;
	_ =	sdelay $0x1  }
0x57: {  	v14 =	vor.u32 v7, v10;
	_ =	sdelay $0x2  }
0x58: {  	v11 =	vmax.f32 v11, v12  }
0x59: {  	[tilespmem:v13+s14+$0x0] =	vst.idx.msk $0xffff, v11  }
0x5a: {  	v11 =	vld.idx.msk [tilespmem:v14+s13+$0x0], $0xffff  }
0x5b: {  	v12 =	vld [tilespmem:s21+$0x10];
	_ =	sdelay $0x4  }
0x5c: {  	v11 =	vadd.f32 v11, v12;
	_ =	sdelay $0x1  }
0x5d: {  	[tilespmem:v14+s13+$0x0] =	vst.idx.msk $0xffff, v11  }
0x5e: {  	v11 =	vld.idx.msk [tilespmem:v14+s14+$0x0], $0xffff;
	_ =	sdelay $0x1  }
0x5f: {  	v13 =	vor.u32 v8, v10;
	_ =	sdelay $0x2  }
0x60: {  	v11 =	vmax.f32 v11, v12  }
0x61: {  	[tilespmem:v14+s14+$0x0] =	vst.idx.msk $0xffff, v11  }
0x62: {  	v11 =	vld.idx.msk [tilespmem:v13+s13+$0x0], $0xffff  }
0x63: {  	v12 =	vld [tilespmem:s21+$0x20];
	_ =	sdelay $0x4  }
0x64: {  	v11 =	vadd.f32 v11, v12;
	_ =	sdelay $0x1  }
0x65: {  	[tilespmem:v13+s13+$0x0] =	vst.idx.msk $0xffff, v11  }
0x66: {  	v11 =	vld.idx.msk [tilespmem:v13+s14+$0x0], $0xffff;
	_ =	sdelay $0x1  }
0x67: {  	v10 =	vor.u32 v9, v10;
	_ =	sdelay $0x2  }
0x68: {  	v11 =	vmax.f32 v11, v12  }
0x69: {  	[tilespmem:v13+s14+$0x0] =	vst.idx.msk $0xffff, v11  }
0x6a: {  	v11 =	vld.idx.msk [tilespmem:v10+s13+$0x0], $0xffff  }
0x6b: {  	v12 =	vld [tilespmem:s21+$0x30];
	_ =	sdelay $0x4  }
0x6c: {  	v11 =	vadd.f32 v11, v12;
	_ =	sdelay $0x1  }
0x6d: {  	[tilespmem:v10+s13+$0x0] =	vst.idx.msk $0xffff, v11  }
0x6e: {  	v13 =	vld.idx.msk [tilespmem:v10+s14+$0x0], $0xffff;
	_ =	sdelay $0x1  }
0x6f: {  	s23 =	sadd.s32 $0x1, s19  }
0x70: {  	v11 =	vmov s23;
	_ =	sdelay $0x1  }
0x71: {  	s22 =	simm.s32 $0x2;
	v12 =	vmax.f32 v13, v12  }
.LBB2_7:
0x72: {  	p0 =	sne.s32 s22, $0x1F  }
0x73: {  	[tilespmem:v10+s14+$0x0] =	vst.idx.msk $0xffff, v12;
	s21 =	sadd.s32 $0x80, s21;
	s23 =	smov.u32 s22;
	s22 =	sadd.s32 $0x1, s22  }
0x74: {  	v10 =	vld.idx.msk [tilespmem:v11+s2+$0x0], $0xffff;
	_ =	sdelay $0x5  }
0x75: {  	v10 =	vtrunc.f32 v10  }
0x76: {  	v10 =	vcvt.f32.s32 v10;
	_ =	sdelay $0x1  }
0x77: {  	v11 =	vshll.u32 v10, $0x4;
	v10 =	vshll.u32 v10, $0x7  }
0x78: {  	v11 =	vor.u32 v0, v11;
	_ =	sdelay $0x4  }
0x79: {  	v12 =	vld.idx.msk [tilespmem:v11+s12+$0x0], $0xffff;
	_ =	sdelay $0x3  }
0x7a: {  	v13 =	vor.u32 v0, v10;
	_ =	sdelay $0x1  }
0x7b: {  	v12 =	vadd.f32 $1.000000000e+00, v12;
	_ =	sdelay $0x1  }
0x7c: {  	[tilespmem:v11+s12+$0x0] =	vst.idx.msk $0xffff, v12  }
0x7d: {  	v11 =	vld.idx.msk [tilespmem:v13+s13+$0x0], $0xffff  }
0x7e: {  	v12 =	vld [tilespmem:s21+$0xFFFFFFC0];
	_ =	sdelay $0x4  }
0x7f: {  	v11 =	vadd.f32 v11, v12;
	_ =	sdelay $0x1  }
0x80: {  	[tilespmem:v13+s13+$0x0] =	vst.idx.msk $0xffff, v11  }
0x81: {  	v11 =	vld.idx.msk [tilespmem:v13+s14+$0x0], $0xffff;
	_ =	sdelay $0x2  }
0x82: {  	v14 =	vor.u32 v3, v10;
	_ =	sdelay $0x2  }
0x83: {  	v11 =	vmax.f32 v11, v12  }
0x84: {  	[tilespmem:v13+s14+$0x0] =	vst.idx.msk $0xffff, v11  }
0x85: {  	v11 =	vld.idx.msk [tilespmem:v14+s13+$0x0], $0xffff  }
0x86: {  	v12 =	vld [tilespmem:s21+$0xFFFFFFD0];
	_ =	sdelay $0x4  }
0x87: {  	v11 =	vadd.f32 v11, v12;
	_ =	sdelay $0x1  }
0x88: {  	[tilespmem:v14+s13+$0x0] =	vst.idx.msk $0xffff, v11  }
0x89: {  	v11 =	vld.idx.msk [tilespmem:v14+s14+$0x0], $0xffff;
	_ =	sdelay $0x2  }
0x8a: {  	v13 =	vor.u32 v4, v10;
	_ =	sdelay $0x2  }
0x8b: {  	v11 =	vmax.f32 v11, v12  }
0x8c: {  	[tilespmem:v14+s14+$0x0] =	vst.idx.msk $0xffff, v11  }
0x8d: {  	v11 =	vld.idx.msk [tilespmem:v13+s13+$0x0], $0xffff  }
0x8e: {  	v12 =	vld [tilespmem:s21+$0xFFFFFFE0];
	_ =	sdelay $0x4  }
0x8f: {  	v11 =	vadd.f32 v11, v12;
	_ =	sdelay $0x1  }
0x90: {  	[tilespmem:v13+s13+$0x0] =	vst.idx.msk $0xffff, v11  }
0x91: {  	v11 =	vld.idx.msk [tilespmem:v13+s14+$0x0], $0xffff;
	_ =	sdelay $0x2  }
0x92: {  	v14 =	vor.u32 v5, v10;
	_ =	sdelay $0x2  }
0x93: {  	v11 =	vmax.f32 v11, v12  }
0x94: {  	[tilespmem:v13+s14+$0x0] =	vst.idx.msk $0xffff, v11  }
0x95: {  	v11 =	vld.idx.msk [tilespmem:v14+s13+$0x0], $0xffff  }
0x96: {  	v12 =	vld [tilespmem:s21+$0xFFFFFFF0];
	_ =	sdelay $0x4  }
0x97: {  	v11 =	vadd.f32 v11, v12;
	_ =	sdelay $0x1  }
0x98: {  	[tilespmem:v14+s13+$0x0] =	vst.idx.msk $0xffff, v11  }
0x99: {  	v11 =	vld.idx.msk [tilespmem:v14+s14+$0x0], $0xffff;
	_ =	sdelay $0x2  }
0x9a: {  	v13 =	vor.u32 v6, v10;
	_ =	sdelay $0x2  }
0x9b: {  	v11 =	vmax.f32 v11, v12  }
0x9c: {  	[tilespmem:v14+s14+$0x0] =	vst.idx.msk $0xffff, v11  }
0x9d: {  	v11 =	vld.idx.msk [tilespmem:v13+s13+$0x0], $0xffff  }
0x9e: {  	v12 =	vld [tilespmem:s21+$0x0];
	_ =	sdelay $0x4  }
0x9f: {  	v11 =	vadd.f32 v11, v12;
	_ =	sdelay $0x1  }
0xa0: {  	[tilespmem:v13+s13+$0x0] =	vst.idx.msk $0xffff, v11  }
0xa1: {  	v11 =	vld.idx.msk [tilespmem:v13+s14+$0x0], $0xffff;
	_ =	sdelay $0x2  }
0xa2: {  	v14 =	vor.u32 v7, v10;
	_ =	sdelay $0x2  }
0xa3: {  	v11 =	vmax.f32 v11, v12  }
0xa4: {  	[tilespmem:v13+s14+$0x0] =	vst.idx.msk $0xffff, v11  }
0xa5: {  	v11 =	vld.idx.msk [tilespmem:v14+s13+$0x0], $0xffff  }
0xa6: {  	v12 =	vld [tilespmem:s21+$0x10];
	_ =	sdelay $0x4  }
0xa7: {  	v11 =	vadd.f32 v11, v12;
	_ =	sdelay $0x1  }
0xa8: {  	[tilespmem:v14+s13+$0x0] =	vst.idx.msk $0xffff, v11  }
0xa9: {  	v11 =	vld.idx.msk [tilespmem:v14+s14+$0x0], $0xffff;
	_ =	sdelay $0x2  }
0xaa: {  	v13 =	vor.u32 v8, v10;
	_ =	sdelay $0x2  }
0xab: {  	v11 =	vmax.f32 v11, v12  }
0xac: {  	[tilespmem:v14+s14+$0x0] =	vst.idx.msk $0xffff, v11  }
0xad: {  	v11 =	vld.idx.msk [tilespmem:v13+s13+$0x0], $0xffff  }
0xae: {  	v12 =	vld [tilespmem:s21+$0x20];
	_ =	sdelay $0x4  }
0xaf: {  	v11 =	vadd.f32 v11, v12;
	_ =	sdelay $0x1  }
0xb0: {  	[tilespmem:v13+s13+$0x0] =	vst.idx.msk $0xffff, v11  }
0xb1: {  	v11 =	vld.idx.msk [tilespmem:v13+s14+$0x0], $0xffff;
	_ =	sdelay $0x2  }
0xb2: {  	v10 =	vor.u32 v9, v10;
	_ =	sdelay $0x2  }
0xb3: {  	v11 =	vmax.f32 v11, v12  }
0xb4: {  	[tilespmem:v13+s14+$0x0] =	vst.idx.msk $0xffff, v11  }
0xb5: {  	v11 =	vld.idx.msk [tilespmem:v10+s13+$0x0], $0xffff  }
0xb6: {  	v12 =	vld [tilespmem:s21+$0x30];
	_ =	sdelay $0x4  }
0xb7: {  	v11 =	vadd.f32 v11, v12;
	_ =	sdelay $0x1  }
0xb8: {  	[tilespmem:v10+s13+$0x0] =	vst.idx.msk $0xffff, v11  }
0xb9: {  	v13 =	vld.idx.msk [tilespmem:v10+s14+$0x0], $0xffff;
	_ =	sdelay $0x1  }
.Ltmp2:
0xba: {  	s23 =	sadd.s32 s23, s19;
	(pc) =	sbr.rel @p0 .LBB2_7-.Ltmp2, $2  }
0xbb: {  	v11 =	vmov s23;
	_ =	sdelay $0x2  }
0xbc: {  	v12 =	vmax.f32 v13, v12  }
0xbd: {  	_ =	sdelay $0x3  }
0xbe: {  	[tilespmem:v10+s14+$0x0] =	vst.idx.msk $0xffff, v12  }
0xbf: {  	v10 =	vld.idx.msk [tilespmem:v11+s2+$0x0], $0xffff;
	_ =	sdelay $0x4  }
0xc0: {  	v10 =	vtrunc.f32 v10  }
0xc1: {  	v10 =	vcvt.f32.s32 v10;
	_ =	sdelay $0x1  }
0xc2: {  	v11 =	vshll.u32 v10, $0x4  }
0xc3: {  	v11 =	vor.u32 v0, v11;
	_ =	sdelay $0x4  }
0xc4: {  	v12 =	vld.idx.msk [tilespmem:v11+s12+$0x0], $0xffff;
	_ =	sdelay $0x1  }
0xc5: {  	v10 =	vshll.u32 v10, $0x7  }
0xc6: {  	v13 =	vor.u32 v0, v10;
	_ =	sdelay $0x1  }
0xc7: {  	v12 =	vadd.f32 $1.000000000e+00, v12;
	_ =	sdelay $0x1  }
0xc8: {  	[tilespmem:v11+s12+$0x0] =	vst.idx.msk $0xffff, v12  }
0xc9: {  	s21 =	sadd.s32 $0x80, s21;
	v11 =	vld.idx.msk [tilespmem:v13+s13+$0x0], $0xffff  }
0xca: {  	v12 =	vld [tilespmem:s21+$0xFFFFFFC0];
	_ =	sdelay $0x4  }
0xcb: {  	v11 =	vadd.f32 v11, v12;
	_ =	sdelay $0x1  }
0xcc: {  	[tilespmem:v13+s13+$0x0] =	vst.idx.msk $0xffff, v11  }
0xcd: {  	v11 =	vld.idx.msk [tilespmem:v13+s14+$0x0], $0xffff;
	_ =	sdelay $0x1  }
0xce: {  	v14 =	vor.u32 v3, v10;
	_ =	sdelay $0x2  }
0xcf: {  	v11 =	vmax.f32 v11, v12  }
0xd0: {  	[tilespmem:v13+s14+$0x0] =	vst.idx.msk $0xffff, v11  }
0xd1: {  	v11 =	vld.idx.msk [tilespmem:v14+s13+$0x0], $0xffff  }
0xd2: {  	v52 =	vld [tilespmem:s21+$0xFFFFFFD0];
	_ =	sdelay $0x4  }
0xd3: {  	v11 =	vadd.f32 v11, v52;
	_ =	sdelay $0x1  }
0xd4: {  	[tilespmem:v14+s13+$0x0] =	vst.idx.msk $0xffff, v11  }
0xd5: {  	v11 =	vld.idx.msk [tilespmem:v14+s14+$0x0], $0xffff;
	_ =	sdelay $0x1  }
0xd6: {  	v53 =	vor.u32 v4, v10;
	_ =	sdelay $0x2  }
0xd7: {  	v11 =	vmax.f32 v11, v52  }
0xd8: {  	[tilespmem:v14+s14+$0x0] =	vst.idx.msk $0xffff, v11  }
0xd9: {  	v11 =	vld.idx.msk [tilespmem:v53+s13+$0x0], $0xffff  }
0xda: {  	v54 =	vld [tilespmem:s21+$0xFFFFFFE0];
	_ =	sdelay $0x4  }
0xdb: {  	v11 =	vadd.f32 v11, v54;
	_ =	sdelay $0x1  }
0xdc: {  	[tilespmem:v53+s13+$0x0] =	vst.idx.msk $0xffff, v11  }
0xdd: {  	v11 =	vld.idx.msk [tilespmem:v53+s14+$0x0], $0xffff;
	_ =	sdelay $0x1  }
0xde: {  	v55 =	vor.u32 v5, v10;
	_ =	sdelay $0x2  }
0xdf: {  	v11 =	vmax.f32 v11, v54  }
0xe0: {  	[tilespmem:v53+s14+$0x0] =	vst.idx.msk $0xffff, v11  }
0xe1: {  	v11 =	vld.idx.msk [tilespmem:v55+s13+$0x0], $0xffff  }
0xe2: {  	v56 =	vld [tilespmem:s21+$0xFFFFFFF0];
	_ =	sdelay $0x4  }
0xe3: {  	v11 =	vadd.f32 v11, v56;
	_ =	sdelay $0x1  }
0xe4: {  	[tilespmem:v55+s13+$0x0] =	vst.idx.msk $0xffff, v11  }
0xe5: {  	v11 =	vld.idx.msk [tilespmem:v55+s14+$0x0], $0xffff;
	_ =	sdelay $0x1  }
0xe6: {  	v57 =	vor.u32 v6, v10;
	_ =	sdelay $0x2  }
0xe7: {  	v11 =	vmax.f32 v11, v56  }
0xe8: {  	[tilespmem:v55+s14+$0x0] =	vst.idx.msk $0xffff, v11  }
0xe9: {  	v11 =	vld.idx.msk [tilespmem:v57+s13+$0x0], $0xffff  }
0xea: {  	v58 =	vld [tilespmem:s21+$0x0];
	_ =	sdelay $0x4  }
0xeb: {  	v11 =	vadd.f32 v11, v58;
	_ =	sdelay $0x1  }
0xec: {  	[tilespmem:v57+s13+$0x0] =	vst.idx.msk $0xffff, v11  }
0xed: {  	v11 =	vld.idx.msk [tilespmem:v57+s14+$0x0], $0xffff;
	_ =	sdelay $0x1  }
0xee: {  	v59 =	vor.u32 v7, v10;
	_ =	sdelay $0x2  }
0xef: {  	v11 =	vmax.f32 v11, v58  }
0xf0: {  	[tilespmem:v57+s14+$0x0] =	vst.idx.msk $0xffff, v11  }
0xf1: {  	v11 =	vld.idx.msk [tilespmem:v59+s13+$0x0], $0xffff  }
0xf2: {  	v60 =	vld [tilespmem:s21+$0x10];
	_ =	sdelay $0x4  }
0xf3: {  	v11 =	vadd.f32 v11, v60;
	_ =	sdelay $0x1  }
0xf4: {  	[tilespmem:v59+s13+$0x0] =	vst.idx.msk $0xffff, v11  }
0xf5: {  	v11 =	vld.idx.msk [tilespmem:v59+s14+$0x0], $0xffff;
	_ =	sdelay $0x1  }
0xf6: {  	v61 =	vor.u32 v8, v10;
	_ =	sdelay $0x2  }
0xf7: {  	v11 =	vmax.f32 v11, v60  }
0xf8: {  	[tilespmem:v59+s14+$0x0] =	vst.idx.msk $0xffff, v11  }
0xf9: {  	v11 =	vld.idx.msk [tilespmem:v61+s13+$0x0], $0xffff  }
0xfa: {  	v62 =	vld [tilespmem:s21+$0x20];
	_ =	sdelay $0x4  }
0xfb: {  	v11 =	vadd.f32 v11, v62;
	_ =	sdelay $0x1  }
0xfc: {  	[tilespmem:v61+s13+$0x0] =	vst.idx.msk $0xffff, v11  }
0xfd: {  	v11 =	vld.idx.msk [tilespmem:v61+s14+$0x0], $0xffff;
	_ =	sdelay $0x1  }
0xfe: {  	v10 =	vor.u32 v9, v10;
	_ =	sdelay $0x2  }
0xff: {  	v11 =	vmax.f32 v11, v62  }
0x100: {  	[tilespmem:v61+s14+$0x0] =	vst.idx.msk $0xffff, v11  }
0x101: {  	v11 =	vld.idx.msk [tilespmem:v10+s13+$0x0], $0xffff  }
0x102: {  	v63 =	vld [tilespmem:s21+$0x30];
	_ =	sdelay $0x4  }
0x103: {  	v11 =	vadd.f32 v11, v63;
	_ =	sdelay $0x1  }
0x104: {  	[tilespmem:v10+s13+$0x0] =	vst.idx.msk $0xffff, v11  }
0x105: {  	s20 =	sadd.s32 $0x1, s20;
	v11 =	vld.idx.msk [tilespmem:v10+s14+$0x0], $0xffff  }
0x106: {  	p0 =	sne.s32 s20, $0xA  }
.Ltmp3:
0x107: {  	_ = 	snop;
	(pc) =	sbr.rel @p0 .LBB2_6-.Ltmp3, $3  }
0x108: {  	_ =	sdelay $0x1  }
0x109: {  	v11 =	vmax.f32 v11, v63  }
0x10a: {  	s19 =	sadd.s32 $0x20, s19;
	[tilespmem:v10+s14+$0x0] =	vst.idx.msk $0xffff, v11  }
0x10b: {  	[hbm4b:s6+s15] =	stream.strided.scatter [tilespmem:s13], [sflag:$0x1], $0x2080, s16, s15, $0x38;
	[tilespmem:$0x5700] =	vst v63  }
0x10c: {  	_ =	swait.ge [sflag:s10], $0x2080  }
0x10d: {  	[sflag:s10] =	ssyncset.done $0x0  }
0x10e: {  	[sflag:s10] =	ssyncadd.s32 $0xFFFFDF80  }
0x10f: {  	[hbm4b:s7+s15] =	stream.strided.scatter [tilespmem:s14], [sflag:$0x1], $0x2080, s16, s15, $0x38;
	[tilespmem:$0x5700] =	vst v63  }
0x110: {  	s17 =	sadd.s32 $0x1, s17;
	_ =	swait.ge [sflag:s10], $0x2080  }
0x111: {  	p0 =	sne.s32 s17, s9;
	[sflag:s10] =	ssyncset.done $0x0  }
.Ltmp4:
0x112: {  	[sflag:s10] =	ssyncadd.s32 $0xFFFFDF80;
	(pc) =	sbr.rel @p0 .LBB2_1-.Ltmp4, $4  }
0x113: {  	[hbm4b:s8+s15] =	stream.strided.scatter [tilespmem:s12], [sflag:$0x1], $0x480, s16, s15, $0x38;
	[tilespmem:$0x5700] =	vst v63  }
0x114: {  	_ =	swait.ge [sflag:s10], $0x480  }
0x115: {  	[sflag:s10] =	ssyncset.done $0x0  }
0x116: {  	[sflag:s10] =	ssyncadd.s32 $0xFFFFFB80  }
0x117: {  	_ =	sfence.sel $0x180000  }
0x118: {  	[bflag:$0x0] =	sbarrier.arrive $0xFFFF  }
0x119: {  	p0 =	sne.s32 s0, $0x0;
	_ =	strace $0x90000053  }
0x11a: {  	s0 =	sadd.s32 @!p0 $0x100000, s1;
	[bflag:$0x2] =	sbarrier.arrive $0xFFFF  }
0x11b: {  	[sflag:s0] =	ssyncadd.tile.s32 @!p0 $0x1;
	_ =	shalt  }
.Lfunc_end2:
_tile_overlayer_lowered:
.L_overlay_start_2:
0x11c: {  	(tag) =	ssettag $0x2  }
0x11d: {  	s0 =	rddreg [dreg:$0x0];
	s2 =	stileid.u32  }
0x11e: {  	s1 =	rddreg [dreg:$0x1];
	p0 =	sne.s32 s2, $0x0  }
0x11f: {  	s3 =	rddreg [dreg:$0x2];
	[bflag:$0x3] =	sbarrier.arrive $0xFFFF;
	s2 =	simm.s32 @!p0 $0x1C01  }
0x120: {  	[timem:s3], [sflag:s2] =	dma.local @!p0 [hbm:s0], s1  }
0x121: {  	s0 =	simm.s32 @!p0 $0x1  }
0x122: {  	_ =	swait.ge @!p0 [sflag:s0], s1  }
0x123: {  	s1 =	ssub.s32 @!p0 $0x0, s1;
	[sflag:s0] =	ssyncset.done @!p0 $0x0  }
0x124: {  	[sflag:s0] =	ssyncadd.s32 @!p0 s1  }
0x125: {  	[bflag:$0x3] =	sbarrier.arrive $0xFFFF  }
0x126: {  	_ =	shalt  }

</sc_bundles>
